<compile_context>
chip_gen: v7x
topology: tpu7x:2x2x1
jax: 0.10.2.dev20260603
libtpu: 0.0.44.dev20260713+nightly
codegen_flags: <defaults>
</compile_context>

<pallas_src>
import dataclasses
import functools

import jax
import jax.numpy as jnp
from jax import lax
from jax.experimental import pallas as pl
from jax.experimental.pallas import tpu as pltpu
from jax.experimental.pallas import tpu_sc as plsc

N = 10000
E = 320000
D = 128

NC = 2
NS = 16
NW = NC * NS
CHUNK = 128
NCH = 80
EPW = NCH * CHUNK
EPAD = NW * EPW
NPAD = 10240
RPS = NPAD // NS

_mesh = plsc.VectorSubcoreMesh(core_axis_name="c", subcore_axis_name="s")

_cp_no_layout = pltpu.CompilerParams()
if "needs_layout_passes" in pltpu.CompilerParams.__dataclass_fields__:
    _cp_no_layout = dataclasses.replace(_cp_no_layout, needs_layout_passes=False)



def _shift_up(x, d, iota, sentinel):
    g = jax.lax.gather(
        x, jnp.maximum(iota - d, 0).reshape(16, 1),
        jax.lax.GatherDimensionNumbers(offset_dims=(), collapsed_slice_dims=(0,),
                                       start_index_map=(0,)),
        (1,), mode=jax.lax.GatherScatterMode.PROMISE_IN_BOUNDS)
    return jnp.where(iota >= d, g, sentinel)


@functools.partial(
    pl.kernel,
    out_type=jax.ShapeDtypeStruct((NC, NPAD), jnp.float32),
    mesh=_mesh,
    scratch_types=[
        pltpu.VMEM((NCH, CHUNK), jnp.int32),
        pltpu.VMEM((NPAD,), jnp.float32),
        pltpu.VMEM((NS, RPS), jnp.float32),
        pltpu.VMEM((RPS,), jnp.float32),
        pltpu.VMEM_SHARED((NS, NPAD), jnp.float32),
        pltpu.SemaphoreType.DMA,
    ],
    compiler_params=_cp_no_layout,
)
def _sc_degree(dst_hbm, out_hbm, dst_v, hist_v, blk_v, res_v, hist_sh, sem):
    cid = lax.axis_index("c")
    sid = lax.axis_index("s")
    wid = cid * NS + sid

    pltpu.async_copy(dst_hbm.at[wid], dst_v, sem)

    @pl.loop(0, NPAD, step=16)
    def _(i):
        hist_v[pl.ds(i, 16)] = jnp.zeros((16,), jnp.float32)

    pltpu.make_async_copy(dst_hbm.at[wid], dst_v, sem).wait()

    iota = lax.iota(jnp.int32, 16)
    ones = jnp.full((16,), 1.0, jnp.float32)

    @pl.loop(0, NCH)
    def _(j):
        @pl.loop(0, CHUNK, step=16)
        def _(k):
            idx = dst_v[j, pl.ds(k, 16)]
            sk, sv = plsc.sort_key_val(idx, ones)
            for dd in (1, 2, 4, 8):
                pk = _shift_up(sk, dd, iota, -1)
                pv = _shift_up(sv, dd, iota, 0.0)
                sv = sv + jnp.where(sk == pk, pv, 0.0)
            nk = jax.lax.gather(
                sk, jnp.minimum(iota + 1, 15).reshape(16, 1),
                jax.lax.GatherDimensionNumbers(
                    offset_dims=(), collapsed_slice_dims=(0,),
                    start_index_map=(0,)),
                (1,), mode=jax.lax.GatherScatterMode.PROMISE_IN_BOUNDS)
            last = jnp.where(iota == 15, jnp.int32(-2), nk) != sk
            plsc.addupdate_scatter(hist_v, [sk], sv, mask=last)

    pltpu.sync_copy(hist_v, hist_sh.at[sid])
    plsc.subcore_barrier()
    pltpu.sync_copy(hist_sh.at[:, pl.ds(sid * RPS, RPS)], blk_v)

    @pl.loop(0, RPS, step=16)
    def _(k):
        s = jnp.zeros((16,), jnp.float32)
        for h in range(NS):
            s = s + blk_v[h, pl.ds(k, 16)]
        res_v[pl.ds(k, 16)] = s

    pltpu.sync_copy(res_v, out_hbm.at[cid, pl.ds(sid * RPS, RPS)])


@functools.partial(
    pl.kernel,
    out_type=jax.ShapeDtypeStruct((NC, NPAD, D), jnp.float32),
    mesh=_mesh,
    scratch_types=[
        pltpu.VMEM((NCH // 2, CHUNK), jnp.int32),
        pltpu.VMEM((NCH // 2, CHUNK), jnp.int32),
        pltpu.VMEM((CHUNK, D), jnp.float32),
        pltpu.VMEM((CHUNK, D), jnp.float32),
        pltpu.VMEM_SHARED((NPAD, D), jnp.float32),
        pltpu.SemaphoreType.DMA,
        pltpu.SemaphoreType.DMA,
        pltpu.SemaphoreType.DMA,
    ],
)
def _sc_spmm(g_hbm, src_hbm, dst_hbm, out_hbm, src_v, dst_v, rows_a, rows_b,
             acc_sh, sem_a, sem_b, sem_i):
    cid = lax.axis_index("c")
    sid = lax.axis_index("s")
    wid = cid * NS + sid
    nchh = NCH // 2

    pltpu.async_copy(src_hbm.at[wid, pl.ds(0, nchh)], src_v, sem_i)
    pltpu.async_copy(dst_hbm.at[wid, pl.ds(0, nchh)], dst_v, sem_b)

    @pl.loop(0, CHUNK)
    def _(i):
        @pl.loop(0, D, step=16)
        def _(k):
            rows_a[i, pl.ds(k, 16)] = jnp.zeros((16,), jnp.float32)

    @pl.loop(0, RPS, step=CHUNK)
    def _(r):
        pltpu.async_copy(rows_a, acc_sh.at[pl.ds(sid * RPS + r, CHUNK)], sem_a)

    @pl.loop(0, RPS, step=CHUNK)
    def _(r):
        pltpu.make_async_copy(rows_a,
                              acc_sh.at[pl.ds(sid * RPS + r, CHUNK)],
                              sem_a).wait()

    pltpu.make_async_copy(src_hbm.at[wid, pl.ds(0, nchh)], src_v, sem_i).wait()
    pltpu.make_async_copy(dst_hbm.at[wid, pl.ds(0, nchh)], dst_v, sem_b).wait()
    plsc.subcore_barrier()

    for half in range(2):
        if half:
            pltpu.async_copy(src_hbm.at[wid, pl.ds(half * nchh, nchh)],
                             src_v, sem_i).wait()
            pltpu.async_copy(dst_hbm.at[wid, pl.ds(half * nchh, nchh)],
                             dst_v, sem_i).wait()
        pltpu.async_copy(g_hbm.at[src_v.at[0]], rows_a, sem_a)

        @pl.loop(0, nchh, step=2)
        def _(j):
            pltpu.make_async_copy(g_hbm.at[src_v.at[j]], rows_a, sem_a).wait()
            pltpu.async_copy(g_hbm.at[src_v.at[j + 1]], rows_b, sem_b)
            pltpu.sync_copy(rows_a, acc_sh.at[dst_v.at[j]], add=True)
            pltpu.make_async_copy(g_hbm.at[src_v.at[j + 1]], rows_b, sem_b).wait()

            @pl.when(j + 2 < nchh)
            def _():
                pltpu.async_copy(g_hbm.at[src_v.at[j + 2]], rows_a, sem_a)

            pltpu.sync_copy(rows_b, acc_sh.at[dst_v.at[j + 1]], add=True)

    plsc.subcore_barrier()
    pltpu.sync_copy(acc_sh.at[pl.ds(sid * RPS, RPS)],
                    out_hbm.at[cid, pl.ds(sid * RPS, RPS)])



BM = 1000


def _tc_matmul(x, W):
    def body(x_ref, w_ref, o_ref):
        o_ref[...] = jnp.dot(x_ref[...], w_ref[...],
                             preferred_element_type=jnp.float32)

    return pl.pallas_call(
        body,
        grid=(N // BM,),
        in_specs=[pl.BlockSpec((BM, D), lambda i: (i, 0)),
                  pl.BlockSpec((D, D), lambda i: (0, 0))],
        out_specs=pl.BlockSpec((BM, D), lambda i: (i, 0)),
        out_shape=jax.ShapeDtypeStruct((N, D), jnp.float32),
    )(x, W)


def _tc_scale(h1, d0, d1):
    def body(h_ref, d0_ref, d1_ref, g_ref, dinv_ref):
        dinv = lax.rsqrt(d0_ref[...] + d1_ref[...] + 1.0)
        dinv_ref[...] = dinv
        g_ref[...] = h_ref[...] * dinv

    return pl.pallas_call(
        body,
        grid=(N // BM,),
        in_specs=[pl.BlockSpec((BM, D), lambda i: (i, 0)),
                  pl.BlockSpec((BM, 1), lambda i: (i, 0)),
                  pl.BlockSpec((BM, 1), lambda i: (i, 0))],
        out_specs=[pl.BlockSpec((BM, D), lambda i: (i, 0)),
                   pl.BlockSpec((BM, 1), lambda i: (i, 0))],
        out_shape=[jax.ShapeDtypeStruct((N, D), jnp.float32),
                   jax.ShapeDtypeStruct((N, 1), jnp.float32)],
    )(h1, d0, d1)


def _tc_layer(p0, p1, g, dinv, b, W):
    def body(p0_ref, p1_ref, g_ref, dinv_ref, b_ref, w_ref, o_ref):
        y = (p0_ref[...] + p1_ref[...] + g_ref[...]) * dinv_ref[...] + b_ref[...]
        y = jnp.maximum(y, 0.0)
        o_ref[...] = jnp.dot(y, w_ref[...],
                             preferred_element_type=jnp.float32) * dinv_ref[...]

    return pl.pallas_call(
        body,
        grid=(N // BM,),
        in_specs=[pl.BlockSpec((BM, D), lambda i: (i, 0)),
                  pl.BlockSpec((BM, D), lambda i: (i, 0)),
                  pl.BlockSpec((BM, D), lambda i: (i, 0)),
                  pl.BlockSpec((BM, 1), lambda i: (i, 0)),
                  pl.BlockSpec((1, D), lambda i: (0, 0)),
                  pl.BlockSpec((D, D), lambda i: (0, 0))],
        out_specs=pl.BlockSpec((BM, D), lambda i: (i, 0)),
        out_shape=jax.ShapeDtypeStruct((N, D), jnp.float32),
    )(p0, p1, g, dinv, b, W)


def _tc_final(q0, q1, g, dinv, b2, Wl, bl):
    nb = N // BM

    def body(q0_ref, q1_ref, g_ref, dinv_ref, b2_ref, wl_ref, bl_ref, o_ref,
             acc_ref):
        i = pl.program_id(0)
        y = (q0_ref[...] + q1_ref[...] + g_ref[...]) * dinv_ref[...] + b2_ref[...]
        y = jnp.maximum(y, 0.0)
        s = jnp.sum(y, axis=0, keepdims=True)

        @pl.when(i == 0)
        def _():
            acc_ref[...] = s

        @pl.when(i > 0)
        def _():
            acc_ref[...] += s

        @pl.when(i == nb - 1)
        def _():
            m = acc_ref[...] * (1.0 / N)
            o_ref[...] = jnp.dot(m, wl_ref[...],
                                 preferred_element_type=jnp.float32) + bl_ref[...]

    return pl.pallas_call(
        body,
        grid=(nb,),
        in_specs=[pl.BlockSpec((BM, D), lambda i: (i, 0)),
                  pl.BlockSpec((BM, D), lambda i: (i, 0)),
                  pl.BlockSpec((BM, D), lambda i: (i, 0)),
                  pl.BlockSpec((BM, 1), lambda i: (i, 0)),
                  pl.BlockSpec((1, D), lambda i: (0, 0)),
                  pl.BlockSpec((D, D), lambda i: (0, 0)),
                  pl.BlockSpec((1, D), lambda i: (0, 0))],
        out_specs=pl.BlockSpec((1, D), lambda i: (0, 0)),
        out_shape=jax.ShapeDtypeStruct((1, D), jnp.float32),
        scratch_shapes=[pltpu.VMEM((1, D), jnp.float32)],
    )(q0, q1, g, dinv, b2, Wl, bl)



def kernel(x, edge_index, W1, b1, W2, b2, Wl, bl):
    src = edge_index[0]
    dst = edge_index[1]

    pad = EPAD - E
    pad_iota = lax.iota(jnp.int32, pad)
    src_p = jnp.concatenate([src, pad_iota % 128]).reshape(NW, NCH, CHUNK)
    dst_p = jnp.concatenate([dst, N + (pad_iota % (NPAD - N))]).reshape(NW, NCH, CHUNK)

    degp = _sc_degree(dst_p)
    h1 = _tc_matmul(x, W1)
    g1, dinv = _tc_scale(h1, degp[0, :N, None], degp[1, :N, None])
    p = _sc_spmm(g1, src_p, dst_p)
    g2 = _tc_layer(p[0, :N], p[1, :N], g1, dinv, b1.reshape(1, D), W2)
    q = _sc_spmm(g2, src_p, dst_p)
    out = _tc_final(q[0, :N], q[1, :N], g2, dinv, b2.reshape(1, D),
                    Wl, bl.reshape(1, D))
    return out[0]

# --- scband reference (transcript-rebuilt; emitter-appended) ---
"""Pipeline reference for scband-gcn-31284541784605 (READ-ONLY COPY).

The authoritative reference and input builder live on the scoring server;
editing this copy changes nothing except your own understanding.
"""

import jax, jax.numpy as jnp
import numpy as np

N = 10000
E = 320000
D = 128
H = 128
OUT = 128


def setup_inputs(seed: int = 0) -> dict:
    key = jax.random.key(seed)
    ks = jax.random.split(key, 9)
    x = jax.random.normal(ks[0], (N, D), dtype=jnp.float32)
    edge_index = jax.random.randint(ks[1], (2, E), 0, N, dtype=jnp.int32)
    W1 = jax.random.normal(ks[2], (D, H), dtype=jnp.float32) * 0.05
    b1 = jnp.zeros((H,), dtype=jnp.float32)
    W2 = jax.random.normal(ks[3], (H, H), dtype=jnp.float32) * 0.05
    b2 = jnp.zeros((H,), dtype=jnp.float32)
    Wl = jax.random.normal(ks[4], (H, OUT), dtype=jnp.float32) * 0.05
    bl = jnp.zeros((OUT,), dtype=jnp.float32)
    return {"x": x, "edge_index": edge_index, "W1": W1, "b1": b1, "W2": W2, "b2": b2, "Wl": Wl, "bl": bl}


def _gcn_conv(x, edge_index, W, b):
    # GCNConv: out = D^{-1/2} (A + I) D^{-1/2} X W + b
    src = edge_index[0]
    dst = edge_index[1]
    loop = jnp.arange(N, dtype=src.dtype)
    src = jnp.concatenate([src, loop])
    dst = jnp.concatenate([dst, loop])
    deg = jax.ops.segment_sum(jnp.ones_like(src, dtype=jnp.float32), dst, num_segments=N)
    dinv = jnp.where(deg > 0, jax.lax.rsqrt(deg), 0.0)
    norm = dinv[src] * dinv[dst]
    h = x @ W
    msg = h[src] * norm[:, None]
    out = jax.ops.segment_sum(msg, dst, num_segments=N)
    return out + b


def reference(x, edge_index, W1, b1, W2, b2, Wl, bl):
    h = jax.nn.relu(_gcn_conv(x, edge_index, W1, b1))
    h = jax.nn.relu(_gcn_conv(h, edge_index, W2, b2))
    h = jnp.mean(h, axis=0)
    return h @ Wl + bl

if __name__ == "__main__":
    import jax
    _d = setup_inputs()
    print(jax.jit(kernel)(*tuple(_d.values())))

</pallas_src>

<mosaic_0001>
#map = affine_map<(d0, d1) -> (0, 0)>
#map1 = affine_map<(d0, d1) -> (0, 0, 0)>
module attributes {stable_mosaic.version = 14 : i64} {
  func.func @_sc_spmm(%arg0: i32, %arg1: i32, %arg2: memref<10000x128xf32, #tpu.memory_space<hbm>>, %arg3: memref<32x80x128xi32, #tpu.memory_space<hbm>>, %arg4: memref<32x80x128xi32, #tpu.memory_space<hbm>>, %arg5: memref<2x10240x128xf32, #tpu.memory_space<hbm>>, %arg6: memref<40x128xi32, #tpu.memory_space<vmem>>, %arg7: memref<40x128xi32, #tpu.memory_space<vmem>>, %arg8: memref<128x128xf32, #tpu.memory_space<vmem>>, %arg9: memref<128x128xf32, #tpu.memory_space<vmem>>, %arg10: memref<10240x128xf32, #tpu.memory_space<vmem_shared>>, %arg11: memref<!tpu.dma_semaphore, #tpu.memory_space<semaphore_mem>>, %arg12: memref<!tpu.dma_semaphore, #tpu.memory_space<semaphore_mem>>, %arg13: memref<!tpu.dma_semaphore, #tpu.memory_space<semaphore_mem>>) attributes {dimension_semantics = [#tpu.dimension_semantics<core_parallel>, #tpu.dimension_semantics<subcore_parallel>], iteration_bounds = array<i64: 2, 16>, scalar_prefetch = 0 : i64, scratch_operands = 8 : i64, tpu.core_type = #tpu.core_type<sc_vector_subcore>, window_params = [{transform_indices = #map}, {transform_indices = #map1}, {transform_indices = #map1}, {transform_indices = #map1}]} {
    %mul3A = arith.constant 16 : i32
    %mul3A_0 = arith.muli %arg0, %mul3A : i32
    %add3A = arith.addi %mul3A_0, %arg1 : i32
    %dma_start3A = arith.constant 0 : i32
    %dma_start3A_1 = arith.constant 0 : i32
    %dma_start3A_2 = tpu.memref_slice %arg3[%add3A, %dma_start3A, %dma_start3A_1] : memref<32x80x128xi32, #tpu.memory_space<hbm>> -> memref<1x40x128xi32, #tpu.memory_space<hbm>>
    %dma_start3A_3 = tpu.memref_squeeze %dma_start3A_2 : memref<1x40x128xi32, #tpu.memory_space<hbm>> -> memref<40x128xi32, #tpu.memory_space<hbm>>
    %dma_start3A_4 = arith.constant 0 : i32
    %dma_start3A_5 = arith.constant 0 : i32
    %dma_start3A_6 = tpu.memref_slice %arg3[%add3A, %dma_start3A_4, %dma_start3A_5] : memref<32x80x128xi32, #tpu.memory_space<hbm>> -> memref<1x40x128xi32, #tpu.memory_space<hbm>>
    %dma_start3A_7 = tpu.memref_squeeze %dma_start3A_6 : memref<1x40x128xi32, #tpu.memory_space<hbm>> -> memref<40x128xi32, #tpu.memory_space<hbm>>
    tpu.enqueue_dma source(%dma_start3A_7 : memref<40x128xi32, #tpu.memory_space<hbm>>) target(%arg6 : memref<40x128xi32, #tpu.memory_space<vmem>>) target_semaphore(%arg13 : memref<!tpu.dma_semaphore, #tpu.memory_space<semaphore_mem>>)
    %dma_start3A_8 = arith.constant 0 : i32
    %dma_start3A_9 = arith.constant 0 : i32
    %dma_start3A_10 = tpu.memref_slice %arg4[%add3A, %dma_start3A_8, %dma_start3A_9] : memref<32x80x128xi32, #tpu.memory_space<hbm>> -> memref<1x40x128xi32, #tpu.memory_space<hbm>>
    %dma_start3A_11 = tpu.memref_squeeze %dma_start3A_10 : memref<1x40x128xi32, #tpu.memory_space<hbm>> -> memref<40x128xi32, #tpu.memory_space<hbm>>
    %dma_start3A_12 = arith.constant 0 : i32
    %dma_start3A_13 = arith.constant 0 : i32
    %dma_start3A_14 = tpu.memref_slice %arg4[%add3A, %dma_start3A_12, %dma_start3A_13] : memref<32x80x128xi32, #tpu.memory_space<hbm>> -> memref<1x40x128xi32, #tpu.memory_space<hbm>>
    %dma_start3A_15 = tpu.memref_squeeze %dma_start3A_14 : memref<1x40x128xi32, #tpu.memory_space<hbm>> -> memref<40x128xi32, #tpu.memory_space<hbm>>
    tpu.enqueue_dma source(%dma_start3A_15 : memref<40x128xi32, #tpu.memory_space<hbm>>) target(%arg7 : memref<40x128xi32, #tpu.memory_space<vmem>>) target_semaphore(%arg12 : memref<!tpu.dma_semaphore, #tpu.memory_space<semaphore_mem>>)
    %scan3A = arith.constant 0 : i32
    %scan3A_16 = arith.constant 128 : i32
    %scan3A_17 = arith.addi %scan3A, %scan3A_16 : i32
    %scan3A_18 = arith.constant 1 : i32
    scf.for %scan3A_106 = %scan3A to %scan3A_17 step %scan3A_18  : i32 {
      %mul3A_107 = arith.constant 1 : i32
      %mul3A_108 = arith.muli %scan3A_106, %mul3A_107 : i32
      %add3A_109 = arith.constant 0 : i32
      %add3A_110 = arith.addi %add3A_109, %mul3A_108 : i32
      %scan3A_111 = arith.constant 0 : i32
      %scan3A_112 = arith.constant 8 : i32
      %scan3A_113 = arith.addi %scan3A_111, %scan3A_112 : i32
      %scan3A_114 = arith.constant 1 : i32
      scf.for %scan3A_116 = %scan3A_111 to %scan3A_113 step %scan3A_114  : i32 {
        %mul3A_117 = arith.constant 16 : i32
        %mul3A_118 = arith.muli %scan3A_116, %mul3A_117 : i32
        %add3A_119 = arith.constant 0 : i32
        %add3A_120 = arith.addi %add3A_119, %mul3A_118 : i32
        %broadcast_in_dim3A = arith.constant 0.000000e+00 : f32
        %broadcast_in_dim3A_121 = vector.broadcast %broadcast_in_dim3A : f32 to vector<16xf32>
        %swap3A = arith.index_cast %add3A_110 : i32 to index
        %swap3A_122 = arith.index_cast %add3A_120 : i32 to index
        %swap3A_123 = tpu.vector_load %arg8[%swap3A, %swap3A_122] {strides = array<i32>} : memref<128x128xf32, #tpu.memory_space<vmem>>, vector<1x16xf32>,
        %swap3A_124 = vector.shape_cast %swap3A_123 : vector<1x16xf32> to vector<16xf32>
        %swap3A_125 = vector.shape_cast %broadcast_in_dim3A_121 : vector<16xf32> to vector<1x16xf32>
        tpu.vector_store %arg8[%swap3A, %swap3A_122], %swap3A_125 {strides = array<i32>} : memref<128x128xf32, #tpu.memory_space<vmem>>, vector<1x16xf32>,
      }
      %scan3A_115 = arith.constant 8 : i32
    }
    %scan3A_19 = arith.constant 128 : i32
    %scan3A_20 = arith.constant 0 : i32
    %scan3A_21 = arith.constant 5 : i32
    %scan3A_22 = arith.addi %scan3A_20, %scan3A_21 : i32
    %scan3A_23 = arith.constant 1 : i32
    scf.for %scan3A_106 = %scan3A_20 to %scan3A_22 step %scan3A_23  : i32 {
      %mul3A_107 = arith.constant 128 : i32
      %mul3A_108 = arith.muli %scan3A_106, %mul3A_107 : i32
      %add3A_109 = arith.constant 0 : i32
      %add3A_110 = arith.addi %add3A_109, %mul3A_108 : i32
      %mul3A_111 = arith.constant 640 : i32
      %mul3A_112 = arith.muli %arg1, %mul3A_111 : i32
      %add3A_113 = arith.addi %mul3A_112, %add3A_110 : i32
      %dma_start3A_114 = arith.constant 0 : i32
      %dma_start3A_115 = tpu.memref_slice %arg10[%add3A_113, %dma_start3A_114] : memref<10240x128xf32, #tpu.memory_space<vmem_shared>> -> memref<128x128xf32, #tpu.memory_space<vmem_shared>>
      %dma_start3A_116 = arith.constant 0 : i32
      %dma_start3A_117 = tpu.memref_slice %arg10[%add3A_113, %dma_start3A_116] : memref<10240x128xf32, #tpu.memory_space<vmem_shared>> -> memref<128x128xf32, #tpu.memory_space<vmem_shared>>
      tpu.enqueue_dma source(%arg8 : memref<128x128xf32, #tpu.memory_space<vmem>>) target(%dma_start3A_117 : memref<128x128xf32, #tpu.memory_space<vmem_shared>>) target_semaphore(%arg11 : memref<!tpu.dma_semaphore, #tpu.memory_space<semaphore_mem>>)
    }
    %scan3A_24 = arith.constant 5 : i32
    %scan3A_25 = arith.constant 0 : i32
    %scan3A_26 = arith.constant 5 : i32
    %scan3A_27 = arith.addi %scan3A_25, %scan3A_26 : i32
    %scan3A_28 = arith.constant 1 : i32
    scf.for %scan3A_106 = %scan3A_25 to %scan3A_27 step %scan3A_28  : i32 {
      %mul3A_107 = arith.constant 128 : i32
      %mul3A_108 = arith.muli %scan3A_106, %mul3A_107 : i32
      %add3A_109 = arith.constant 0 : i32
      %add3A_110 = arith.addi %add3A_109, %mul3A_108 : i32
      %mul3A_111 = arith.constant 640 : i32
      %mul3A_112 = arith.muli %arg1, %mul3A_111 : i32
      %add3A_113 = arith.addi %mul3A_112, %add3A_110 : i32
      %dma_wait3A_114 = arith.constant 0 : i32
      %dma_wait3A_115 = tpu.memref_slice %arg10[%add3A_113, %dma_wait3A_114] : memref<10240x128xf32, #tpu.memory_space<vmem_shared>> -> memref<128x128xf32, #tpu.memory_space<vmem_shared>>
      %dma_wait3A_116 = arith.constant 0 : i32
      %dma_wait3A_117 = tpu.memref_slice %arg10[%add3A_113, %dma_wait3A_116] : memref<10240x128xf32, #tpu.memory_space<vmem_shared>> -> memref<128x128xf32, #tpu.memory_space<vmem_shared>>
      tpu.wait_dma2 semaphore(%arg11 : memref<!tpu.dma_semaphore, #tpu.memory_space<semaphore_mem>>) src(%arg8 : memref<128x128xf32, #tpu.memory_space<vmem>>) dst(%dma_wait3A_117 : memref<128x128xf32, #tpu.memory_space<vmem_shared>>)
    }
    %scan3A_29 = arith.constant 5 : i32
    %dma_wait3A = arith.constant 0 : i32
    %dma_wait3A_30 = arith.constant 0 : i32
    %dma_wait3A_31 = tpu.memref_slice %arg3[%add3A, %dma_wait3A, %dma_wait3A_30] : memref<32x80x128xi32, #tpu.memory_space<hbm>> -> memref<1x40x128xi32, #tpu.memory_space<hbm>>
    %dma_wait3A_32 = tpu.memref_squeeze %dma_wait3A_31 : memref<1x40x128xi32, #tpu.memory_space<hbm>> -> memref<40x128xi32, #tpu.memory_space<hbm>>
    %dma_wait3A_33 = arith.constant 0 : i32
    %dma_wait3A_34 = arith.constant 0 : i32
    %dma_wait3A_35 = tpu.memref_slice %arg3[%add3A, %dma_wait3A_33, %dma_wait3A_34] : memref<32x80x128xi32, #tpu.memory_space<hbm>> -> memref<1x40x128xi32, #tpu.memory_space<hbm>>
    %dma_wait3A_36 = tpu.memref_squeeze %dma_wait3A_35 : memref<1x40x128xi32, #tpu.memory_space<hbm>> -> memref<40x128xi32, #tpu.memory_space<hbm>>
    tpu.wait_dma2 semaphore(%arg13 : memref<!tpu.dma_semaphore, #tpu.memory_space<semaphore_mem>>) src(%dma_wait3A_36 : memref<40x128xi32, #tpu.memory_space<hbm>>) dst(%arg6 : memref<40x128xi32, #tpu.memory_space<vmem>>)
    %dma_wait3A_37 = arith.constant 0 : i32
    %dma_wait3A_38 = arith.constant 0 : i32
    %dma_wait3A_39 = tpu.memref_slice %arg4[%add3A, %dma_wait3A_37, %dma_wait3A_38] : memref<32x80x128xi32, #tpu.memory_space<hbm>> -> memref<1x40x128xi32, #tpu.memory_space<hbm>>
    %dma_wait3A_40 = tpu.memref_squeeze %dma_wait3A_39 : memref<1x40x128xi32, #tpu.memory_space<hbm>> -> memref<40x128xi32, #tpu.memory_space<hbm>>
    %dma_wait3A_41 = arith.constant 0 : i32
    %dma_wait3A_42 = arith.constant 0 : i32
    %dma_wait3A_43 = tpu.memref_slice %arg4[%add3A, %dma_wait3A_41, %dma_wait3A_42] : memref<32x80x128xi32, #tpu.memory_space<hbm>> -> memref<1x40x128xi32, #tpu.memory_space<hbm>>
    %dma_wait3A_44 = tpu.memref_squeeze %dma_wait3A_43 : memref<1x40x128xi32, #tpu.memory_space<hbm>> -> memref<40x128xi32, #tpu.memory_space<hbm>>
    tpu.wait_dma2 semaphore(%arg12 : memref<!tpu.dma_semaphore, #tpu.memory_space<semaphore_mem>>) src(%dma_wait3A_44 : memref<40x128xi32, #tpu.memory_space<hbm>>) dst(%arg7 : memref<40x128xi32, #tpu.memory_space<vmem>>)
    %barrier3A = arith.constant 0 : index
    tpu.barrier barrier_id(%barrier3A)
    %dma_start3A_45 = arith.constant 0 : i32
    %dma_start3A_46 = arith.constant 0 : i32
    %dma_start3A_47 = tpu.memref_slice %arg6[%dma_start3A_45, %dma_start3A_46] : memref<40x128xi32, #tpu.memory_space<vmem>> -> memref<1x128xi32, #tpu.memory_space<vmem>>
    %dma_start3A_48 = tpu.memref_squeeze %dma_start3A_47 : memref<1x128xi32, #tpu.memory_space<vmem>> -> memref<128xi32, #tpu.memory_space<vmem>>
    %dma_start3A_49 = arith.constant 0 : i32
    %dma_start3A_50 = arith.constant 0 : i32
    %dma_start3A_51 = tpu.memref_slice %arg2[%dma_start3A_49, %dma_start3A_50] : memref<10000x128xf32, #tpu.memory_space<hbm>> -> memref<10000x128xf32, #tpu.memory_space<hbm>>
    tpu.enqueue_indirect_dma source(%dma_start3A_51 : memref<10000x128xf32, #tpu.memory_space<hbm>>) target(%arg8 : memref<128x128xf32, #tpu.memory_space<vmem>>) offsets(%dma_start3A_48 : memref<128xi32, #tpu.memory_space<vmem>>) semaphore(%arg11 : memref<!tpu.dma_semaphore, #tpu.memory_space<semaphore_mem>>)
    %scan3A_52 = arith.constant 0 : i32
    %scan3A_53 = arith.constant 20 : i32
    %scan3A_54 = arith.addi %scan3A_52, %scan3A_53 : i32
    %scan3A_55 = arith.constant 1 : i32
    scf.for %scan3A_106 = %scan3A_52 to %scan3A_54 step %scan3A_55  : i32 {
      %mul3A_107 = arith.constant 2 : i32
      %mul3A_108 = arith.muli %scan3A_106, %mul3A_107 : i32
      %add3A_109 = arith.constant 0 : i32
      %add3A_110 = arith.addi %add3A_109, %mul3A_108 : i32
      %dma_wait3A_111 = arith.constant 0 : i32
      %dma_wait3A_112 = tpu.memref_slice %arg6[%add3A_110, %dma_wait3A_111] : memref<40x128xi32, #tpu.memory_space<vmem>> -> memref<1x128xi32, #tpu.memory_space<vmem>>
      %dma_wait3A_113 = tpu.memref_squeeze %dma_wait3A_112 : memref<1x128xi32, #tpu.memory_space<vmem>> -> memref<128xi32, #tpu.memory_space<vmem>>
      %dma_wait3A_114 = arith.constant 0 : i32
      %dma_wait3A_115 = arith.constant 0 : i32
      %dma_wait3A_116 = tpu.memref_slice %arg2[%dma_wait3A_114, %dma_wait3A_115] : memref<10000x128xf32, #tpu.memory_space<hbm>> -> memref<10000x128xf32, #tpu.memory_space<hbm>>
      tpu.wait_indirect_dma semaphore(%arg11 : memref<!tpu.dma_semaphore, #tpu.memory_space<semaphore_mem>>) src(%dma_wait3A_116 : memref<10000x128xf32, #tpu.memory_space<hbm>>) dst(%arg8 : memref<128x128xf32, #tpu.memory_space<vmem>>)
      %add3A_117 = arith.constant 1 : i32
      %add3A_118 = arith.addi %add3A_110, %add3A_117 : i32
      %dma_start3A_119 = arith.constant 0 : i32
      %dma_start3A_120 = tpu.memref_slice %arg6[%add3A_118, %dma_start3A_119] : memref<40x128xi32, #tpu.memory_space<vmem>> -> memref<1x128xi32, #tpu.memory_space<vmem>>
      %dma_start3A_121 = tpu.memref_squeeze %dma_start3A_120 : memref<1x128xi32, #tpu.memory_space<vmem>> -> memref<128xi32, #tpu.memory_space<vmem>>
      %dma_start3A_122 = arith.constant 0 : i32
      %dma_start3A_123 = arith.constant 0 : i32
      %dma_start3A_124 = tpu.memref_slice %arg2[%dma_start3A_122, %dma_start3A_123] : memref<10000x128xf32, #tpu.memory_space<hbm>> -> memref<10000x128xf32, #tpu.memory_space<hbm>>
      tpu.enqueue_indirect_dma source(%dma_start3A_124 : memref<10000x128xf32, #tpu.memory_space<hbm>>) target(%arg9 : memref<128x128xf32, #tpu.memory_space<vmem>>) offsets(%dma_start3A_121 : memref<128xi32, #tpu.memory_space<vmem>>) semaphore(%arg12 : memref<!tpu.dma_semaphore, #tpu.memory_space<semaphore_mem>>)
      "tpu.region"() ({
        %run_scoped3A = tpu.sem_alloc : memref<!tpu.dma_semaphore, #tpu.memory_space<semaphore_mem>>
        %dma_start3A_139 = arith.constant 0 : i32
        %dma_start3A_140 = tpu.memref_slice %arg7[%add3A_110, %dma_start3A_139] : memref<40x128xi32, #tpu.memory_space<vmem>> -> memref<1x128xi32, #tpu.memory_space<vmem>>
        %dma_start3A_141 = tpu.memref_squeeze %dma_start3A_140 : memref<1x128xi32, #tpu.memory_space<vmem>> -> memref<128xi32, #tpu.memory_space<vmem>>
        %dma_start3A_142 = arith.constant 0 : i32
        %dma_start3A_143 = arith.constant 0 : i32
        %dma_start3A_144 = tpu.memref_slice %arg10[%dma_start3A_142, %dma_start3A_143] : memref<10240x128xf32, #tpu.memory_space<vmem_shared>> -> memref<10240x128xf32, #tpu.memory_space<vmem_shared>>
        tpu.enqueue_indirect_dma source(%arg8 : memref<128x128xf32, #tpu.memory_space<vmem>>) target(%dma_start3A_144 : memref<10240x128xf32, #tpu.memory_space<vmem_shared>>) offsets(%dma_start3A_141 : memref<128xi32, #tpu.memory_space<vmem>>) semaphore(%run_scoped3A : memref<!tpu.dma_semaphore, #tpu.memory_space<semaphore_mem>>) {add = true}
        %dma_wait3A_145 = arith.constant 0 : i32
        %dma_wait3A_146 = tpu.memref_slice %arg7[%add3A_110, %dma_wait3A_145] : memref<40x128xi32, #tpu.memory_space<vmem>> -> memref<1x128xi32, #tpu.memory_space<vmem>>
        %dma_wait3A_147 = tpu.memref_squeeze %dma_wait3A_146 : memref<1x128xi32, #tpu.memory_space<vmem>> -> memref<128xi32, #tpu.memory_space<vmem>>
        %dma_wait3A_148 = arith.constant 0 : i32
        %dma_wait3A_149 = arith.constant 0 : i32
        %dma_wait3A_150 = tpu.memref_slice %arg10[%dma_wait3A_148, %dma_wait3A_149] : memref<10240x128xf32, #tpu.memory_space<vmem_shared>> -> memref<10240x128xf32, #tpu.memory_space<vmem_shared>>
        tpu.wait_indirect_dma semaphore(%run_scoped3A : memref<!tpu.dma_semaphore, #tpu.memory_space<semaphore_mem>>) src(%arg8 : memref<128x128xf32, #tpu.memory_space<vmem>>) dst(%dma_wait3A_150 : memref<10240x128xf32, #tpu.memory_space<vmem_shared>>)
        tpu.yield
      }) : () -> ()
      %add3A_125 = arith.constant 1 : i32
      %add3A_126 = arith.addi %add3A_110, %add3A_125 : i32
      %dma_wait3A_127 = arith.constant 0 : i32
      %dma_wait3A_128 = tpu.memref_slice %arg6[%add3A_126, %dma_wait3A_127] : memref<40x128xi32, #tpu.memory_space<vmem>> -> memref<1x128xi32, #tpu.memory_space<vmem>>
      %dma_wait3A_129 = tpu.memref_squeeze %dma_wait3A_128 : memref<1x128xi32, #tpu.memory_space<vmem>> -> memref<128xi32, #tpu.memory_space<vmem>>
      %dma_wait3A_130 = arith.constant 0 : i32
      %dma_wait3A_131 = arith.constant 0 : i32
      %dma_wait3A_132 = tpu.memref_slice %arg2[%dma_wait3A_130, %dma_wait3A_131] : memref<10000x128xf32, #tpu.memory_space<hbm>> -> memref<10000x128xf32, #tpu.memory_space<hbm>>
      tpu.wait_indirect_dma semaphore(%arg12 : memref<!tpu.dma_semaphore, #tpu.memory_space<semaphore_mem>>) src(%dma_wait3A_132 : memref<10000x128xf32, #tpu.memory_space<hbm>>) dst(%arg9 : memref<128x128xf32, #tpu.memory_space<vmem>>)
      %add3A_133 = arith.constant 2 : i32
      %add3A_134 = arith.addi %add3A_110, %add3A_133 : i32
      %lt3A = arith.constant 40 : i32
      %lt3A_135 = arith.cmpi slt, %add3A_134, %lt3A : i32
      %convert_element_type3A = arith.extui %lt3A_135 : i1 to i32
      %cond3A = arith.constant 0 : i32
      %cond3A_136 = arith.cmpi ne, %convert_element_type3A, %cond3A : i32
      scf.if %cond3A_136 {
        %add3A_139 = arith.constant 2 : i32
        %add3A_140 = arith.addi %add3A_110, %add3A_139 : i32
        %dma_start3A_141 = arith.constant 0 : i32
        %dma_start3A_142 = tpu.memref_slice %arg6[%add3A_140, %dma_start3A_141] : memref<40x128xi32, #tpu.memory_space<vmem>> -> memref<1x128xi32, #tpu.memory_space<vmem>>
        %dma_start3A_143 = tpu.memref_squeeze %dma_start3A_142 : memref<1x128xi32, #tpu.memory_space<vmem>> -> memref<128xi32, #tpu.memory_space<vmem>>
        %dma_start3A_144 = arith.constant 0 : i32
        %dma_start3A_145 = arith.constant 0 : i32
        %dma_start3A_146 = tpu.memref_slice %arg2[%dma_start3A_144, %dma_start3A_145] : memref<10000x128xf32, #tpu.memory_space<hbm>> -> memref<10000x128xf32, #tpu.memory_space<hbm>>
        tpu.enqueue_indirect_dma source(%dma_start3A_146 : memref<10000x128xf32, #tpu.memory_space<hbm>>) target(%arg8 : memref<128x128xf32, #tpu.memory_space<vmem>>) offsets(%dma_start3A_143 : memref<128xi32, #tpu.memory_space<vmem>>) semaphore(%arg11 : memref<!tpu.dma_semaphore, #tpu.memory_space<semaphore_mem>>)
      } else {
      }
      %add3A_137 = arith.constant 1 : i32
      %add3A_138 = arith.addi %add3A_110, %add3A_137 : i32
      "tpu.region"() ({
        %run_scoped3A = tpu.sem_alloc : memref<!tpu.dma_semaphore, #tpu.memory_space<semaphore_mem>>
        %dma_start3A_139 = arith.constant 0 : i32
        %dma_start3A_140 = tpu.memref_slice %arg7[%add3A_138, %dma_start3A_139] : memref<40x128xi32, #tpu.memory_space<vmem>> -> memref<1x128xi32, #tpu.memory_space<vmem>>
        %dma_start3A_141 = tpu.memref_squeeze %dma_start3A_140 : memref<1x128xi32, #tpu.memory_space<vmem>> -> memref<128xi32, #tpu.memory_space<vmem>>
        %dma_start3A_142 = arith.constant 0 : i32
        %dma_start3A_143 = arith.constant 0 : i32
        %dma_start3A_144 = tpu.memref_slice %arg10[%dma_start3A_142, %dma_start3A_143] : memref<10240x128xf32, #tpu.memory_space<vmem_shared>> -> memref<10240x128xf32, #tpu.memory_space<vmem_shared>>
        tpu.enqueue_indirect_dma source(%arg9 : memref<128x128xf32, #tpu.memory_space<vmem>>) target(%dma_start3A_144 : memref<10240x128xf32, #tpu.memory_space<vmem_shared>>) offsets(%dma_start3A_141 : memref<128xi32, #tpu.memory_space<vmem>>) semaphore(%run_scoped3A : memref<!tpu.dma_semaphore, #tpu.memory_space<semaphore_mem>>) {add = true}
        %dma_wait3A_145 = arith.constant 0 : i32
        %dma_wait3A_146 = tpu.memref_slice %arg7[%add3A_138, %dma_wait3A_145] : memref<40x128xi32, #tpu.memory_space<vmem>> -> memref<1x128xi32, #tpu.memory_space<vmem>>
        %dma_wait3A_147 = tpu.memref_squeeze %dma_wait3A_146 : memref<1x128xi32, #tpu.memory_space<vmem>> -> memref<128xi32, #tpu.memory_space<vmem>>
        %dma_wait3A_148 = arith.constant 0 : i32
        %dma_wait3A_149 = arith.constant 0 : i32
        %dma_wait3A_150 = tpu.memref_slice %arg10[%dma_wait3A_148, %dma_wait3A_149] : memref<10240x128xf32, #tpu.memory_space<vmem_shared>> -> memref<10240x128xf32, #tpu.memory_space<vmem_shared>>
        tpu.wait_indirect_dma semaphore(%run_scoped3A : memref<!tpu.dma_semaphore, #tpu.memory_space<semaphore_mem>>) src(%arg9 : memref<128x128xf32, #tpu.memory_space<vmem>>) dst(%dma_wait3A_150 : memref<10240x128xf32, #tpu.memory_space<vmem_shared>>)
        tpu.yield
      }) : () -> ()
    }
    %scan3A_56 = arith.constant 20 : i32
    %dma_start3A_57 = arith.constant 40 : i32
    %dma_start3A_58 = arith.constant 0 : i32
    %dma_start3A_59 = tpu.memref_slice %arg3[%add3A, %dma_start3A_57, %dma_start3A_58] : memref<32x80x128xi32, #tpu.memory_space<hbm>> -> memref<1x40x128xi32, #tpu.memory_space<hbm>>
    %dma_start3A_60 = tpu.memref_squeeze %dma_start3A_59 : memref<1x40x128xi32, #tpu.memory_space<hbm>> -> memref<40x128xi32, #tpu.memory_space<hbm>>
    %dma_start3A_61 = arith.constant 40 : i32
    %dma_start3A_62 = arith.constant 0 : i32
    %dma_start3A_63 = tpu.memref_slice %arg3[%add3A, %dma_start3A_61, %dma_start3A_62] : memref<32x80x128xi32, #tpu.memory_space<hbm>> -> memref<1x40x128xi32, #tpu.memory_space<hbm>>
    %dma_start3A_64 = tpu.memref_squeeze %dma_start3A_63 : memref<1x40x128xi32, #tpu.memory_space<hbm>> -> memref<40x128xi32, #tpu.memory_space<hbm>>
    tpu.enqueue_dma source(%dma_start3A_64 : memref<40x128xi32, #tpu.memory_space<hbm>>) target(%arg6 : memref<40x128xi32, #tpu.memory_space<vmem>>) target_semaphore(%arg13 : memref<!tpu.dma_semaphore, #tpu.memory_space<semaphore_mem>>)
    %dma_wait3A_65 = arith.constant 40 : i32
    %dma_wait3A_66 = arith.constant 0 : i32
    %dma_wait3A_67 = tpu.memref_slice %arg3[%add3A, %dma_wait3A_65, %dma_wait3A_66] : memref<32x80x128xi32, #tpu.memory_space<hbm>> -> memref<1x40x128xi32, #tpu.memory_space<hbm>>
    %dma_wait3A_68 = tpu.memref_squeeze %dma_wait3A_67 : memref<1x40x128xi32, #tpu.memory_space<hbm>> -> memref<40x128xi32, #tpu.memory_space<hbm>>
    %dma_wait3A_69 = arith.constant 40 : i32
    %dma_wait3A_70 = arith.constant 0 : i32
    %dma_wait3A_71 = tpu.memref_slice %arg3[%add3A, %dma_wait3A_69, %dma_wait3A_70] : memref<32x80x128xi32, #tpu.memory_space<hbm>> -> memref<1x40x128xi32, #tpu.memory_space<hbm>>
    %dma_wait3A_72 = tpu.memref_squeeze %dma_wait3A_71 : memref<1x40x128xi32, #tpu.memory_space<hbm>> -> memref<40x128xi32, #tpu.memory_space<hbm>>
    tpu.wait_dma2 semaphore(%arg13 : memref<!tpu.dma_semaphore, #tpu.memory_space<semaphore_mem>>) src(%dma_wait3A_72 : memref<40x128xi32, #tpu.memory_space<hbm>>) dst(%arg6 : memref<40x128xi32, #tpu.memory_space<vmem>>)
    %dma_start3A_73 = arith.constant 40 : i32
    %dma_start3A_74 = arith.constant 0 : i32
    %dma_start3A_75 = tpu.memref_slice %arg4[%add3A, %dma_start3A_73, %dma_start3A_74] : memref<32x80x128xi32, #tpu.memory_space<hbm>> -> memref<1x40x128xi32, #tpu.memory_space<hbm>>
    %dma_start3A_76 = tpu.memref_squeeze %dma_start3A_75 : memref<1x40x128xi32, #tpu.memory_space<hbm>> -> memref<40x128xi32, #tpu.memory_space<hbm>>
    %dma_start3A_77 = arith.constant 40 : i32
    %dma_start3A_78 = arith.constant 0 : i32
    %dma_start3A_79 = tpu.memref_slice %arg4[%add3A, %dma_start3A_77, %dma_start3A_78] : memref<32x80x128xi32, #tpu.memory_space<hbm>> -> memref<1x40x128xi32, #tpu.memory_space<hbm>>
    %dma_start3A_80 = tpu.memref_squeeze %dma_start3A_79 : memref<1x40x128xi32, #tpu.memory_space<hbm>> -> memref<40x128xi32, #tpu.memory_space<hbm>>
    tpu.enqueue_dma source(%dma_start3A_80 : memref<40x128xi32, #tpu.memory_space<hbm>>) target(%arg7 : memref<40x128xi32, #tpu.memory_space<vmem>>) target_semaphore(%arg13 : memref<!tpu.dma_semaphore, #tpu.memory_space<semaphore_mem>>)
    %dma_wait3A_81 = arith.constant 40 : i32
    %dma_wait3A_82 = arith.constant 0 : i32
    %dma_wait3A_83 = tpu.memref_slice %arg4[%add3A, %dma_wait3A_81, %dma_wait3A_82] : memref<32x80x128xi32, #tpu.memory_space<hbm>> -> memref<1x40x128xi32, #tpu.memory_space<hbm>>
    %dma_wait3A_84 = tpu.memref_squeeze %dma_wait3A_83 : memref<1x40x128xi32, #tpu.memory_space<hbm>> -> memref<40x128xi32, #tpu.memory_space<hbm>>
    %dma_wait3A_85 = arith.constant 40 : i32
    %dma_wait3A_86 = arith.constant 0 : i32
    %dma_wait3A_87 = tpu.memref_slice %arg4[%add3A, %dma_wait3A_85, %dma_wait3A_86] : memref<32x80x128xi32, #tpu.memory_space<hbm>> -> memref<1x40x128xi32, #tpu.memory_space<hbm>>
    %dma_wait3A_88 = tpu.memref_squeeze %dma_wait3A_87 : memref<1x40x128xi32, #tpu.memory_space<hbm>> -> memref<40x128xi32, #tpu.memory_space<hbm>>
    tpu.wait_dma2 semaphore(%arg13 : memref<!tpu.dma_semaphore, #tpu.memory_space<semaphore_mem>>) src(%dma_wait3A_88 : memref<40x128xi32, #tpu.memory_space<hbm>>) dst(%arg7 : memref<40x128xi32, #tpu.memory_space<vmem>>)
    %dma_start3A_89 = arith.constant 0 : i32
    %dma_start3A_90 = arith.constant 0 : i32
    %dma_start3A_91 = tpu.memref_slice %arg6[%dma_start3A_89, %dma_start3A_90] : memref<40x128xi32, #tpu.memory_space<vmem>> -> memref<1x128xi32, #tpu.memory_space<vmem>>
    %dma_start3A_92 = tpu.memref_squeeze %dma_start3A_91 : memref<1x128xi32, #tpu.memory_space<vmem>> -> memref<128xi32, #tpu.memory_space<vmem>>
    %dma_start3A_93 = arith.constant 0 : i32
    %dma_start3A_94 = arith.constant 0 : i32
    %dma_start3A_95 = tpu.memref_slice %arg2[%dma_start3A_93, %dma_start3A_94] : memref<10000x128xf32, #tpu.memory_space<hbm>> -> memref<10000x128xf32, #tpu.memory_space<hbm>>
    tpu.enqueue_indirect_dma source(%dma_start3A_95 : memref<10000x128xf32, #tpu.memory_space<hbm>>) target(%arg8 : memref<128x128xf32, #tpu.memory_space<vmem>>) offsets(%dma_start3A_92 : memref<128xi32, #tpu.memory_space<vmem>>) semaphore(%arg11 : memref<!tpu.dma_semaphore, #tpu.memory_space<semaphore_mem>>)
    %scan3A_96 = arith.constant 0 : i32
    %scan3A_97 = arith.constant 20 : i32
    %scan3A_98 = arith.addi %scan3A_96, %scan3A_97 : i32
    %scan3A_99 = arith.constant 1 : i32
    scf.for %scan3A_106 = %scan3A_96 to %scan3A_98 step %scan3A_99  : i32 {
      %mul3A_107 = arith.constant 2 : i32
      %mul3A_108 = arith.muli %scan3A_106, %mul3A_107 : i32
      %add3A_109 = arith.constant 0 : i32
      %add3A_110 = arith.addi %add3A_109, %mul3A_108 : i32
      %dma_wait3A_111 = arith.constant 0 : i32
      %dma_wait3A_112 = tpu.memref_slice %arg6[%add3A_110, %dma_wait3A_111] : memref<40x128xi32, #tpu.memory_space<vmem>> -> memref<1x128xi32, #tpu.memory_space<vmem>>
      %dma_wait3A_113 = tpu.memref_squeeze %dma_wait3A_112 : memref<1x128xi32, #tpu.memory_space<vmem>> -> memref<128xi32, #tpu.memory_space<vmem>>
      %dma_wait3A_114 = arith.constant 0 : i32
      %dma_wait3A_115 = arith.constant 0 : i32
      %dma_wait3A_116 = tpu.memref_slice %arg2[%dma_wait3A_114, %dma_wait3A_115] : memref<10000x128xf32, #tpu.memory_space<hbm>> -> memref<10000x128xf32, #tpu.memory_space<hbm>>
      tpu.wait_indirect_dma semaphore(%arg11 : memref<!tpu.dma_semaphore, #tpu.memory_space<semaphore_mem>>) src(%dma_wait3A_116 : memref<10000x128xf32, #tpu.memory_space<hbm>>) dst(%arg8 : memref<128x128xf32, #tpu.memory_space<vmem>>)
      %add3A_117 = arith.constant 1 : i32
      %add3A_118 = arith.addi %add3A_110, %add3A_117 : i32
      %dma_start3A_119 = arith.constant 0 : i32
      %dma_start3A_120 = tpu.memref_slice %arg6[%add3A_118, %dma_start3A_119] : memref<40x128xi32, #tpu.memory_space<vmem>> -> memref<1x128xi32, #tpu.memory_space<vmem>>
      %dma_start3A_121 = tpu.memref_squeeze %dma_start3A_120 : memref<1x128xi32, #tpu.memory_space<vmem>> -> memref<128xi32, #tpu.memory_space<vmem>>
      %dma_start3A_122 = arith.constant 0 : i32
      %dma_start3A_123 = arith.constant 0 : i32
      %dma_start3A_124 = tpu.memref_slice %arg2[%dma_start3A_122, %dma_start3A_123] : memref<10000x128xf32, #tpu.memory_space<hbm>> -> memref<10000x128xf32, #tpu.memory_space<hbm>>
      tpu.enqueue_indirect_dma source(%dma_start3A_124 : memref<10000x128xf32, #tpu.memory_space<hbm>>) target(%arg9 : memref<128x128xf32, #tpu.memory_space<vmem>>) offsets(%dma_start3A_121 : memref<128xi32, #tpu.memory_space<vmem>>) semaphore(%arg12 : memref<!tpu.dma_semaphore, #tpu.memory_space<semaphore_mem>>)
      "tpu.region"() ({
        %run_scoped3A = tpu.sem_alloc : memref<!tpu.dma_semaphore, #tpu.memory_space<semaphore_mem>>
        %dma_start3A_139 = arith.constant 0 : i32
        %dma_start3A_140 = tpu.memref_slice %arg7[%add3A_110, %dma_start3A_139] : memref<40x128xi32, #tpu.memory_space<vmem>> -> memref<1x128xi32, #tpu.memory_space<vmem>>
        %dma_start3A_141 = tpu.memref_squeeze %dma_start3A_140 : memref<1x128xi32, #tpu.memory_space<vmem>> -> memref<128xi32, #tpu.memory_space<vmem>>
        %dma_start3A_142 = arith.constant 0 : i32
        %dma_start3A_143 = arith.constant 0 : i32
        %dma_start3A_144 = tpu.memref_slice %arg10[%dma_start3A_142, %dma_start3A_143] : memref<10240x128xf32, #tpu.memory_space<vmem_shared>> -> memref<10240x128xf32, #tpu.memory_space<vmem_shared>>
        tpu.enqueue_indirect_dma source(%arg8 : memref<128x128xf32, #tpu.memory_space<vmem>>) target(%dma_start3A_144 : memref<10240x128xf32, #tpu.memory_space<vmem_shared>>) offsets(%dma_start3A_141 : memref<128xi32, #tpu.memory_space<vmem>>) semaphore(%run_scoped3A : memref<!tpu.dma_semaphore, #tpu.memory_space<semaphore_mem>>) {add = true}
        %dma_wait3A_145 = arith.constant 0 : i32
        %dma_wait3A_146 = tpu.memref_slice %arg7[%add3A_110, %dma_wait3A_145] : memref<40x128xi32, #tpu.memory_space<vmem>> -> memref<1x128xi32, #tpu.memory_space<vmem>>
        %dma_wait3A_147 = tpu.memref_squeeze %dma_wait3A_146 : memref<1x128xi32, #tpu.memory_space<vmem>> -> memref<128xi32, #tpu.memory_space<vmem>>
        %dma_wait3A_148 = arith.constant 0 : i32
        %dma_wait3A_149 = arith.constant 0 : i32
        %dma_wait3A_150 = tpu.memref_slice %arg10[%dma_wait3A_148, %dma_wait3A_149] : memref<10240x128xf32, #tpu.memory_space<vmem_shared>> -> memref<10240x128xf32, #tpu.memory_space<vmem_shared>>
        tpu.wait_indirect_dma semaphore(%run_scoped3A : memref<!tpu.dma_semaphore, #tpu.memory_space<semaphore_mem>>) src(%arg8 : memref<128x128xf32, #tpu.memory_space<vmem>>) dst(%dma_wait3A_150 : memref<10240x128xf32, #tpu.memory_space<vmem_shared>>)
        tpu.yield
      }) : () -> ()
      %add3A_125 = arith.constant 1 : i32
      %add3A_126 = arith.addi %add3A_110, %add3A_125 : i32
      %dma_wait3A_127 = arith.constant 0 : i32
      %dma_wait3A_128 = tpu.memref_slice %arg6[%add3A_126, %dma_wait3A_127] : memref<40x128xi32, #tpu.memory_space<vmem>> -> memref<1x128xi32, #tpu.memory_space<vmem>>
      %dma_wait3A_129 = tpu.memref_squeeze %dma_wait3A_128 : memref<1x128xi32, #tpu.memory_space<vmem>> -> memref<128xi32, #tpu.memory_space<vmem>>
      %dma_wait3A_130 = arith.constant 0 : i32
      %dma_wait3A_131 = arith.constant 0 : i32
      %dma_wait3A_132 = tpu.memref_slice %arg2[%dma_wait3A_130, %dma_wait3A_131] : memref<10000x128xf32, #tpu.memory_space<hbm>> -> memref<10000x128xf32, #tpu.memory_space<hbm>>
      tpu.wait_indirect_dma semaphore(%arg12 : memref<!tpu.dma_semaphore, #tpu.memory_space<semaphore_mem>>) src(%dma_wait3A_132 : memref<10000x128xf32, #tpu.memory_space<hbm>>) dst(%arg9 : memref<128x128xf32, #tpu.memory_space<vmem>>)
      %add3A_133 = arith.constant 2 : i32
      %add3A_134 = arith.addi %add3A_110, %add3A_133 : i32
      %lt3A = arith.constant 40 : i32
      %lt3A_135 = arith.cmpi slt, %add3A_134, %lt3A : i32
      %convert_element_type3A = arith.extui %lt3A_135 : i1 to i32
      %cond3A = arith.constant 0 : i32
      %cond3A_136 = arith.cmpi ne, %convert_element_type3A, %cond3A : i32
      scf.if %cond3A_136 {
        %add3A_139 = arith.constant 2 : i32
        %add3A_140 = arith.addi %add3A_110, %add3A_139 : i32
        %dma_start3A_141 = arith.constant 0 : i32
        %dma_start3A_142 = tpu.memref_slice %arg6[%add3A_140, %dma_start3A_141] : memref<40x128xi32, #tpu.memory_space<vmem>> -> memref<1x128xi32, #tpu.memory_space<vmem>>
        %dma_start3A_143 = tpu.memref_squeeze %dma_start3A_142 : memref<1x128xi32, #tpu.memory_space<vmem>> -> memref<128xi32, #tpu.memory_space<vmem>>
        %dma_start3A_144 = arith.constant 0 : i32
        %dma_start3A_145 = arith.constant 0 : i32
        %dma_start3A_146 = tpu.memref_slice %arg2[%dma_start3A_144, %dma_start3A_145] : memref<10000x128xf32, #tpu.memory_space<hbm>> -> memref<10000x128xf32, #tpu.memory_space<hbm>>
        tpu.enqueue_indirect_dma source(%dma_start3A_146 : memref<10000x128xf32, #tpu.memory_space<hbm>>) target(%arg8 : memref<128x128xf32, #tpu.memory_space<vmem>>) offsets(%dma_start3A_143 : memref<128xi32, #tpu.memory_space<vmem>>) semaphore(%arg11 : memref<!tpu.dma_semaphore, #tpu.memory_space<semaphore_mem>>)
      } else {
      }
      %add3A_137 = arith.constant 1 : i32
      %add3A_138 = arith.addi %add3A_110, %add3A_137 : i32
      "tpu.region"() ({
        %run_scoped3A = tpu.sem_alloc : memref<!tpu.dma_semaphore, #tpu.memory_space<semaphore_mem>>
        %dma_start3A_139 = arith.constant 0 : i32
        %dma_start3A_140 = tpu.memref_slice %arg7[%add3A_138, %dma_start3A_139] : memref<40x128xi32, #tpu.memory_space<vmem>> -> memref<1x128xi32, #tpu.memory_space<vmem>>
        %dma_start3A_141 = tpu.memref_squeeze %dma_start3A_140 : memref<1x128xi32, #tpu.memory_space<vmem>> -> memref<128xi32, #tpu.memory_space<vmem>>
        %dma_start3A_142 = arith.constant 0 : i32
        %dma_start3A_143 = arith.constant 0 : i32
        %dma_start3A_144 = tpu.memref_slice %arg10[%dma_start3A_142, %dma_start3A_143] : memref<10240x128xf32, #tpu.memory_space<vmem_shared>> -> memref<10240x128xf32, #tpu.memory_space<vmem_shared>>
        tpu.enqueue_indirect_dma source(%arg9 : memref<128x128xf32, #tpu.memory_space<vmem>>) target(%dma_start3A_144 : memref<10240x128xf32, #tpu.memory_space<vmem_shared>>) offsets(%dma_start3A_141 : memref<128xi32, #tpu.memory_space<vmem>>) semaphore(%run_scoped3A : memref<!tpu.dma_semaphore, #tpu.memory_space<semaphore_mem>>) {add = true}
        %dma_wait3A_145 = arith.constant 0 : i32
        %dma_wait3A_146 = tpu.memref_slice %arg7[%add3A_138, %dma_wait3A_145] : memref<40x128xi32, #tpu.memory_space<vmem>> -> memref<1x128xi32, #tpu.memory_space<vmem>>
        %dma_wait3A_147 = tpu.memref_squeeze %dma_wait3A_146 : memref<1x128xi32, #tpu.memory_space<vmem>> -> memref<128xi32, #tpu.memory_space<vmem>>
        %dma_wait3A_148 = arith.constant 0 : i32
        %dma_wait3A_149 = arith.constant 0 : i32
        %dma_wait3A_150 = tpu.memref_slice %arg10[%dma_wait3A_148, %dma_wait3A_149] : memref<10240x128xf32, #tpu.memory_space<vmem_shared>> -> memref<10240x128xf32, #tpu.memory_space<vmem_shared>>
        tpu.wait_indirect_dma semaphore(%run_scoped3A : memref<!tpu.dma_semaphore, #tpu.memory_space<semaphore_mem>>) src(%arg9 : memref<128x128xf32, #tpu.memory_space<vmem>>) dst(%dma_wait3A_150 : memref<10240x128xf32, #tpu.memory_space<vmem_shared>>)
        tpu.yield
      }) : () -> ()
    }
    %scan3A_100 = arith.constant 20 : i32
    %barrier3A_101 = arith.constant 0 : index
    tpu.barrier barrier_id(%barrier3A_101)
    %mul3A_102 = arith.constant 640 : i32
    %mul3A_103 = arith.muli %arg1, %mul3A_102 : i32
    %mul3A_104 = arith.constant 640 : i32
    %mul3A_105 = arith.muli %arg1, %mul3A_104 : i32
    "tpu.region"() ({
      %run_scoped3A = tpu.sem_alloc : memref<!tpu.dma_semaphore, #tpu.memory_space<semaphore_mem>>
      %dma_start3A_106 = arith.constant 0 : i32
      %dma_start3A_107 = tpu.memref_slice %arg5[%arg0, %mul3A_105, %dma_start3A_106] : memref<2x10240x128xf32, #tpu.memory_space<hbm>> -> memref<1x640x128xf32, #tpu.memory_space<hbm>>
      %dma_start3A_108 = tpu.memref_squeeze %dma_start3A_107 : memref<1x640x128xf32, #tpu.memory_space<hbm>> -> memref<640x128xf32, #tpu.memory_space<hbm>>
      %dma_start3A_109 = arith.constant 0 : i32
      %dma_start3A_110 = tpu.memref_slice %arg10[%mul3A_103, %dma_start3A_109] : memref<10240x128xf32, #tpu.memory_space<vmem_shared>> -> memref<640x128xf32, #tpu.memory_space<vmem_shared>>
      tpu.enqueue_dma source(%dma_start3A_110 : memref<640x128xf32, #tpu.memory_space<vmem_shared>>) target(%dma_start3A_108 : memref<640x128xf32, #tpu.memory_space<hbm>>) target_semaphore(%run_scoped3A : memref<!tpu.dma_semaphore, #tpu.memory_space<semaphore_mem>>)
      %dma_wait3A_111 = arith.constant 0 : i32
      %dma_wait3A_112 = tpu.memref_slice %arg5[%arg0, %mul3A_105, %dma_wait3A_111] : memref<2x10240x128xf32, #tpu.memory_space<hbm>> -> memref<1x640x128xf32, #tpu.memory_space<hbm>>
      %dma_wait3A_113 = tpu.memref_squeeze %dma_wait3A_112 : memref<1x640x128xf32, #tpu.memory_space<hbm>> -> memref<640x128xf32, #tpu.memory_space<hbm>>
      %dma_wait3A_114 = arith.constant 0 : i32
      %dma_wait3A_115 = tpu.memref_slice %arg10[%mul3A_103, %dma_wait3A_114] : memref<10240x128xf32, #tpu.memory_space<vmem_shared>> -> memref<640x128xf32, #tpu.memory_space<vmem_shared>>
      tpu.wait_dma2 semaphore(%run_scoped3A : memref<!tpu.dma_semaphore, #tpu.memory_space<semaphore_mem>>) src(%dma_wait3A_115 : memref<640x128xf32, #tpu.memory_space<vmem_shared>>) dst(%dma_wait3A_113 : memref<640x128xf32, #tpu.memory_space<hbm>>)
      tpu.yield
    }) : () -> ()
    return
  }
}

#map = affine_map<(d0, d1) -> (0, 0, 0)>
#map1 = affine_map<(d0, d1) -> (0, 0)>
module attributes {stable_mosaic.version = 14 : i64} {
  func.func @_sc_degree(%arg0: i32, %arg1: i32, %arg2: memref<32x80x128xi32, #tpu.memory_space<hbm>>, %arg3: memref<2x10240xf32, #tpu.memory_space<hbm>>, %arg4: memref<80x128xi32, #tpu.memory_space<vmem>>, %arg5: memref<10240xf32, #tpu.memory_space<vmem>>, %arg6: memref<16x640xf32, #tpu.memory_space<vmem>>, %arg7: memref<640xf32, #tpu.memory_space<vmem>>, %arg8: memref<16x10240xf32, #tpu.memory_space<vmem_shared>>, %arg9: memref<!tpu.dma_semaphore, #tpu.memory_space<semaphore_mem>>) attributes {dimension_semantics = [#tpu.dimension_semantics<core_parallel>, #tpu.dimension_semantics<subcore_parallel>], iteration_bounds = array<i64: 2, 16>, scalar_prefetch = 0 : i64, scratch_operands = 6 : i64, tpu.core_type = #tpu.core_type<sc_vector_subcore>, window_params = [{transform_indices = #map}, {transform_indices = #map1}]} {
    %mul3A = arith.constant 16 : i32
    %mul3A_0 = arith.muli %arg0, %mul3A : i32
    %add3A = arith.addi %mul3A_0, %arg1 : i32
    %dma_start3A = arith.constant 0 : i32
    %dma_start3A_1 = arith.constant 0 : i32
    %dma_start3A_2 = tpu.memref_slice %arg2[%add3A, %dma_start3A, %dma_start3A_1] : memref<32x80x128xi32, #tpu.memory_space<hbm>> -> memref<1x80x128xi32, #tpu.memory_space<hbm>>
    %dma_start3A_3 = tpu.memref_squeeze %dma_start3A_2 : memref<1x80x128xi32, #tpu.memory_space<hbm>> -> memref<80x128xi32, #tpu.memory_space<hbm>>
    %dma_start3A_4 = arith.constant 0 : i32
    %dma_start3A_5 = arith.constant 0 : i32
    %dma_start3A_6 = tpu.memref_slice %arg2[%add3A, %dma_start3A_4, %dma_start3A_5] : memref<32x80x128xi32, #tpu.memory_space<hbm>> -> memref<1x80x128xi32, #tpu.memory_space<hbm>>
    %dma_start3A_7 = tpu.memref_squeeze %dma_start3A_6 : memref<1x80x128xi32, #tpu.memory_space<hbm>> -> memref<80x128xi32, #tpu.memory_space<hbm>>
    tpu.enqueue_dma source(%dma_start3A_7 : memref<80x128xi32, #tpu.memory_space<hbm>>) target(%arg4 : memref<80x128xi32, #tpu.memory_space<vmem>>) target_semaphore(%arg9 : memref<!tpu.dma_semaphore, #tpu.memory_space<semaphore_mem>>)
    %scan3A = arith.constant 0 : i32
    %scan3A_8 = arith.constant 640 : i32
    %scan3A_9 = arith.addi %scan3A, %scan3A_8 : i32
    %scan3A_10 = arith.constant 1 : i32
    scf.for %scan3A_34 = %scan3A to %scan3A_9 step %scan3A_10  : i32 {
      %mul3A_35 = arith.constant 16 : i32
      %mul3A_36 = arith.muli %scan3A_34, %mul3A_35 : i32
      %add3A_37 = arith.constant 0 : i32
      %add3A_38 = arith.addi %add3A_37, %mul3A_36 : i32
      %broadcast_in_dim3A_39 = arith.constant 0.000000e+00 : f32
      %broadcast_in_dim3A_40 = vector.broadcast %broadcast_in_dim3A_39 : f32 to vector<16xf32>
      %swap3A = arith.index_cast %add3A_38 : i32 to index
      %swap3A_41 = tpu.vector_load %arg5[%swap3A] {strides = array<i32>} : memref<10240xf32, #tpu.memory_space<vmem>>, vector<16xf32>,
      tpu.vector_store %arg5[%swap3A], %broadcast_in_dim3A_40 {strides = array<i32>} : memref<10240xf32, #tpu.memory_space<vmem>>, vector<16xf32>,
    }
    %scan3A_11 = arith.constant 640 : i32
    %dma_wait3A = arith.constant 0 : i32
    %dma_wait3A_12 = arith.constant 0 : i32
    %dma_wait3A_13 = tpu.memref_slice %arg2[%add3A, %dma_wait3A, %dma_wait3A_12] : memref<32x80x128xi32, #tpu.memory_space<hbm>> -> memref<1x80x128xi32, #tpu.memory_space<hbm>>
    %dma_wait3A_14 = tpu.memref_squeeze %dma_wait3A_13 : memref<1x80x128xi32, #tpu.memory_space<hbm>> -> memref<80x128xi32, #tpu.memory_space<hbm>>
    %dma_wait3A_15 = arith.constant 0 : i32
    %dma_wait3A_16 = arith.constant 0 : i32
    %dma_wait3A_17 = tpu.memref_slice %arg2[%add3A, %dma_wait3A_15, %dma_wait3A_16] : memref<32x80x128xi32, #tpu.memory_space<hbm>> -> memref<1x80x128xi32, #tpu.memory_space<hbm>>
    %dma_wait3A_18 = tpu.memref_squeeze %dma_wait3A_17 : memref<1x80x128xi32, #tpu.memory_space<hbm>> -> memref<80x128xi32, #tpu.memory_space<hbm>>
    tpu.wait_dma2 semaphore(%arg9 : memref<!tpu.dma_semaphore, #tpu.memory_space<semaphore_mem>>) src(%dma_wait3A_18 : memref<80x128xi32, #tpu.memory_space<hbm>>) dst(%arg4 : memref<80x128xi32, #tpu.memory_space<vmem>>)
    %iota3A = tpu.iota {dimensions = array<i32: 0>} : vector<16xi32>
    %broadcast_in_dim3A = arith.constant 1.000000e+00 : f32
    %broadcast_in_dim3A_19 = vector.broadcast %broadcast_in_dim3A : f32 to vector<16xf32>
    %scan3A_20 = arith.constant 0 : i32
    %scan3A_21 = arith.constant 80 : i32
    %scan3A_22 = arith.addi %scan3A_20, %scan3A_21 : i32
    %scan3A_23 = arith.constant 1 : i32
    scf.for %scan3A_34 = %scan3A_20 to %scan3A_22 step %scan3A_23  : i32 {
      %mul3A_35 = arith.constant 1 : i32
      %mul3A_36 = arith.muli %scan3A_34, %mul3A_35 : i32
      %add3A_37 = arith.constant 0 : i32
      %add3A_38 = arith.addi %add3A_37, %mul3A_36 : i32
      %scan3A_39 = arith.constant 0 : i32
      %scan3A_40 = arith.constant 8 : i32
      %scan3A_41 = arith.addi %scan3A_39, %scan3A_40 : i32
      %scan3A_42 = arith.constant 1 : i32
      scf.for %scan3A_44 = %scan3A_39 to %scan3A_41 step %scan3A_42  : i32 {
        %mul3A_45 = arith.constant 16 : i32
        %mul3A_46 = arith.muli %scan3A_44, %mul3A_45 : i32
        %add3A_47 = arith.constant 0 : i32
        %add3A_48 = arith.addi %add3A_47, %mul3A_46 : i32
        %get3A = arith.index_cast %add3A_38 : i32 to index
        %get3A_49 = arith.index_cast %add3A_48 : i32 to index
        %get3A_50 = tpu.vector_load %arg4[%get3A, %get3A_49] {strides = array<i32>} : memref<80x128xi32, #tpu.memory_space<vmem>>, vector<16xi32>,
        %masked_sort3A = arith.constant dense<true> : vector<16xi1>
        %masked_sort3A_51 = arith.constant -2147483648 : i32
        %masked_sort3A_52 = vector.broadcast %masked_sort3A_51 : i32 to vector<16xi32>
        %masked_sort3A_53 = arith.xori %get3A_50, %masked_sort3A_52 : vector<16xi32>
        %masked_sort3A_54, %masked_sort3A_55, %masked_sort3A_56 = tpu.sort %masked_sort3A_53, %broadcast_in_dim3A_19 masked %masked_sort3A : (vector<16xi32>, vector<16xf32>, vector<16xi1>) -> (vector<16xi1>, vector<16xi32>, vector<16xf32>)
        %masked_sort3A_57 = arith.xori %masked_sort3A_55, %masked_sort3A_52 : vector<16xi32>
        %sub3A = arith.constant 1 : i32
        %sub3A_58 = vector.broadcast %sub3A : i32 to vector<16xi32>
        %sub3A_59 = arith.subi %iota3A, %sub3A_58 : vector<16xi32>
        %max3A = arith.constant 0 : i32
        %max3A_60 = vector.broadcast %max3A : i32 to vector<16xi32>
        %max3A_61 = arith.maxsi %sub3A_59, %max3A_60 : vector<16xi32>
        %reshape3A = vector.shape_cast %max3A_61 : vector<16xi32> to vector<16x1xi32>
        %gather3A = vector.shape_cast %reshape3A : vector<16x1xi32> to vector<16xi32>
        %gather3A_62 = tpu.dynamic_gather %masked_sort3A_57[%gather3A] in [0] : vector<16xi32>, vector<16xi32> -> vector<16xi32>
        %ge3A = arith.constant 1 : i32
        %ge3A_63 = vector.broadcast %ge3A : i32 to vector<16xi32>
        %ge3A_64 = arith.cmpi sge, %iota3A, %ge3A_63 : vector<16xi32>
        %jit3A = arith.constant -1 : i32
        %broadcast_in_dim3A_65 = vector.broadcast %jit3A : i32 to vector<16xi32>
        %select_n3A = arith.select %ge3A_64, %gather3A_62, %broadcast_in_dim3A_65 : vector<16xi1>, vector<16xi32>
        %sub3A_66 = arith.constant 1 : i32
        %sub3A_67 = vector.broadcast %sub3A_66 : i32 to vector<16xi32>
        %sub3A_68 = arith.subi %iota3A, %sub3A_67 : vector<16xi32>
        %max3A_69 = arith.constant 0 : i32
        %max3A_70 = vector.broadcast %max3A_69 : i32 to vector<16xi32>
        %max3A_71 = arith.maxsi %sub3A_68, %max3A_70 : vector<16xi32>
        %reshape3A_72 = vector.shape_cast %max3A_71 : vector<16xi32> to vector<16x1xi32>
        %gather3A_73 = vector.shape_cast %reshape3A_72 : vector<16x1xi32> to vector<16xi32>
        %gather3A_74 = tpu.dynamic_gather %masked_sort3A_56[%gather3A_73] in [0] : vector<16xf32>, vector<16xi32> -> vector<16xf32>
        %ge3A_75 = arith.constant 1 : i32
        %ge3A_76 = vector.broadcast %ge3A_75 : i32 to vector<16xi32>
        %ge3A_77 = arith.cmpi sge, %iota3A, %ge3A_76 : vector<16xi32>
        %jit3A_78 = arith.constant 0.000000e+00 : f32
        %broadcast_in_dim3A_79 = vector.broadcast %jit3A_78 : f32 to vector<16xf32>
        %select_n3A_80 = arith.select %ge3A_77, %gather3A_74, %broadcast_in_dim3A_79 : vector<16xi1>, vector<16xf32>
        %eq3A = arith.cmpi eq, %masked_sort3A_57, %select_n3A : vector<16xi32>
        %jit3A_81 = arith.constant 0.000000e+00 : f32
        %broadcast_in_dim3A_82 = vector.broadcast %jit3A_81 : f32 to vector<16xf32>
        %select_n3A_83 = arith.select %eq3A, %select_n3A_80, %broadcast_in_dim3A_82 : vector<16xi1>, vector<16xf32>
        %add3A_84 = arith.addf %masked_sort3A_56, %select_n3A_83 : vector<16xf32>
        %sub3A_85 = arith.constant 2 : i32
        %sub3A_86 = vector.broadcast %sub3A_85 : i32 to vector<16xi32>
        %sub3A_87 = arith.subi %iota3A, %sub3A_86 : vector<16xi32>
        %max3A_88 = arith.constant 0 : i32
        %max3A_89 = vector.broadcast %max3A_88 : i32 to vector<16xi32>
        %max3A_90 = arith.maxsi %sub3A_87, %max3A_89 : vector<16xi32>
        %reshape3A_91 = vector.shape_cast %max3A_90 : vector<16xi32> to vector<16x1xi32>
        %gather3A_92 = vector.shape_cast %reshape3A_91 : vector<16x1xi32> to vector<16xi32>
        %gather3A_93 = tpu.dynamic_gather %masked_sort3A_57[%gather3A_92] in [0] : vector<16xi32>, vector<16xi32> -> vector<16xi32>
        %ge3A_94 = arith.constant 2 : i32
        %ge3A_95 = vector.broadcast %ge3A_94 : i32 to vector<16xi32>
        %ge3A_96 = arith.cmpi sge, %iota3A, %ge3A_95 : vector<16xi32>
        %jit3A_97 = arith.constant -1 : i32
        %broadcast_in_dim3A_98 = vector.broadcast %jit3A_97 : i32 to vector<16xi32>
        %select_n3A_99 = arith.select %ge3A_96, %gather3A_93, %broadcast_in_dim3A_98 : vector<16xi1>, vector<16xi32>
        %sub3A_100 = arith.constant 2 : i32
        %sub3A_101 = vector.broadcast %sub3A_100 : i32 to vector<16xi32>
        %sub3A_102 = arith.subi %iota3A, %sub3A_101 : vector<16xi32>
        %max3A_103 = arith.constant 0 : i32
        %max3A_104 = vector.broadcast %max3A_103 : i32 to vector<16xi32>
        %max3A_105 = arith.maxsi %sub3A_102, %max3A_104 : vector<16xi32>
        %reshape3A_106 = vector.shape_cast %max3A_105 : vector<16xi32> to vector<16x1xi32>
        %gather3A_107 = vector.shape_cast %reshape3A_106 : vector<16x1xi32> to vector<16xi32>
        %gather3A_108 = tpu.dynamic_gather %add3A_84[%gather3A_107] in [0] : vector<16xf32>, vector<16xi32> -> vector<16xf32>
        %ge3A_109 = arith.constant 2 : i32
        %ge3A_110 = vector.broadcast %ge3A_109 : i32 to vector<16xi32>
        %ge3A_111 = arith.cmpi sge, %iota3A, %ge3A_110 : vector<16xi32>
        %jit3A_112 = arith.constant 0.000000e+00 : f32
        %broadcast_in_dim3A_113 = vector.broadcast %jit3A_112 : f32 to vector<16xf32>
        %select_n3A_114 = arith.select %ge3A_111, %gather3A_108, %broadcast_in_dim3A_113 : vector<16xi1>, vector<16xf32>
        %eq3A_115 = arith.cmpi eq, %masked_sort3A_57, %select_n3A_99 : vector<16xi32>
        %jit3A_116 = arith.constant 0.000000e+00 : f32
        %broadcast_in_dim3A_117 = vector.broadcast %jit3A_116 : f32 to vector<16xf32>
        %select_n3A_118 = arith.select %eq3A_115, %select_n3A_114, %broadcast_in_dim3A_117 : vector<16xi1>, vector<16xf32>
        %add3A_119 = arith.addf %add3A_84, %select_n3A_118 : vector<16xf32>
        %sub3A_120 = arith.constant 4 : i32
        %sub3A_121 = vector.broadcast %sub3A_120 : i32 to vector<16xi32>
        %sub3A_122 = arith.subi %iota3A, %sub3A_121 : vector<16xi32>
        %max3A_123 = arith.constant 0 : i32
        %max3A_124 = vector.broadcast %max3A_123 : i32 to vector<16xi32>
        %max3A_125 = arith.maxsi %sub3A_122, %max3A_124 : vector<16xi32>
        %reshape3A_126 = vector.shape_cast %max3A_125 : vector<16xi32> to vector<16x1xi32>
        %gather3A_127 = vector.shape_cast %reshape3A_126 : vector<16x1xi32> to vector<16xi32>
        %gather3A_128 = tpu.dynamic_gather %masked_sort3A_57[%gather3A_127] in [0] : vector<16xi32>, vector<16xi32> -> vector<16xi32>
        %ge3A_129 = arith.constant 4 : i32
        %ge3A_130 = vector.broadcast %ge3A_129 : i32 to vector<16xi32>
        %ge3A_131 = arith.cmpi sge, %iota3A, %ge3A_130 : vector<16xi32>
        %jit3A_132 = arith.constant -1 : i32
        %broadcast_in_dim3A_133 = vector.broadcast %jit3A_132 : i32 to vector<16xi32>
        %select_n3A_134 = arith.select %ge3A_131, %gather3A_128, %broadcast_in_dim3A_133 : vector<16xi1>, vector<16xi32>
        %sub3A_135 = arith.constant 4 : i32
        %sub3A_136 = vector.broadcast %sub3A_135 : i32 to vector<16xi32>
        %sub3A_137 = arith.subi %iota3A, %sub3A_136 : vector<16xi32>
        %max3A_138 = arith.constant 0 : i32
        %max3A_139 = vector.broadcast %max3A_138 : i32 to vector<16xi32>
        %max3A_140 = arith.maxsi %sub3A_137, %max3A_139 : vector<16xi32>
        %reshape3A_141 = vector.shape_cast %max3A_140 : vector<16xi32> to vector<16x1xi32>
        %gather3A_142 = vector.shape_cast %reshape3A_141 : vector<16x1xi32> to vector<16xi32>
        %gather3A_143 = tpu.dynamic_gather %add3A_119[%gather3A_142] in [0] : vector<16xf32>, vector<16xi32> -> vector<16xf32>
        %ge3A_144 = arith.constant 4 : i32
        %ge3A_145 = vector.broadcast %ge3A_144 : i32 to vector<16xi32>
        %ge3A_146 = arith.cmpi sge, %iota3A, %ge3A_145 : vector<16xi32>
        %jit3A_147 = arith.constant 0.000000e+00 : f32
        %broadcast_in_dim3A_148 = vector.broadcast %jit3A_147 : f32 to vector<16xf32>
        %select_n3A_149 = arith.select %ge3A_146, %gather3A_143, %broadcast_in_dim3A_148 : vector<16xi1>, vector<16xf32>
        %eq3A_150 = arith.cmpi eq, %masked_sort3A_57, %select_n3A_134 : vector<16xi32>
        %jit3A_151 = arith.constant 0.000000e+00 : f32
        %broadcast_in_dim3A_152 = vector.broadcast %jit3A_151 : f32 to vector<16xf32>
        %select_n3A_153 = arith.select %eq3A_150, %select_n3A_149, %broadcast_in_dim3A_152 : vector<16xi1>, vector<16xf32>
        %add3A_154 = arith.addf %add3A_119, %select_n3A_153 : vector<16xf32>
        %sub3A_155 = arith.constant 8 : i32
        %sub3A_156 = vector.broadcast %sub3A_155 : i32 to vector<16xi32>
        %sub3A_157 = arith.subi %iota3A, %sub3A_156 : vector<16xi32>
        %max3A_158 = arith.constant 0 : i32
        %max3A_159 = vector.broadcast %max3A_158 : i32 to vector<16xi32>
        %max3A_160 = arith.maxsi %sub3A_157, %max3A_159 : vector<16xi32>
        %reshape3A_161 = vector.shape_cast %max3A_160 : vector<16xi32> to vector<16x1xi32>
        %gather3A_162 = vector.shape_cast %reshape3A_161 : vector<16x1xi32> to vector<16xi32>
        %gather3A_163 = tpu.dynamic_gather %masked_sort3A_57[%gather3A_162] in [0] : vector<16xi32>, vector<16xi32> -> vector<16xi32>
        %ge3A_164 = arith.constant 8 : i32
        %ge3A_165 = vector.broadcast %ge3A_164 : i32 to vector<16xi32>
        %ge3A_166 = arith.cmpi sge, %iota3A, %ge3A_165 : vector<16xi32>
        %jit3A_167 = arith.constant -1 : i32
        %broadcast_in_dim3A_168 = vector.broadcast %jit3A_167 : i32 to vector<16xi32>
        %select_n3A_169 = arith.select %ge3A_166, %gather3A_163, %broadcast_in_dim3A_168 : vector<16xi1>, vector<16xi32>
        %sub3A_170 = arith.constant 8 : i32
        %sub3A_171 = vector.broadcast %sub3A_170 : i32 to vector<16xi32>
        %sub3A_172 = arith.subi %iota3A, %sub3A_171 : vector<16xi32>
        %max3A_173 = arith.constant 0 : i32
        %max3A_174 = vector.broadcast %max3A_173 : i32 to vector<16xi32>
        %max3A_175 = arith.maxsi %sub3A_172, %max3A_174 : vector<16xi32>
        %reshape3A_176 = vector.shape_cast %max3A_175 : vector<16xi32> to vector<16x1xi32>
        %gather3A_177 = vector.shape_cast %reshape3A_176 : vector<16x1xi32> to vector<16xi32>
        %gather3A_178 = tpu.dynamic_gather %add3A_154[%gather3A_177] in [0] : vector<16xf32>, vector<16xi32> -> vector<16xf32>
        %ge3A_179 = arith.constant 8 : i32
        %ge3A_180 = vector.broadcast %ge3A_179 : i32 to vector<16xi32>
        %ge3A_181 = arith.cmpi sge, %iota3A, %ge3A_180 : vector<16xi32>
        %jit3A_182 = arith.constant 0.000000e+00 : f32
        %broadcast_in_dim3A_183 = vector.broadcast %jit3A_182 : f32 to vector<16xf32>
        %select_n3A_184 = arith.select %ge3A_181, %gather3A_178, %broadcast_in_dim3A_183 : vector<16xi1>, vector<16xf32>
        %eq3A_185 = arith.cmpi eq, %masked_sort3A_57, %select_n3A_169 : vector<16xi32>
        %jit3A_186 = arith.constant 0.000000e+00 : f32
        %broadcast_in_dim3A_187 = vector.broadcast %jit3A_186 : f32 to vector<16xf32>
        %select_n3A_188 = arith.select %eq3A_185, %select_n3A_184, %broadcast_in_dim3A_187 : vector<16xi1>, vector<16xf32>
        %add3A_189 = arith.addf %add3A_154, %select_n3A_188 : vector<16xf32>
        %add3A_190 = arith.constant 1 : i32
        %add3A_191 = vector.broadcast %add3A_190 : i32 to vector<16xi32>
        %add3A_192 = arith.addi %iota3A, %add3A_191 : vector<16xi32>
        %min3A = arith.constant 15 : i32
        %min3A_193 = vector.broadcast %min3A : i32 to vector<16xi32>
        %min3A_194 = arith.minsi %add3A_192, %min3A_193 : vector<16xi32>
        %reshape3A_195 = vector.shape_cast %min3A_194 : vector<16xi32> to vector<16x1xi32>
        %gather3A_196 = vector.shape_cast %reshape3A_195 : vector<16x1xi32> to vector<16xi32>
        %gather3A_197 = tpu.dynamic_gather %masked_sort3A_57[%gather3A_196] in [0] : vector<16xi32>, vector<16xi32> -> vector<16xi32>
        %eq3A_198 = arith.constant 15 : i32
        %eq3A_199 = vector.broadcast %eq3A_198 : i32 to vector<16xi32>
        %eq3A_200 = arith.cmpi eq, %iota3A, %eq3A_199 : vector<16xi32>
        %jit3A_201 = arith.constant -2 : i32
        %broadcast_in_dim3A_202 = vector.broadcast %jit3A_201 : i32 to vector<16xi32>
        %select_n3A_203 = arith.select %eq3A_200, %broadcast_in_dim3A_202, %gather3A_197 : vector<16xi1>, vector<16xi32>
        %ne3A = arith.cmpi ne, %select_n3A_203, %masked_sort3A_57 : vector<16xi32>
        tpu.vector_store_idx %arg5[%masked_sort3A_57], %add3A_189 masked %ne3A {add = true} : memref<10240xf32, #tpu.memory_space<vmem>>[vector<16xi32>], vector<16xf32>, vector<16xi1>
      }
      %scan3A_43 = arith.constant 8 : i32
    }
    %scan3A_24 = arith.constant 80 : i32
    "tpu.region"() ({
      %run_scoped3A = tpu.sem_alloc : memref<!tpu.dma_semaphore, #tpu.memory_space<semaphore_mem>>
      %dma_start3A_34 = arith.constant 0 : i32
      %dma_start3A_35 = tpu.memref_slice %arg8[%arg1, %dma_start3A_34] : memref<16x10240xf32, #tpu.memory_space<vmem_shared>> -> memref<1x10240xf32, #tpu.memory_space<vmem_shared>>
      %dma_start3A_36 = tpu.memref_squeeze %dma_start3A_35 : memref<1x10240xf32, #tpu.memory_space<vmem_shared>> -> memref<10240xf32, #tpu.memory_space<vmem_shared>>
      %dma_start3A_37 = arith.constant 0 : i32
      %dma_start3A_38 = tpu.memref_slice %arg8[%arg1, %dma_start3A_37] : memref<16x10240xf32, #tpu.memory_space<vmem_shared>> -> memref<1x10240xf32, #tpu.memory_space<vmem_shared>>
      %dma_start3A_39 = tpu.memref_squeeze %dma_start3A_38 : memref<1x10240xf32, #tpu.memory_space<vmem_shared>> -> memref<10240xf32, #tpu.memory_space<vmem_shared>>
      tpu.enqueue_dma source(%arg5 : memref<10240xf32, #tpu.memory_space<vmem>>) target(%dma_start3A_39 : memref<10240xf32, #tpu.memory_space<vmem_shared>>) target_semaphore(%run_scoped3A : memref<!tpu.dma_semaphore, #tpu.memory_space<semaphore_mem>>)
      %dma_wait3A_40 = arith.constant 0 : i32
      %dma_wait3A_41 = tpu.memref_slice %arg8[%arg1, %dma_wait3A_40] : memref<16x10240xf32, #tpu.memory_space<vmem_shared>> -> memref<1x10240xf32, #tpu.memory_space<vmem_shared>>
      %dma_wait3A_42 = tpu.memref_squeeze %dma_wait3A_41 : memref<1x10240xf32, #tpu.memory_space<vmem_shared>> -> memref<10240xf32, #tpu.memory_space<vmem_shared>>
      %dma_wait3A_43 = arith.constant 0 : i32
      %dma_wait3A_44 = tpu.memref_slice %arg8[%arg1, %dma_wait3A_43] : memref<16x10240xf32, #tpu.memory_space<vmem_shared>> -> memref<1x10240xf32, #tpu.memory_space<vmem_shared>>
      %dma_wait3A_45 = tpu.memref_squeeze %dma_wait3A_44 : memref<1x10240xf32, #tpu.memory_space<vmem_shared>> -> memref<10240xf32, #tpu.memory_space<vmem_shared>>
      tpu.wait_dma2 semaphore(%run_scoped3A : memref<!tpu.dma_semaphore, #tpu.memory_space<semaphore_mem>>) src(%arg5 : memref<10240xf32, #tpu.memory_space<vmem>>) dst(%dma_wait3A_45 : memref<10240xf32, #tpu.memory_space<vmem_shared>>)
      tpu.yield
    }) : () -> ()
    %barrier3A = arith.constant 0 : index
    tpu.barrier barrier_id(%barrier3A)
    %mul3A_25 = arith.constant 640 : i32
    %mul3A_26 = arith.muli %arg1, %mul3A_25 : i32
    "tpu.region"() ({
      %run_scoped3A = tpu.sem_alloc : memref<!tpu.dma_semaphore, #tpu.memory_space<semaphore_mem>>
      %dma_start3A_34 = arith.constant 0 : i32
      %dma_start3A_35 = tpu.memref_slice %arg8[%dma_start3A_34, %mul3A_26] : memref<16x10240xf32, #tpu.memory_space<vmem_shared>> -> memref<16x640xf32, #tpu.memory_space<vmem_shared>>
      %dma_start3A_36 = arith.constant 0 : i32
      %dma_start3A_37 = tpu.memref_slice %arg8[%dma_start3A_36, %mul3A_26] : memref<16x10240xf32, #tpu.memory_space<vmem_shared>> -> memref<16x640xf32, #tpu.memory_space<vmem_shared>>
      tpu.enqueue_dma source(%dma_start3A_37 : memref<16x640xf32, #tpu.memory_space<vmem_shared>>) target(%arg6 : memref<16x640xf32, #tpu.memory_space<vmem>>) target_semaphore(%run_scoped3A : memref<!tpu.dma_semaphore, #tpu.memory_space<semaphore_mem>>)
      %dma_wait3A_38 = arith.constant 0 : i32
      %dma_wait3A_39 = tpu.memref_slice %arg8[%dma_wait3A_38, %mul3A_26] : memref<16x10240xf32, #tpu.memory_space<vmem_shared>> -> memref<16x640xf32, #tpu.memory_space<vmem_shared>>
      %dma_wait3A_40 = arith.constant 0 : i32
      %dma_wait3A_41 = tpu.memref_slice %arg8[%dma_wait3A_40, %mul3A_26] : memref<16x10240xf32, #tpu.memory_space<vmem_shared>> -> memref<16x640xf32, #tpu.memory_space<vmem_shared>>
      tpu.wait_dma2 semaphore(%run_scoped3A : memref<!tpu.dma_semaphore, #tpu.memory_space<semaphore_mem>>) src(%dma_wait3A_41 : memref<16x640xf32, #tpu.memory_space<vmem_shared>>) dst(%arg6 : memref<16x640xf32, #tpu.memory_space<vmem>>)
      tpu.yield
    }) : () -> ()
    %scan3A_27 = arith.constant 0 : i32
    %scan3A_28 = arith.constant 40 : i32
    %scan3A_29 = arith.addi %scan3A_27, %scan3A_28 : i32
    %scan3A_30 = arith.constant 1 : i32
    scf.for %scan3A_34 = %scan3A_27 to %scan3A_29 step %scan3A_30  : i32 {
      %mul3A_35 = arith.constant 16 : i32
      %mul3A_36 = arith.muli %scan3A_34, %mul3A_35 : i32
      %add3A_37 = arith.constant 0 : i32
      %add3A_38 = arith.addi %add3A_37, %mul3A_36 : i32
      %broadcast_in_dim3A_39 = arith.constant 0.000000e+00 : f32
      %broadcast_in_dim3A_40 = vector.broadcast %broadcast_in_dim3A_39 : f32 to vector<16xf32>
      %get3A = arith.constant 0 : i32
      %get3A_41 = arith.index_cast %get3A : i32 to index
      %get3A_42 = arith.index_cast %add3A_38 : i32 to index
      %get3A_43 = tpu.vector_load %arg6[%get3A_41, %get3A_42] {strides = array<i32>} : memref<16x640xf32, #tpu.memory_space<vmem>>, vector<16xf32>,
      %add3A_44 = arith.addf %broadcast_in_dim3A_40, %get3A_43 : vector<16xf32>
      %get3A_45 = arith.constant 1 : i32
      %get3A_46 = arith.index_cast %get3A_45 : i32 to index
      %get3A_47 = arith.index_cast %add3A_38 : i32 to index
      %get3A_48 = tpu.vector_load %arg6[%get3A_46, %get3A_47] {strides = array<i32>} : memref<16x640xf32, #tpu.memory_space<vmem>>, vector<16xf32>,
      %add3A_49 = arith.addf %add3A_44, %get3A_48 : vector<16xf32>
      %get3A_50 = arith.constant 2 : i32
      %get3A_51 = arith.index_cast %get3A_50 : i32 to index
      %get3A_52 = arith.index_cast %add3A_38 : i32 to index
      %get3A_53 = tpu.vector_load %arg6[%get3A_51, %get3A_52] {strides = array<i32>} : memref<16x640xf32, #tpu.memory_space<vmem>>, vector<16xf32>,
      %add3A_54 = arith.addf %add3A_49, %get3A_53 : vector<16xf32>
      %get3A_55 = arith.constant 3 : i32
      %get3A_56 = arith.index_cast %get3A_55 : i32 to index
      %get3A_57 = arith.index_cast %add3A_38 : i32 to index
      %get3A_58 = tpu.vector_load %arg6[%get3A_56, %get3A_57] {strides = array<i32>} : memref<16x640xf32, #tpu.memory_space<vmem>>, vector<16xf32>,
      %add3A_59 = arith.addf %add3A_54, %get3A_58 : vector<16xf32>
      %get3A_60 = arith.constant 4 : i32
      %get3A_61 = arith.index_cast %get3A_60 : i32 to index
      %get3A_62 = arith.index_cast %add3A_38 : i32 to index
      %get3A_63 = tpu.vector_load %arg6[%get3A_61, %get3A_62] {strides = array<i32>} : memref<16x640xf32, #tpu.memory_space<vmem>>, vector<16xf32>,
      %add3A_64 = arith.addf %add3A_59, %get3A_63 : vector<16xf32>
      %get3A_65 = arith.constant 5 : i32
      %get3A_66 = arith.index_cast %get3A_65 : i32 to index
      %get3A_67 = arith.index_cast %add3A_38 : i32 to index
      %get3A_68 = tpu.vector_load %arg6[%get3A_66, %get3A_67] {strides = array<i32>} : memref<16x640xf32, #tpu.memory_space<vmem>>, vector<16xf32>,
      %add3A_69 = arith.addf %add3A_64, %get3A_68 : vector<16xf32>
      %get3A_70 = arith.constant 6 : i32
      %get3A_71 = arith.index_cast %get3A_70 : i32 to index
      %get3A_72 = arith.index_cast %add3A_38 : i32 to index
      %get3A_73 = tpu.vector_load %arg6[%get3A_71, %get3A_72] {strides = array<i32>} : memref<16x640xf32, #tpu.memory_space<vmem>>, vector<16xf32>,
      %add3A_74 = arith.addf %add3A_69, %get3A_73 : vector<16xf32>
      %get3A_75 = arith.constant 7 : i32
      %get3A_76 = arith.index_cast %get3A_75 : i32 to index
      %get3A_77 = arith.index_cast %add3A_38 : i32 to index
      %get3A_78 = tpu.vector_load %arg6[%get3A_76, %get3A_77] {strides = array<i32>} : memref<16x640xf32, #tpu.memory_space<vmem>>, vector<16xf32>,
      %add3A_79 = arith.addf %add3A_74, %get3A_78 : vector<16xf32>
      %get3A_80 = arith.constant 8 : i32
      %get3A_81 = arith.index_cast %get3A_80 : i32 to index
      %get3A_82 = arith.index_cast %add3A_38 : i32 to index
      %get3A_83 = tpu.vector_load %arg6[%get3A_81, %get3A_82] {strides = array<i32>} : memref<16x640xf32, #tpu.memory_space<vmem>>, vector<16xf32>,
      %add3A_84 = arith.addf %add3A_79, %get3A_83 : vector<16xf32>
      %get3A_85 = arith.constant 9 : i32
      %get3A_86 = arith.index_cast %get3A_85 : i32 to index
      %get3A_87 = arith.index_cast %add3A_38 : i32 to index
      %get3A_88 = tpu.vector_load %arg6[%get3A_86, %get3A_87] {strides = array<i32>} : memref<16x640xf32, #tpu.memory_space<vmem>>, vector<16xf32>,
      %add3A_89 = arith.addf %add3A_84, %get3A_88 : vector<16xf32>
      %get3A_90 = arith.constant 10 : i32
      %get3A_91 = arith.index_cast %get3A_90 : i32 to index
      %get3A_92 = arith.index_cast %add3A_38 : i32 to index
      %get3A_93 = tpu.vector_load %arg6[%get3A_91, %get3A_92] {strides = array<i32>} : memref<16x640xf32, #tpu.memory_space<vmem>>, vector<16xf32>,
      %add3A_94 = arith.addf %add3A_89, %get3A_93 : vector<16xf32>
      %get3A_95 = arith.constant 11 : i32
      %get3A_96 = arith.index_cast %get3A_95 : i32 to index
      %get3A_97 = arith.index_cast %add3A_38 : i32 to index
      %get3A_98 = tpu.vector_load %arg6[%get3A_96, %get3A_97] {strides = array<i32>} : memref<16x640xf32, #tpu.memory_space<vmem>>, vector<16xf32>,
      %add3A_99 = arith.addf %add3A_94, %get3A_98 : vector<16xf32>
      %get3A_100 = arith.constant 12 : i32
      %get3A_101 = arith.index_cast %get3A_100 : i32 to index
      %get3A_102 = arith.index_cast %add3A_38 : i32 to index
      %get3A_103 = tpu.vector_load %arg6[%get3A_101, %get3A_102] {strides = array<i32>} : memref<16x640xf32, #tpu.memory_space<vmem>>, vector<16xf32>,
      %add3A_104 = arith.addf %add3A_99, %get3A_103 : vector<16xf32>
      %get3A_105 = arith.constant 13 : i32
      %get3A_106 = arith.index_cast %get3A_105 : i32 to index
      %get3A_107 = arith.index_cast %add3A_38 : i32 to index
      %get3A_108 = tpu.vector_load %arg6[%get3A_106, %get3A_107] {strides = array<i32>} : memref<16x640xf32, #tpu.memory_space<vmem>>, vector<16xf32>,
      %add3A_109 = arith.addf %add3A_104, %get3A_108 : vector<16xf32>
      %get3A_110 = arith.constant 14 : i32
      %get3A_111 = arith.index_cast %get3A_110 : i32 to index
      %get3A_112 = arith.index_cast %add3A_38 : i32 to index
      %get3A_113 = tpu.vector_load %arg6[%get3A_111, %get3A_112] {strides = array<i32>} : memref<16x640xf32, #tpu.memory_space<vmem>>, vector<16xf32>,
      %add3A_114 = arith.addf %add3A_109, %get3A_113 : vector<16xf32>
      %get3A_115 = arith.constant 15 : i32
      %get3A_116 = arith.index_cast %get3A_115 : i32 to index
      %get3A_117 = arith.index_cast %add3A_38 : i32 to index
      %get3A_118 = tpu.vector_load %arg6[%get3A_116, %get3A_117] {strides = array<i32>} : memref<16x640xf32, #tpu.memory_space<vmem>>, vector<16xf32>,
      %add3A_119 = arith.addf %add3A_114, %get3A_118 : vector<16xf32>
      %swap3A = arith.index_cast %add3A_38 : i32 to index
      %swap3A_120 = tpu.vector_load %arg7[%swap3A] {strides = array<i32>} : memref<640xf32, #tpu.memory_space<vmem>>, vector<16xf32>,
      tpu.vector_store %arg7[%swap3A], %add3A_119 {strides = array<i32>} : memref<640xf32, #tpu.memory_space<vmem>>, vector<16xf32>,
    }
    %scan3A_31 = arith.constant 40 : i32
    %mul3A_32 = arith.constant 640 : i32
    %mul3A_33 = arith.muli %arg1, %mul3A_32 : i32
    "tpu.region"() ({
      %run_scoped3A = tpu.sem_alloc : memref<!tpu.dma_semaphore, #tpu.memory_space<semaphore_mem>>
      %dma_start3A_34 = tpu.memref_slice %arg3[%arg0, %mul3A_33] : memref<2x10240xf32, #tpu.memory_space<hbm>> -> memref<1x640xf32, #tpu.memory_space<hbm>>
      %dma_start3A_35 = tpu.memref_squeeze %dma_start3A_34 : memref<1x640xf32, #tpu.memory_space<hbm>> -> memref<640xf32, #tpu.memory_space<hbm>>
      %dma_start3A_36 = tpu.memref_slice %arg3[%arg0, %mul3A_33] : memref<2x10240xf32, #tpu.memory_space<hbm>> -> memref<1x640xf32, #tpu.memory_space<hbm>>
      %dma_start3A_37 = tpu.memref_squeeze %dma_start3A_36 : memref<1x640xf32, #tpu.memory_space<hbm>> -> memref<640xf32, #tpu.memory_space<hbm>>
      tpu.enqueue_dma source(%arg7 : memref<640xf32, #tpu.memory_space<vmem>>) target(%dma_start3A_37 : memref<640xf32, #tpu.memory_space<hbm>>) target_semaphore(%run_scoped3A : memref<!tpu.dma_semaphore, #tpu.memory_space<semaphore_mem>>)
      %dma_wait3A_38 = tpu.memref_slice %arg3[%arg0, %mul3A_33] : memref<2x10240xf32, #tpu.memory_space<hbm>> -> memref<1x640xf32, #tpu.memory_space<hbm>>
      %dma_wait3A_39 = tpu.memref_squeeze %dma_wait3A_38 : memref<1x640xf32, #tpu.memory_space<hbm>> -> memref<640xf32, #tpu.memory_space<hbm>>
      %dma_wait3A_40 = tpu.memref_slice %arg3[%arg0, %mul3A_33] : memref<2x10240xf32, #tpu.memory_space<hbm>> -> memref<1x640xf32, #tpu.memory_space<hbm>>
      %dma_wait3A_41 = tpu.memref_squeeze %dma_wait3A_40 : memref<1x640xf32, #tpu.memory_space<hbm>> -> memref<640xf32, #tpu.memory_space<hbm>>
      tpu.wait_dma2 semaphore(%run_scoped3A : memref<!tpu.dma_semaphore, #tpu.memory_space<semaphore_mem>>) src(%arg7 : memref<640xf32, #tpu.memory_space<vmem>>) dst(%dma_wait3A_41 : memref<640xf32, #tpu.memory_space<hbm>>)
      tpu.yield
    }) : () -> ()
    return
  }
}

#map = affine_map<(d0, d1) -> (0, 0)>
#map1 = affine_map<(d0, d1) -> (0, 0, 0)>
module attributes {stable_mosaic.version = 14 : i64} {
  func.func @_sc_spmm(%arg0: i32, %arg1: i32, %arg2: memref<10000x128xf32, #tpu.memory_space<hbm>>, %arg3: memref<32x80x128xi32, #tpu.memory_space<hbm>>, %arg4: memref<32x80x128xi32, #tpu.memory_space<hbm>>, %arg5: memref<2x10240x128xf32, #tpu.memory_space<hbm>>, %arg6: memref<40x128xi32, #tpu.memory_space<vmem>>, %arg7: memref<40x128xi32, #tpu.memory_space<vmem>>, %arg8: memref<128x128xf32, #tpu.memory_space<vmem>>, %arg9: memref<128x128xf32, #tpu.memory_space<vmem>>, %arg10: memref<10240x128xf32, #tpu.memory_space<vmem_shared>>, %arg11: memref<!tpu.dma_semaphore, #tpu.memory_space<semaphore_mem>>, %arg12: memref<!tpu.dma_semaphore, #tpu.memory_space<semaphore_mem>>, %arg13: memref<!tpu.dma_semaphore, #tpu.memory_space<semaphore_mem>>) attributes {dimension_semantics = [#tpu.dimension_semantics<core_parallel>, #tpu.dimension_semantics<subcore_parallel>], iteration_bounds = array<i64: 2, 16>, scalar_prefetch = 0 : i64, scratch_operands = 8 : i64, tpu.core_type = #tpu.core_type<sc_vector_subcore>, window_params = [{transform_indices = #map}, {transform_indices = #map1}, {transform_indices = #map1}, {transform_indices = #map1}]} {
    %mul3A = arith.constant 16 : i32
    %mul3A_0 = arith.muli %arg0, %mul3A : i32
    %add3A = arith.addi %mul3A_0, %arg1 : i32
    %dma_start3A = arith.constant 0 : i32
    %dma_start3A_1 = arith.constant 0 : i32
    %dma_start3A_2 = tpu.memref_slice %arg3[%add3A, %dma_start3A, %dma_start3A_1] : memref<32x80x128xi32, #tpu.memory_space<hbm>> -> memref<1x40x128xi32, #tpu.memory_space<hbm>>
    %dma_start3A_3 = tpu.memref_squeeze %dma_start3A_2 : memref<1x40x128xi32, #tpu.memory_space<hbm>> -> memref<40x128xi32, #tpu.memory_space<hbm>>
    %dma_start3A_4 = arith.constant 0 : i32
    %dma_start3A_5 = arith.constant 0 : i32
    %dma_start3A_6 = tpu.memref_slice %arg3[%add3A, %dma_start3A_4, %dma_start3A_5] : memref<32x80x128xi32, #tpu.memory_space<hbm>> -> memref<1x40x128xi32, #tpu.memory_space<hbm>>
    %dma_start3A_7 = tpu.memref_squeeze %dma_start3A_6 : memref<1x40x128xi32, #tpu.memory_space<hbm>> -> memref<40x128xi32, #tpu.memory_space<hbm>>
    tpu.enqueue_dma source(%dma_start3A_7 : memref<40x128xi32, #tpu.memory_space<hbm>>) target(%arg6 : memref<40x128xi32, #tpu.memory_space<vmem>>) target_semaphore(%arg13 : memref<!tpu.dma_semaphore, #tpu.memory_space<semaphore_mem>>)
    %dma_start3A_8 = arith.constant 0 : i32
    %dma_start3A_9 = arith.constant 0 : i32
    %dma_start3A_10 = tpu.memref_slice %arg4[%add3A, %dma_start3A_8, %dma_start3A_9] : memref<32x80x128xi32, #tpu.memory_space<hbm>> -> memref<1x40x128xi32, #tpu.memory_space<hbm>>
    %dma_start3A_11 = tpu.memref_squeeze %dma_start3A_10 : memref<1x40x128xi32, #tpu.memory_space<hbm>> -> memref<40x128xi32, #tpu.memory_space<hbm>>
    %dma_start3A_12 = arith.constant 0 : i32
    %dma_start3A_13 = arith.constant 0 : i32
    %dma_start3A_14 = tpu.memref_slice %arg4[%add3A, %dma_start3A_12, %dma_start3A_13] : memref<32x80x128xi32, #tpu.memory_space<hbm>> -> memref<1x40x128xi32, #tpu.memory_space<hbm>>
    %dma_start3A_15 = tpu.memref_squeeze %dma_start3A_14 : memref<1x40x128xi32, #tpu.memory_space<hbm>> -> memref<40x128xi32, #tpu.memory_space<hbm>>
    tpu.enqueue_dma source(%dma_start3A_15 : memref<40x128xi32, #tpu.memory_space<hbm>>) target(%arg7 : memref<40x128xi32, #tpu.memory_space<vmem>>) target_semaphore(%arg12 : memref<!tpu.dma_semaphore, #tpu.memory_space<semaphore_mem>>)
    %scan3A = arith.constant 0 : i32
    %scan3A_16 = arith.constant 128 : i32
    %scan3A_17 = arith.addi %scan3A, %scan3A_16 : i32
    %scan3A_18 = arith.constant 1 : i32
    scf.for %scan3A_106 = %scan3A to %scan3A_17 step %scan3A_18  : i32 {
      %mul3A_107 = arith.constant 1 : i32
      %mul3A_108 = arith.muli %scan3A_106, %mul3A_107 : i32
      %add3A_109 = arith.constant 0 : i32
      %add3A_110 = arith.addi %add3A_109, %mul3A_108 : i32
      %scan3A_111 = arith.constant 0 : i32
      %scan3A_112 = arith.constant 8 : i32
      %scan3A_113 = arith.addi %scan3A_111, %scan3A_112 : i32
      %scan3A_114 = arith.constant 1 : i32
      scf.for %scan3A_116 = %scan3A_111 to %scan3A_113 step %scan3A_114  : i32 {
        %mul3A_117 = arith.constant 16 : i32
        %mul3A_118 = arith.muli %scan3A_116, %mul3A_117 : i32
        %add3A_119 = arith.constant 0 : i32
        %add3A_120 = arith.addi %add3A_119, %mul3A_118 : i32
        %broadcast_in_dim3A = arith.constant 0.000000e+00 : f32
        %broadcast_in_dim3A_121 = vector.broadcast %broadcast_in_dim3A : f32 to vector<16xf32>
        %swap3A = arith.index_cast %add3A_110 : i32 to index
        %swap3A_122 = arith.index_cast %add3A_120 : i32 to index
        %swap3A_123 = tpu.vector_load %arg8[%swap3A, %swap3A_122] {strides = array<i32>} : memref<128x128xf32, #tpu.memory_space<vmem>>, vector<1x16xf32>,
        %swap3A_124 = vector.shape_cast %swap3A_123 : vector<1x16xf32> to vector<16xf32>
        %swap3A_125 = vector.shape_cast %broadcast_in_dim3A_121 : vector<16xf32> to vector<1x16xf32>
        tpu.vector_store %arg8[%swap3A, %swap3A_122], %swap3A_125 {strides = array<i32>} : memref<128x128xf32, #tpu.memory_space<vmem>>, vector<1x16xf32>,
      }
      %scan3A_115 = arith.constant 8 : i32
    }
    %scan3A_19 = arith.constant 128 : i32
    %scan3A_20 = arith.constant 0 : i32
    %scan3A_21 = arith.constant 5 : i32
    %scan3A_22 = arith.addi %scan3A_20, %scan3A_21 : i32
    %scan3A_23 = arith.constant 1 : i32
    scf.for %scan3A_106 = %scan3A_20 to %scan3A_22 step %scan3A_23  : i32 {
      %mul3A_107 = arith.constant 128 : i32
      %mul3A_108 = arith.muli %scan3A_106, %mul3A_107 : i32
      %add3A_109 = arith.constant 0 : i32
      %add3A_110 = arith.addi %add3A_109, %mul3A_108 : i32
      %mul3A_111 = arith.constant 640 : i32
      %mul3A_112 = arith.muli %arg1, %mul3A_111 : i32
      %add3A_113 = arith.addi %mul3A_112, %add3A_110 : i32
      %dma_start3A_114 = arith.constant 0 : i32
      %dma_start3A_115 = tpu.memref_slice %arg10[%add3A_113, %dma_start3A_114] : memref<10240x128xf32, #tpu.memory_space<vmem_shared>> -> memref<128x128xf32, #tpu.memory_space<vmem_shared>>
      %dma_start3A_116 = arith.constant 0 : i32
      %dma_start3A_117 = tpu.memref_slice %arg10[%add3A_113, %dma_start3A_116] : memref<10240x128xf32, #tpu.memory_space<vmem_shared>> -> memref<128x128xf32, #tpu.memory_space<vmem_shared>>
      tpu.enqueue_dma source(%arg8 : memref<128x128xf32, #tpu.memory_space<vmem>>) target(%dma_start3A_117 : memref<128x128xf32, #tpu.memory_space<vmem_shared>>) target_semaphore(%arg11 : memref<!tpu.dma_semaphore, #tpu.memory_space<semaphore_mem>>)
    }
    %scan3A_24 = arith.constant 5 : i32
    %scan3A_25 = arith.constant 0 : i32
    %scan3A_26 = arith.constant 5 : i32
    %scan3A_27 = arith.addi %scan3A_25, %scan3A_26 : i32
    %scan3A_28 = arith.constant 1 : i32
    scf.for %scan3A_106 = %scan3A_25 to %scan3A_27 step %scan3A_28  : i32 {
      %mul3A_107 = arith.constant 128 : i32
      %mul3A_108 = arith.muli %scan3A_106, %mul3A_107 : i32
      %add3A_109 = arith.constant 0 : i32
      %add3A_110 = arith.addi %add3A_109, %mul3A_108 : i32
      %mul3A_111 = arith.constant 640 : i32
      %mul3A_112 = arith.muli %arg1, %mul3A_111 : i32
      %add3A_113 = arith.addi %mul3A_112, %add3A_110 : i32
      %dma_wait3A_114 = arith.constant 0 : i32
      %dma_wait3A_115 = tpu.memref_slice %arg10[%add3A_113, %dma_wait3A_114] : memref<10240x128xf32, #tpu.memory_space<vmem_shared>> -> memref<128x128xf32, #tpu.memory_space<vmem_shared>>
      %dma_wait3A_116 = arith.constant 0 : i32
      %dma_wait3A_117 = tpu.memref_slice %arg10[%add3A_113, %dma_wait3A_116] : memref<10240x128xf32, #tpu.memory_space<vmem_shared>> -> memref<128x128xf32, #tpu.memory_space<vmem_shared>>
      tpu.wait_dma2 semaphore(%arg11 : memref<!tpu.dma_semaphore, #tpu.memory_space<semaphore_mem>>) src(%arg8 : memref<128x128xf32, #tpu.memory_space<vmem>>) dst(%dma_wait3A_117 : memref<128x128xf32, #tpu.memory_space<vmem_shared>>)
    }
    %scan3A_29 = arith.constant 5 : i32
    %dma_wait3A = arith.constant 0 : i32
    %dma_wait3A_30 = arith.constant 0 : i32
    %dma_wait3A_31 = tpu.memref_slice %arg3[%add3A, %dma_wait3A, %dma_wait3A_30] : memref<32x80x128xi32, #tpu.memory_space<hbm>> -> memref<1x40x128xi32, #tpu.memory_space<hbm>>
    %dma_wait3A_32 = tpu.memref_squeeze %dma_wait3A_31 : memref<1x40x128xi32, #tpu.memory_space<hbm>> -> memref<40x128xi32, #tpu.memory_space<hbm>>
    %dma_wait3A_33 = arith.constant 0 : i32
    %dma_wait3A_34 = arith.constant 0 : i32
    %dma_wait3A_35 = tpu.memref_slice %arg3[%add3A, %dma_wait3A_33, %dma_wait3A_34] : memref<32x80x128xi32, #tpu.memory_space<hbm>> -> memref<1x40x128xi32, #tpu.memory_space<hbm>>
    %dma_wait3A_36 = tpu.memref_squeeze %dma_wait3A_35 : memref<1x40x128xi32, #tpu.memory_space<hbm>> -> memref<40x128xi32, #tpu.memory_space<hbm>>
    tpu.wait_dma2 semaphore(%arg13 : memref<!tpu.dma_semaphore, #tpu.memory_space<semaphore_mem>>) src(%dma_wait3A_36 : memref<40x128xi32, #tpu.memory_space<hbm>>) dst(%arg6 : memref<40x128xi32, #tpu.memory_space<vmem>>)
    %dma_wait3A_37 = arith.constant 0 : i32
    %dma_wait3A_38 = arith.constant 0 : i32
    %dma_wait3A_39 = tpu.memref_slice %arg4[%add3A, %dma_wait3A_37, %dma_wait3A_38] : memref<32x80x128xi32, #tpu.memory_space<hbm>> -> memref<1x40x128xi32, #tpu.memory_space<hbm>>
    %dma_wait3A_40 = tpu.memref_squeeze %dma_wait3A_39 : memref<1x40x128xi32, #tpu.memory_space<hbm>> -> memref<40x128xi32, #tpu.memory_space<hbm>>
    %dma_wait3A_41 = arith.constant 0 : i32
    %dma_wait3A_42 = arith.constant 0 : i32
    %dma_wait3A_43 = tpu.memref_slice %arg4[%add3A, %dma_wait3A_41, %dma_wait3A_42] : memref<32x80x128xi32, #tpu.memory_space<hbm>> -> memref<1x40x128xi32, #tpu.memory_space<hbm>>
    %dma_wait3A_44 = tpu.memref_squeeze %dma_wait3A_43 : memref<1x40x128xi32, #tpu.memory_space<hbm>> -> memref<40x128xi32, #tpu.memory_space<hbm>>
    tpu.wait_dma2 semaphore(%arg12 : memref<!tpu.dma_semaphore, #tpu.memory_space<semaphore_mem>>) src(%dma_wait3A_44 : memref<40x128xi32, #tpu.memory_space<hbm>>) dst(%arg7 : memref<40x128xi32, #tpu.memory_space<vmem>>)
    %barrier3A = arith.constant 0 : index
    tpu.barrier barrier_id(%barrier3A)
    %dma_start3A_45 = arith.constant 0 : i32
    %dma_start3A_46 = arith.constant 0 : i32
    %dma_start3A_47 = tpu.memref_slice %arg6[%dma_start3A_45, %dma_start3A_46] : memref<40x128xi32, #tpu.memory_space<vmem>> -> memref<1x128xi32, #tpu.memory_space<vmem>>
    %dma_start3A_48 = tpu.memref_squeeze %dma_start3A_47 : memref<1x128xi32, #tpu.memory_space<vmem>> -> memref<128xi32, #tpu.memory_space<vmem>>
    %dma_start3A_49 = arith.constant 0 : i32
    %dma_start3A_50 = arith.constant 0 : i32
    %dma_start3A_51 = tpu.memref_slice %arg2[%dma_start3A_49, %dma_start3A_50] : memref<10000x128xf32, #tpu.memory_space<hbm>> -> memref<10000x128xf32, #tpu.memory_space<hbm>>
    tpu.enqueue_indirect_dma source(%dma_start3A_51 : memref<10000x128xf32, #tpu.memory_space<hbm>>) target(%arg8 : memref<128x128xf32, #tpu.memory_space<vmem>>) offsets(%dma_start3A_48 : memref<128xi32, #tpu.memory_space<vmem>>) semaphore(%arg11 : memref<!tpu.dma_semaphore, #tpu.memory_space<semaphore_mem>>)
    %scan3A_52 = arith.constant 0 : i32
    %scan3A_53 = arith.constant 20 : i32
    %scan3A_54 = arith.addi %scan3A_52, %scan3A_53 : i32
    %scan3A_55 = arith.constant 1 : i32
    scf.for %scan3A_106 = %scan3A_52 to %scan3A_54 step %scan3A_55  : i32 {
      %mul3A_107 = arith.constant 2 : i32
      %mul3A_108 = arith.muli %scan3A_106, %mul3A_107 : i32
      %add3A_109 = arith.constant 0 : i32
      %add3A_110 = arith.addi %add3A_109, %mul3A_108 : i32
      %dma_wait3A_111 = arith.constant 0 : i32
      %dma_wait3A_112 = tpu.memref_slice %arg6[%add3A_110, %dma_wait3A_111] : memref<40x128xi32, #tpu.memory_space<vmem>> -> memref<1x128xi32, #tpu.memory_space<vmem>>
      %dma_wait3A_113 = tpu.memref_squeeze %dma_wait3A_112 : memref<1x128xi32, #tpu.memory_space<vmem>> -> memref<128xi32, #tpu.memory_space<vmem>>
      %dma_wait3A_114 = arith.constant 0 : i32
      %dma_wait3A_115 = arith.constant 0 : i32
      %dma_wait3A_116 = tpu.memref_slice %arg2[%dma_wait3A_114, %dma_wait3A_115] : memref<10000x128xf32, #tpu.memory_space<hbm>> -> memref<10000x128xf32, #tpu.memory_space<hbm>>
      tpu.wait_indirect_dma semaphore(%arg11 : memref<!tpu.dma_semaphore, #tpu.memory_space<semaphore_mem>>) src(%dma_wait3A_116 : memref<10000x128xf32, #tpu.memory_space<hbm>>) dst(%arg8 : memref<128x128xf32, #tpu.memory_space<vmem>>)
      %add3A_117 = arith.constant 1 : i32
      %add3A_118 = arith.addi %add3A_110, %add3A_117 : i32
      %dma_start3A_119 = arith.constant 0 : i32
      %dma_start3A_120 = tpu.memref_slice %arg6[%add3A_118, %dma_start3A_119] : memref<40x128xi32, #tpu.memory_space<vmem>> -> memref<1x128xi32, #tpu.memory_space<vmem>>
      %dma_start3A_121 = tpu.memref_squeeze %dma_start3A_120 : memref<1x128xi32, #tpu.memory_space<vmem>> -> memref<128xi32, #tpu.memory_space<vmem>>
      %dma_start3A_122 = arith.constant 0 : i32
      %dma_start3A_123 = arith.constant 0 : i32
      %dma_start3A_124 = tpu.memref_slice %arg2[%dma_start3A_122, %dma_start3A_123] : memref<10000x128xf32, #tpu.memory_space<hbm>> -> memref<10000x128xf32, #tpu.memory_space<hbm>>
      tpu.enqueue_indirect_dma source(%dma_start3A_124 : memref<10000x128xf32, #tpu.memory_space<hbm>>) target(%arg9 : memref<128x128xf32, #tpu.memory_space<vmem>>) offsets(%dma_start3A_121 : memref<128xi32, #tpu.memory_space<vmem>>) semaphore(%arg12 : memref<!tpu.dma_semaphore, #tpu.memory_space<semaphore_mem>>)
      "tpu.region"() ({
        %run_scoped3A = tpu.sem_alloc : memref<!tpu.dma_semaphore, #tpu.memory_space<semaphore_mem>>
        %dma_start3A_139 = arith.constant 0 : i32
        %dma_start3A_140 = tpu.memref_slice %arg7[%add3A_110, %dma_start3A_139] : memref<40x128xi32, #tpu.memory_space<vmem>> -> memref<1x128xi32, #tpu.memory_space<vmem>>
        %dma_start3A_141 = tpu.memref_squeeze %dma_start3A_140 : memref<1x128xi32, #tpu.memory_space<vmem>> -> memref<128xi32, #tpu.memory_space<vmem>>
        %dma_start3A_142 = arith.constant 0 : i32
        %dma_start3A_143 = arith.constant 0 : i32
        %dma_start3A_144 = tpu.memref_slice %arg10[%dma_start3A_142, %dma_start3A_143] : memref<10240x128xf32, #tpu.memory_space<vmem_shared>> -> memref<10240x128xf32, #tpu.memory_space<vmem_shared>>
        tpu.enqueue_indirect_dma source(%arg8 : memref<128x128xf32, #tpu.memory_space<vmem>>) target(%dma_start3A_144 : memref<10240x128xf32, #tpu.memory_space<vmem_shared>>) offsets(%dma_start3A_141 : memref<128xi32, #tpu.memory_space<vmem>>) semaphore(%run_scoped3A : memref<!tpu.dma_semaphore, #tpu.memory_space<semaphore_mem>>) {add = true}
        %dma_wait3A_145 = arith.constant 0 : i32
        %dma_wait3A_146 = tpu.memref_slice %arg7[%add3A_110, %dma_wait3A_145] : memref<40x128xi32, #tpu.memory_space<vmem>> -> memref<1x128xi32, #tpu.memory_space<vmem>>
        %dma_wait3A_147 = tpu.memref_squeeze %dma_wait3A_146 : memref<1x128xi32, #tpu.memory_space<vmem>> -> memref<128xi32, #tpu.memory_space<vmem>>
        %dma_wait3A_148 = arith.constant 0 : i32
        %dma_wait3A_149 = arith.constant 0 : i32
        %dma_wait3A_150 = tpu.memref_slice %arg10[%dma_wait3A_148, %dma_wait3A_149] : memref<10240x128xf32, #tpu.memory_space<vmem_shared>> -> memref<10240x128xf32, #tpu.memory_space<vmem_shared>>
        tpu.wait_indirect_dma semaphore(%run_scoped3A : memref<!tpu.dma_semaphore, #tpu.memory_space<semaphore_mem>>) src(%arg8 : memref<128x128xf32, #tpu.memory_space<vmem>>) dst(%dma_wait3A_150 : memref<10240x128xf32, #tpu.memory_space<vmem_shared>>)
        tpu.yield
      }) : () -> ()
      %add3A_125 = arith.constant 1 : i32
      %add3A_126 = arith.addi %add3A_110, %add3A_125 : i32
      %dma_wait3A_127 = arith.constant 0 : i32
      %dma_wait3A_128 = tpu.memref_slice %arg6[%add3A_126, %dma_wait3A_127] : memref<40x128xi32, #tpu.memory_space<vmem>> -> memref<1x128xi32, #tpu.memory_space<vmem>>
      %dma_wait3A_129 = tpu.memref_squeeze %dma_wait3A_128 : memref<1x128xi32, #tpu.memory_space<vmem>> -> memref<128xi32, #tpu.memory_space<vmem>>
      %dma_wait3A_130 = arith.constant 0 : i32
      %dma_wait3A_131 = arith.constant 0 : i32
      %dma_wait3A_132 = tpu.memref_slice %arg2[%dma_wait3A_130, %dma_wait3A_131] : memref<10000x128xf32, #tpu.memory_space<hbm>> -> memref<10000x128xf32, #tpu.memory_space<hbm>>
      tpu.wait_indirect_dma semaphore(%arg12 : memref<!tpu.dma_semaphore, #tpu.memory_space<semaphore_mem>>) src(%dma_wait3A_132 : memref<10000x128xf32, #tpu.memory_space<hbm>>) dst(%arg9 : memref<128x128xf32, #tpu.memory_space<vmem>>)
      %add3A_133 = arith.constant 2 : i32
      %add3A_134 = arith.addi %add3A_110, %add3A_133 : i32
      %lt3A = arith.constant 40 : i32
      %lt3A_135 = arith.cmpi slt, %add3A_134, %lt3A : i32
      %convert_element_type3A = arith.extui %lt3A_135 : i1 to i32
      %cond3A = arith.constant 0 : i32
      %cond3A_136 = arith.cmpi ne, %convert_element_type3A, %cond3A : i32
      scf.if %cond3A_136 {
        %add3A_139 = arith.constant 2 : i32
        %add3A_140 = arith.addi %add3A_110, %add3A_139 : i32
        %dma_start3A_141 = arith.constant 0 : i32
        %dma_start3A_142 = tpu.memref_slice %arg6[%add3A_140, %dma_start3A_141] : memref<40x128xi32, #tpu.memory_space<vmem>> -> memref<1x128xi32, #tpu.memory_space<vmem>>
        %dma_start3A_143 = tpu.memref_squeeze %dma_start3A_142 : memref<1x128xi32, #tpu.memory_space<vmem>> -> memref<128xi32, #tpu.memory_space<vmem>>
        %dma_start3A_144 = arith.constant 0 : i32
        %dma_start3A_145 = arith.constant 0 : i32
        %dma_start3A_146 = tpu.memref_slice %arg2[%dma_start3A_144, %dma_start3A_145] : memref<10000x128xf32, #tpu.memory_space<hbm>> -> memref<10000x128xf32, #tpu.memory_space<hbm>>
        tpu.enqueue_indirect_dma source(%dma_start3A_146 : memref<10000x128xf32, #tpu.memory_space<hbm>>) target(%arg8 : memref<128x128xf32, #tpu.memory_space<vmem>>) offsets(%dma_start3A_143 : memref<128xi32, #tpu.memory_space<vmem>>) semaphore(%arg11 : memref<!tpu.dma_semaphore, #tpu.memory_space<semaphore_mem>>)
      } else {
      }
      %add3A_137 = arith.constant 1 : i32
      %add3A_138 = arith.addi %add3A_110, %add3A_137 : i32
      "tpu.region"() ({
        %run_scoped3A = tpu.sem_alloc : memref<!tpu.dma_semaphore, #tpu.memory_space<semaphore_mem>>
        %dma_start3A_139 = arith.constant 0 : i32
        %dma_start3A_140 = tpu.memref_slice %arg7[%add3A_138, %dma_start3A_139] : memref<40x128xi32, #tpu.memory_space<vmem>> -> memref<1x128xi32, #tpu.memory_space<vmem>>
        %dma_start3A_141 = tpu.memref_squeeze %dma_start3A_140 : memref<1x128xi32, #tpu.memory_space<vmem>> -> memref<128xi32, #tpu.memory_space<vmem>>
        %dma_start3A_142 = arith.constant 0 : i32
        %dma_start3A_143 = arith.constant 0 : i32
        %dma_start3A_144 = tpu.memref_slice %arg10[%dma_start3A_142, %dma_start3A_143] : memref<10240x128xf32, #tpu.memory_space<vmem_shared>> -> memref<10240x128xf32, #tpu.memory_space<vmem_shared>>
        tpu.enqueue_indirect_dma source(%arg9 : memref<128x128xf32, #tpu.memory_space<vmem>>) target(%dma_start3A_144 : memref<10240x128xf32, #tpu.memory_space<vmem_shared>>) offsets(%dma_start3A_141 : memref<128xi32, #tpu.memory_space<vmem>>) semaphore(%run_scoped3A : memref<!tpu.dma_semaphore, #tpu.memory_space<semaphore_mem>>) {add = true}
        %dma_wait3A_145 = arith.constant 0 : i32
        %dma_wait3A_146 = tpu.memref_slice %arg7[%add3A_138, %dma_wait3A_145] : memref<40x128xi32, #tpu.memory_space<vmem>> -> memref<1x128xi32, #tpu.memory_space<vmem>>
        %dma_wait3A_147 = tpu.memref_squeeze %dma_wait3A_146 : memref<1x128xi32, #tpu.memory_space<vmem>> -> memref<128xi32, #tpu.memory_space<vmem>>
        %dma_wait3A_148 = arith.constant 0 : i32
        %dma_wait3A_149 = arith.constant 0 : i32
        %dma_wait3A_150 = tpu.memref_slice %arg10[%dma_wait3A_148, %dma_wait3A_149] : memref<10240x128xf32, #tpu.memory_space<vmem_shared>> -> memref<10240x128xf32, #tpu.memory_space<vmem_shared>>
        tpu.wait_indirect_dma semaphore(%run_scoped3A : memref<!tpu.dma_semaphore, #tpu.memory_space<semaphore_mem>>) src(%arg9 : memref<128x128xf32, #tpu.memory_space<vmem>>) dst(%dma_wait3A_150 : memref<10240x128xf32, #tpu.memory_space<vmem_shared>>)
        tpu.yield
      }) : () -> ()
    }
    %scan3A_56 = arith.constant 20 : i32
    %dma_start3A_57 = arith.constant 40 : i32
    %dma_start3A_58 = arith.constant 0 : i32
    %dma_start3A_59 = tpu.memref_slice %arg3[%add3A, %dma_start3A_57, %dma_start3A_58] : memref<32x80x128xi32, #tpu.memory_space<hbm>> -> memref<1x40x128xi32, #tpu.memory_space<hbm>>
    %dma_start3A_60 = tpu.memref_squeeze %dma_start3A_59 : memref<1x40x128xi32, #tpu.memory_space<hbm>> -> memref<40x128xi32, #tpu.memory_space<hbm>>
    %dma_start3A_61 = arith.constant 40 : i32
    %dma_start3A_62 = arith.constant 0 : i32
    %dma_start3A_63 = tpu.memref_slice %arg3[%add3A, %dma_start3A_61, %dma_start3A_62] : memref<32x80x128xi32, #tpu.memory_space<hbm>> -> memref<1x40x128xi32, #tpu.memory_space<hbm>>
    %dma_start3A_64 = tpu.memref_squeeze %dma_start3A_63 : memref<1x40x128xi32, #tpu.memory_space<hbm>> -> memref<40x128xi32, #tpu.memory_space<hbm>>
    tpu.enqueue_dma source(%dma_start3A_64 : memref<40x128xi32, #tpu.memory_space<hbm>>) target(%arg6 : memref<40x128xi32, #tpu.memory_space<vmem>>) target_semaphore(%arg13 : memref<!tpu.dma_semaphore, #tpu.memory_space<semaphore_mem>>)
    %dma_wait3A_65 = arith.constant 40 : i32
    %dma_wait3A_66 = arith.constant 0 : i32
    %dma_wait3A_67 = tpu.memref_slice %arg3[%add3A, %dma_wait3A_65, %dma_wait3A_66] : memref<32x80x128xi32, #tpu.memory_space<hbm>> -> memref<1x40x128xi32, #tpu.memory_space<hbm>>
    %dma_wait3A_68 = tpu.memref_squeeze %dma_wait3A_67 : memref<1x40x128xi32, #tpu.memory_space<hbm>> -> memref<40x128xi32, #tpu.memory_space<hbm>>
    %dma_wait3A_69 = arith.constant 40 : i32
    %dma_wait3A_70 = arith.constant 0 : i32
    %dma_wait3A_71 = tpu.memref_slice %arg3[%add3A, %dma_wait3A_69, %dma_wait3A_70] : memref<32x80x128xi32, #tpu.memory_space<hbm>> -> memref<1x40x128xi32, #tpu.memory_space<hbm>>
    %dma_wait3A_72 = tpu.memref_squeeze %dma_wait3A_71 : memref<1x40x128xi32, #tpu.memory_space<hbm>> -> memref<40x128xi32, #tpu.memory_space<hbm>>
    tpu.wait_dma2 semaphore(%arg13 : memref<!tpu.dma_semaphore, #tpu.memory_space<semaphore_mem>>) src(%dma_wait3A_72 : memref<40x128xi32, #tpu.memory_space<hbm>>) dst(%arg6 : memref<40x128xi32, #tpu.memory_space<vmem>>)
    %dma_start3A_73 = arith.constant 40 : i32
    %dma_start3A_74 = arith.constant 0 : i32
    %dma_start3A_75 = tpu.memref_slice %arg4[%add3A, %dma_start3A_73, %dma_start3A_74] : memref<32x80x128xi32, #tpu.memory_space<hbm>> -> memref<1x40x128xi32, #tpu.memory_space<hbm>>
    %dma_start3A_76 = tpu.memref_squeeze %dma_start3A_75 : memref<1x40x128xi32, #tpu.memory_space<hbm>> -> memref<40x128xi32, #tpu.memory_space<hbm>>
    %dma_start3A_77 = arith.constant 40 : i32
    %dma_start3A_78 = arith.constant 0 : i32
    %dma_start3A_79 = tpu.memref_slice %arg4[%add3A, %dma_start3A_77, %dma_start3A_78] : memref<32x80x128xi32, #tpu.memory_space<hbm>> -> memref<1x40x128xi32, #tpu.memory_space<hbm>>
    %dma_start3A_80 = tpu.memref_squeeze %dma_start3A_79 : memref<1x40x128xi32, #tpu.memory_space<hbm>> -> memref<40x128xi32, #tpu.memory_space<hbm>>
    tpu.enqueue_dma source(%dma_start3A_80 : memref<40x128xi32, #tpu.memory_space<hbm>>) target(%arg7 : memref<40x128xi32, #tpu.memory_space<vmem>>) target_semaphore(%arg13 : memref<!tpu.dma_semaphore, #tpu.memory_space<semaphore_mem>>)
    %dma_wait3A_81 = arith.constant 40 : i32
    %dma_wait3A_82 = arith.constant 0 : i32
    %dma_wait3A_83 = tpu.memref_slice %arg4[%add3A, %dma_wait3A_81, %dma_wait3A_82] : memref<32x80x128xi32, #tpu.memory_space<hbm>> -> memref<1x40x128xi32, #tpu.memory_space<hbm>>
    %dma_wait3A_84 = tpu.memref_squeeze %dma_wait3A_83 : memref<1x40x128xi32, #tpu.memory_space<hbm>> -> memref<40x128xi32, #tpu.memory_space<hbm>>
    %dma_wait3A_85 = arith.constant 40 : i32
    %dma_wait3A_86 = arith.constant 0 : i32
    %dma_wait3A_87 = tpu.memref_slice %arg4[%add3A, %dma_wait3A_85, %dma_wait3A_86] : memref<32x80x128xi32, #tpu.memory_space<hbm>> -> memref<1x40x128xi32, #tpu.memory_space<hbm>>
    %dma_wait3A_88 = tpu.memref_squeeze %dma_wait3A_87 : memref<1x40x128xi32, #tpu.memory_space<hbm>> -> memref<40x128xi32, #tpu.memory_space<hbm>>
    tpu.wait_dma2 semaphore(%arg13 : memref<!tpu.dma_semaphore, #tpu.memory_space<semaphore_mem>>) src(%dma_wait3A_88 : memref<40x128xi32, #tpu.memory_space<hbm>>) dst(%arg7 : memref<40x128xi32, #tpu.memory_space<vmem>>)
    %dma_start3A_89 = arith.constant 0 : i32
    %dma_start3A_90 = arith.constant 0 : i32
    %dma_start3A_91 = tpu.memref_slice %arg6[%dma_start3A_89, %dma_start3A_90] : memref<40x128xi32, #tpu.memory_space<vmem>> -> memref<1x128xi32, #tpu.memory_space<vmem>>
    %dma_start3A_92 = tpu.memref_squeeze %dma_start3A_91 : memref<1x128xi32, #tpu.memory_space<vmem>> -> memref<128xi32, #tpu.memory_space<vmem>>
    %dma_start3A_93 = arith.constant 0 : i32
    %dma_start3A_94 = arith.constant 0 : i32
    %dma_start3A_95 = tpu.memref_slice %arg2[%dma_start3A_93, %dma_start3A_94] : memref<10000x128xf32, #tpu.memory_space<hbm>> -> memref<10000x128xf32, #tpu.memory_space<hbm>>
    tpu.enqueue_indirect_dma source(%dma_start3A_95 : memref<10000x128xf32, #tpu.memory_space<hbm>>) target(%arg8 : memref<128x128xf32, #tpu.memory_space<vmem>>) offsets(%dma_start3A_92 : memref<128xi32, #tpu.memory_space<vmem>>) semaphore(%arg11 : memref<!tpu.dma_semaphore, #tpu.memory_space<semaphore_mem>>)
    %scan3A_96 = arith.constant 0 : i32
    %scan3A_97 = arith.constant 20 : i32
    %scan3A_98 = arith.addi %scan3A_96, %scan3A_97 : i32
    %scan3A_99 = arith.constant 1 : i32
    scf.for %scan3A_106 = %scan3A_96 to %scan3A_98 step %scan3A_99  : i32 {
      %mul3A_107 = arith.constant 2 : i32
      %mul3A_108 = arith.muli %scan3A_106, %mul3A_107 : i32
      %add3A_109 = arith.constant 0 : i32
      %add3A_110 = arith.addi %add3A_109, %mul3A_108 : i32
      %dma_wait3A_111 = arith.constant 0 : i32
      %dma_wait3A_112 = tpu.memref_slice %arg6[%add3A_110, %dma_wait3A_111] : memref<40x128xi32, #tpu.memory_space<vmem>> -> memref<1x128xi32, #tpu.memory_space<vmem>>
      %dma_wait3A_113 = tpu.memref_squeeze %dma_wait3A_112 : memref<1x128xi32, #tpu.memory_space<vmem>> -> memref<128xi32, #tpu.memory_space<vmem>>
      %dma_wait3A_114 = arith.constant 0 : i32
      %dma_wait3A_115 = arith.constant 0 : i32
      %dma_wait3A_116 = tpu.memref_slice %arg2[%dma_wait3A_114, %dma_wait3A_115] : memref<10000x128xf32, #tpu.memory_space<hbm>> -> memref<10000x128xf32, #tpu.memory_space<hbm>>
      tpu.wait_indirect_dma semaphore(%arg11 : memref<!tpu.dma_semaphore, #tpu.memory_space<semaphore_mem>>) src(%dma_wait3A_116 : memref<10000x128xf32, #tpu.memory_space<hbm>>) dst(%arg8 : memref<128x128xf32, #tpu.memory_space<vmem>>)
      %add3A_117 = arith.constant 1 : i32
      %add3A_118 = arith.addi %add3A_110, %add3A_117 : i32
      %dma_start3A_119 = arith.constant 0 : i32
      %dma_start3A_120 = tpu.memref_slice %arg6[%add3A_118, %dma_start3A_119] : memref<40x128xi32, #tpu.memory_space<vmem>> -> memref<1x128xi32, #tpu.memory_space<vmem>>
      %dma_start3A_121 = tpu.memref_squeeze %dma_start3A_120 : memref<1x128xi32, #tpu.memory_space<vmem>> -> memref<128xi32, #tpu.memory_space<vmem>>
      %dma_start3A_122 = arith.constant 0 : i32
      %dma_start3A_123 = arith.constant 0 : i32
      %dma_start3A_124 = tpu.memref_slice %arg2[%dma_start3A_122, %dma_start3A_123] : memref<10000x128xf32, #tpu.memory_space<hbm>> -> memref<10000x128xf32, #tpu.memory_space<hbm>>
      tpu.enqueue_indirect_dma source(%dma_start3A_124 : memref<10000x128xf32, #tpu.memory_space<hbm>>) target(%arg9 : memref<128x128xf32, #tpu.memory_space<vmem>>) offsets(%dma_start3A_121 : memref<128xi32, #tpu.memory_space<vmem>>) semaphore(%arg12 : memref<!tpu.dma_semaphore, #tpu.memory_space<semaphore_mem>>)
      "tpu.region"() ({
        %run_scoped3A = tpu.sem_alloc : memref<!tpu.dma_semaphore, #tpu.memory_space<semaphore_mem>>
        %dma_start3A_139 = arith.constant 0 : i32
        %dma_start3A_140 = tpu.memref_slice %arg7[%add3A_110, %dma_start3A_139] : memref<40x128xi32, #tpu.memory_space<vmem>> -> memref<1x128xi32, #tpu.memory_space<vmem>>
        %dma_start3A_141 = tpu.memref_squeeze %dma_start3A_140 : memref<1x128xi32, #tpu.memory_space<vmem>> -> memref<128xi32, #tpu.memory_space<vmem>>
        %dma_start3A_142 = arith.constant 0 : i32
        %dma_start3A_143 = arith.constant 0 : i32
        %dma_start3A_144 = tpu.memref_slice %arg10[%dma_start3A_142, %dma_start3A_143] : memref<10240x128xf32, #tpu.memory_space<vmem_shared>> -> memref<10240x128xf32, #tpu.memory_space<vmem_shared>>
        tpu.enqueue_indirect_dma source(%arg8 : memref<128x128xf32, #tpu.memory_space<vmem>>) target(%dma_start3A_144 : memref<10240x128xf32, #tpu.memory_space<vmem_shared>>) offsets(%dma_start3A_141 : memref<128xi32, #tpu.memory_space<vmem>>) semaphore(%run_scoped3A : memref<!tpu.dma_semaphore, #tpu.memory_space<semaphore_mem>>) {add = true}
        %dma_wait3A_145 = arith.constant 0 : i32
        %dma_wait3A_146 = tpu.memref_slice %arg7[%add3A_110, %dma_wait3A_145] : memref<40x128xi32, #tpu.memory_space<vmem>> -> memref<1x128xi32, #tpu.memory_space<vmem>>
        %dma_wait3A_147 = tpu.memref_squeeze %dma_wait3A_146 : memref<1x128xi32, #tpu.memory_space<vmem>> -> memref<128xi32, #tpu.memory_space<vmem>>
        %dma_wait3A_148 = arith.constant 0 : i32
        %dma_wait3A_149 = arith.constant 0 : i32
        %dma_wait3A_150 = tpu.memref_slice %arg10[%dma_wait3A_148, %dma_wait3A_149] : memref<10240x128xf32, #tpu.memory_space<vmem_shared>> -> memref<10240x128xf32, #tpu.memory_space<vmem_shared>>
        tpu.wait_indirect_dma semaphore(%run_scoped3A : memref<!tpu.dma_semaphore, #tpu.memory_space<semaphore_mem>>) src(%arg8 : memref<128x128xf32, #tpu.memory_space<vmem>>) dst(%dma_wait3A_150 : memref<10240x128xf32, #tpu.memory_space<vmem_shared>>)
        tpu.yield
      }) : () -> ()
      %add3A_125 = arith.constant 1 : i32
      %add3A_126 = arith.addi %add3A_110, %add3A_125 : i32
      %dma_wait3A_127 = arith.constant 0 : i32
      %dma_wait3A_128 = tpu.memref_slice %arg6[%add3A_126, %dma_wait3A_127] : memref<40x128xi32, #tpu.memory_space<vmem>> -> memref<1x128xi32, #tpu.memory_space<vmem>>
      %dma_wait3A_129 = tpu.memref_squeeze %dma_wait3A_128 : memref<1x128xi32, #tpu.memory_space<vmem>> -> memref<128xi32, #tpu.memory_space<vmem>>
      %dma_wait3A_130 = arith.constant 0 : i32
      %dma_wait3A_131 = arith.constant 0 : i32
      %dma_wait3A_132 = tpu.memref_slice %arg2[%dma_wait3A_130, %dma_wait3A_131] : memref<10000x128xf32, #tpu.memory_space<hbm>> -> memref<10000x128xf32, #tpu.memory_space<hbm>>
      tpu.wait_indirect_dma semaphore(%arg12 : memref<!tpu.dma_semaphore, #tpu.memory_space<semaphore_mem>>) src(%dma_wait3A_132 : memref<10000x128xf32, #tpu.memory_space<hbm>>) dst(%arg9 : memref<128x128xf32, #tpu.memory_space<vmem>>)
      %add3A_133 = arith.constant 2 : i32
      %add3A_134 = arith.addi %add3A_110, %add3A_133 : i32
      %lt3A = arith.constant 40 : i32
      %lt3A_135 = arith.cmpi slt, %add3A_134, %lt3A : i32
      %convert_element_type3A = arith.extui %lt3A_135 : i1 to i32
      %cond3A = arith.constant 0 : i32
      %cond3A_136 = arith.cmpi ne, %convert_element_type3A, %cond3A : i32
      scf.if %cond3A_136 {
        %add3A_139 = arith.constant 2 : i32
        %add3A_140 = arith.addi %add3A_110, %add3A_139 : i32
        %dma_start3A_141 = arith.constant 0 : i32
        %dma_start3A_142 = tpu.memref_slice %arg6[%add3A_140, %dma_start3A_141] : memref<40x128xi32, #tpu.memory_space<vmem>> -> memref<1x128xi32, #tpu.memory_space<vmem>>
        %dma_start3A_143 = tpu.memref_squeeze %dma_start3A_142 : memref<1x128xi32, #tpu.memory_space<vmem>> -> memref<128xi32, #tpu.memory_space<vmem>>
        %dma_start3A_144 = arith.constant 0 : i32
        %dma_start3A_145 = arith.constant 0 : i32
        %dma_start3A_146 = tpu.memref_slice %arg2[%dma_start3A_144, %dma_start3A_145] : memref<10000x128xf32, #tpu.memory_space<hbm>> -> memref<10000x128xf32, #tpu.memory_space<hbm>>
        tpu.enqueue_indirect_dma source(%dma_start3A_146 : memref<10000x128xf32, #tpu.memory_space<hbm>>) target(%arg8 : memref<128x128xf32, #tpu.memory_space<vmem>>) offsets(%dma_start3A_143 : memref<128xi32, #tpu.memory_space<vmem>>) semaphore(%arg11 : memref<!tpu.dma_semaphore, #tpu.memory_space<semaphore_mem>>)
      } else {
      }
      %add3A_137 = arith.constant 1 : i32
      %add3A_138 = arith.addi %add3A_110, %add3A_137 : i32
      "tpu.region"() ({
        %run_scoped3A = tpu.sem_alloc : memref<!tpu.dma_semaphore, #tpu.memory_space<semaphore_mem>>
        %dma_start3A_139 = arith.constant 0 : i32
        %dma_start3A_140 = tpu.memref_slice %arg7[%add3A_138, %dma_start3A_139] : memref<40x128xi32, #tpu.memory_space<vmem>> -> memref<1x128xi32, #tpu.memory_space<vmem>>
        %dma_start3A_141 = tpu.memref_squeeze %dma_start3A_140 : memref<1x128xi32, #tpu.memory_space<vmem>> -> memref<128xi32, #tpu.memory_space<vmem>>
        %dma_start3A_142 = arith.constant 0 : i32
        %dma_start3A_143 = arith.constant 0 : i32
        %dma_start3A_144 = tpu.memref_slice %arg10[%dma_start3A_142, %dma_start3A_143] : memref<10240x128xf32, #tpu.memory_space<vmem_shared>> -> memref<10240x128xf32, #tpu.memory_space<vmem_shared>>
        tpu.enqueue_indirect_dma source(%arg9 : memref<128x128xf32, #tpu.memory_space<vmem>>) target(%dma_start3A_144 : memref<10240x128xf32, #tpu.memory_space<vmem_shared>>) offsets(%dma_start3A_141 : memref<128xi32, #tpu.memory_space<vmem>>) semaphore(%run_scoped3A : memref<!tpu.dma_semaphore, #tpu.memory_space<semaphore_mem>>) {add = true}
        %dma_wait3A_145 = arith.constant 0 : i32
        %dma_wait3A_146 = tpu.memref_slice %arg7[%add3A_138, %dma_wait3A_145] : memref<40x128xi32, #tpu.memory_space<vmem>> -> memref<1x128xi32, #tpu.memory_space<vmem>>
        %dma_wait3A_147 = tpu.memref_squeeze %dma_wait3A_146 : memref<1x128xi32, #tpu.memory_space<vmem>> -> memref<128xi32, #tpu.memory_space<vmem>>
        %dma_wait3A_148 = arith.constant 0 : i32
        %dma_wait3A_149 = arith.constant 0 : i32
        %dma_wait3A_150 = tpu.memref_slice %arg10[%dma_wait3A_148, %dma_wait3A_149] : memref<10240x128xf32, #tpu.memory_space<vmem_shared>> -> memref<10240x128xf32, #tpu.memory_space<vmem_shared>>
        tpu.wait_indirect_dma semaphore(%run_scoped3A : memref<!tpu.dma_semaphore, #tpu.memory_space<semaphore_mem>>) src(%arg9 : memref<128x128xf32, #tpu.memory_space<vmem>>) dst(%dma_wait3A_150 : memref<10240x128xf32, #tpu.memory_space<vmem_shared>>)
        tpu.yield
      }) : () -> ()
    }
    %scan3A_100 = arith.constant 20 : i32
    %barrier3A_101 = arith.constant 0 : index
    tpu.barrier barrier_id(%barrier3A_101)
    %mul3A_102 = arith.constant 640 : i32
    %mul3A_103 = arith.muli %arg1, %mul3A_102 : i32
    %mul3A_104 = arith.constant 640 : i32
    %mul3A_105 = arith.muli %arg1, %mul3A_104 : i32
    "tpu.region"() ({
      %run_scoped3A = tpu.sem_alloc : memref<!tpu.dma_semaphore, #tpu.memory_space<semaphore_mem>>
      %dma_start3A_106 = arith.constant 0 : i32
      %dma_start3A_107 = tpu.memref_slice %arg5[%arg0, %mul3A_105, %dma_start3A_106] : memref<2x10240x128xf32, #tpu.memory_space<hbm>> -> memref<1x640x128xf32, #tpu.memory_space<hbm>>
      %dma_start3A_108 = tpu.memref_squeeze %dma_start3A_107 : memref<1x640x128xf32, #tpu.memory_space<hbm>> -> memref<640x128xf32, #tpu.memory_space<hbm>>
      %dma_start3A_109 = arith.constant 0 : i32
      %dma_start3A_110 = tpu.memref_slice %arg10[%mul3A_103, %dma_start3A_109] : memref<10240x128xf32, #tpu.memory_space<vmem_shared>> -> memref<640x128xf32, #tpu.memory_space<vmem_shared>>
      tpu.enqueue_dma source(%dma_start3A_110 : memref<640x128xf32, #tpu.memory_space<vmem_shared>>) target(%dma_start3A_108 : memref<640x128xf32, #tpu.memory_space<hbm>>) target_semaphore(%run_scoped3A : memref<!tpu.dma_semaphore, #tpu.memory_space<semaphore_mem>>)
      %dma_wait3A_111 = arith.constant 0 : i32
      %dma_wait3A_112 = tpu.memref_slice %arg5[%arg0, %mul3A_105, %dma_wait3A_111] : memref<2x10240x128xf32, #tpu.memory_space<hbm>> -> memref<1x640x128xf32, #tpu.memory_space<hbm>>
      %dma_wait3A_113 = tpu.memref_squeeze %dma_wait3A_112 : memref<1x640x128xf32, #tpu.memory_space<hbm>> -> memref<640x128xf32, #tpu.memory_space<hbm>>
      %dma_wait3A_114 = arith.constant 0 : i32
      %dma_wait3A_115 = tpu.memref_slice %arg10[%mul3A_103, %dma_wait3A_114] : memref<10240x128xf32, #tpu.memory_space<vmem_shared>> -> memref<640x128xf32, #tpu.memory_space<vmem_shared>>
      tpu.wait_dma2 semaphore(%run_scoped3A : memref<!tpu.dma_semaphore, #tpu.memory_space<semaphore_mem>>) src(%dma_wait3A_115 : memref<640x128xf32, #tpu.memory_space<vmem_shared>>) dst(%dma_wait3A_113 : memref<640x128xf32, #tpu.memory_space<hbm>>)
      tpu.yield
    }) : () -> ()
    return
  }
}

module attributes {stable_mosaic.version = 14 : i64} {
  func.func @body(%arg0: i32, %arg1: memref<1000x128xf32, #tpu.memory_space<vmem>>, %arg2: memref<128x128xf32, #tpu.memory_space<vmem>>, %arg3: memref<1000x128xf32, #tpu.memory_space<vmem>>) attributes {dimension_semantics = [#tpu.dimension_semantics<arbitrary>], iteration_bounds = array<i64: 10>, scalar_prefetch = 0 : i64, scratch_operands = 0 : i64, tpu.core_type = #tpu.core_type<tc>, window_params = [{transform_indices = @transform_0, window_bounds = array<i64: 1000, 128>}, {pipeline_mode = #tpu.pipeline_mode<synchronous>, transform_indices = @transform_1, window_bounds = array<i64: 128, 128>}, {transform_indices = @transform_2, window_bounds = array<i64: 1000, 128>}]} {
    %get3A = arith.constant 0 : index
    %get3A_0 = arith.constant 0 : index
    %get3A_1 = vector.load %arg1[%get3A, %get3A_0] : memref<1000x128xf32, #tpu.memory_space<vmem>>, vector<1000x128xf32>
    %get3A_2 = arith.constant 0 : index
    %get3A_3 = arith.constant 0 : index
    %get3A_4 = vector.load %arg2[%get3A_2, %get3A_3] : memref<128x128xf32, #tpu.memory_space<vmem>>, vector<128x128xf32>
    %dot_general3A = arith.constant dense<0.000000e+00> : vector<1000x128xf32>
    %dot_general3A_5 = tpu.matmul %get3A_1, %get3A_4, %dot_general3A {dimension_numbers = #tpu.dot_dimension_numbers<[1], [0], [0], [1], [0, 0, 1, 1], [], []>, transpose_lhs_hint = false} : vector<1000x128xf32>, vector<128x128xf32>, vector<1000x128xf32> -> vector<1000x128xf32>
    %swap3A = arith.constant 0 : index
    %swap3A_6 = arith.constant 0 : index
    %swap3A_7 = vector.load %arg3[%swap3A, %swap3A_6] : memref<1000x128xf32, #tpu.memory_space<vmem>>, vector<1000x128xf32>
    tpu.vector_store %arg3[%swap3A, %swap3A_6], %dot_general3A_5 {strides = array<i32>} : memref<1000x128xf32, #tpu.memory_space<vmem>>, vector<1000x128xf32>,
    return
  }
  func.func @transform_0(%arg0: i32) -> (i32, i32) {
    %c0_i32 = arith.constant 0 : i32
    %c0_i32_0 = arith.constant 0 : i32
    return %arg0, %c0_i32 : i32, i32
  }
  func.func @transform_1(%arg0: i32) -> (i32, i32) {
    %c0_i32 = arith.constant 0 : i32
    %c0_i32_0 = arith.constant 0 : i32
    %c0_i32_1 = arith.constant 0 : i32
    return %c0_i32, %c0_i32_0 : i32, i32
  }
  func.func @transform_2(%arg0: i32) -> (i32, i32) {
    %c0_i32 = arith.constant 0 : i32
    %c0_i32_0 = arith.constant 0 : i32
    return %arg0, %c0_i32 : i32, i32
  }
}

module attributes {stable_mosaic.version = 14 : i64} {
  func.func @body(%arg0: i32, %arg1: memref<1000x128xf32, #tpu.memory_space<vmem>>, %arg2: memref<1000x1xf32, #tpu.memory_space<vmem>>, %arg3: memref<1000x1xf32, #tpu.memory_space<vmem>>, %arg4: memref<1000x128xf32, #tpu.memory_space<vmem>>, %arg5: memref<1000x1xf32, #tpu.memory_space<vmem>>) attributes {dimension_semantics = [#tpu.dimension_semantics<arbitrary>], iteration_bounds = array<i64: 10>, scalar_prefetch = 0 : i64, scratch_operands = 0 : i64, tpu.core_type = #tpu.core_type<tc>, window_params = [{transform_indices = @transform_0, window_bounds = array<i64: 1000, 128>}, {transform_indices = @transform_1, window_bounds = array<i64: 1000, 1>}, {transform_indices = @transform_2, window_bounds = array<i64: 1000, 1>}, {transform_indices = @transform_3, window_bounds = array<i64: 1000, 128>}, {transform_indices = @transform_4, window_bounds = array<i64: 1000, 1>}]} {
    %get3A = arith.constant 0 : index
    %get3A_0 = arith.constant 0 : index
    %get3A_1 = vector.load %arg2[%get3A, %get3A_0] : memref<1000x1xf32, #tpu.memory_space<vmem>>, vector<1000x1xf32>
    %get3A_2 = arith.constant 0 : index
    %get3A_3 = arith.constant 0 : index
    %get3A_4 = vector.load %arg3[%get3A_2, %get3A_3] : memref<1000x1xf32, #tpu.memory_space<vmem>>, vector<1000x1xf32>
    %add3A = arith.addf %get3A_1, %get3A_4 : vector<1000x1xf32>
    %add3A_5 = arith.constant 1.000000e+00 : f32
    %add3A_6 = vector.broadcast %add3A_5 : f32 to vector<1000x1xf32>
    %add3A_7 = arith.addf %add3A, %add3A_6 : vector<1000x1xf32>
    %rsqrt3A = math.rsqrt %add3A_7 : vector<1000x1xf32>
    %swap3A = arith.constant 0 : index
    %swap3A_8 = arith.constant 0 : index
    %swap3A_9 = vector.load %arg5[%swap3A, %swap3A_8] : memref<1000x1xf32, #tpu.memory_space<vmem>>, vector<1000x1xf32>
    tpu.vector_store %arg5[%swap3A, %swap3A_8], %rsqrt3A {strides = array<i32>} : memref<1000x1xf32, #tpu.memory_space<vmem>>, vector<1000x1xf32>,
    %get3A_10 = arith.constant 0 : index
    %get3A_11 = arith.constant 0 : index
    %get3A_12 = vector.load %arg1[%get3A_10, %get3A_11] : memref<1000x128xf32, #tpu.memory_space<vmem>>, vector<1000x128xf32>
    %mul3A = vector.broadcast %rsqrt3A : vector<1000x1xf32> to vector<1000x128xf32>
    %mul3A_13 = arith.mulf %get3A_12, %mul3A : vector<1000x128xf32>
    %swap3A_14 = arith.constant 0 : index
    %swap3A_15 = arith.constant 0 : index
    %swap3A_16 = vector.load %arg4[%swap3A_14, %swap3A_15] : memref<1000x128xf32, #tpu.memory_space<vmem>>, vector<1000x128xf32>
    tpu.vector_store %arg4[%swap3A_14, %swap3A_15], %mul3A_13 {strides = array<i32>} : memref<1000x128xf32, #tpu.memory_space<vmem>>, vector<1000x128xf32>,
    return
  }
  func.func @transform_0(%arg0: i32) -> (i32, i32) {
    %c0_i32 = arith.constant 0 : i32
    %c0_i32_0 = arith.constant 0 : i32
    return %arg0, %c0_i32 : i32, i32
  }
  func.func @transform_1(%arg0: i32) -> (i32, i32) {
    %c0_i32 = arith.constant 0 : i32
    %c0_i32_0 = arith.constant 0 : i32
    return %arg0, %c0_i32 : i32, i32
  }
  func.func @transform_2(%arg0: i32) -> (i32, i32) {
    %c0_i32 = arith.constant 0 : i32
    %c0_i32_0 = arith.constant 0 : i32
    return %arg0, %c0_i32 : i32, i32
  }
  func.func @transform_3(%arg0: i32) -> (i32, i32) {
    %c0_i32 = arith.constant 0 : i32
    %c0_i32_0 = arith.constant 0 : i32
    return %arg0, %c0_i32 : i32, i32
  }
  func.func @transform_4(%arg0: i32) -> (i32, i32) {
    %c0_i32 = arith.constant 0 : i32
    %c0_i32_0 = arith.constant 0 : i32
    return %arg0, %c0_i32 : i32, i32
  }
}

module attributes {stable_mosaic.version = 14 : i64} {
  func.func @body(%arg0: i32, %arg1: memref<1000x128xf32, #tpu.memory_space<vmem>>, %arg2: memref<1000x128xf32, #tpu.memory_space<vmem>>, %arg3: memref<1000x128xf32, #tpu.memory_space<vmem>>, %arg4: memref<1000x1xf32, #tpu.memory_space<vmem>>, %arg5: memref<1x128xf32, #tpu.memory_space<vmem>>, %arg6: memref<128x128xf32, #tpu.memory_space<vmem>>, %arg7: memref<1000x128xf32, #tpu.memory_space<vmem>>) attributes {dimension_semantics = [#tpu.dimension_semantics<arbitrary>], iteration_bounds = array<i64: 10>, scalar_prefetch = 0 : i64, scratch_operands = 0 : i64, tpu.core_type = #tpu.core_type<tc>, window_params = [{transform_indices = @transform_0, window_bounds = array<i64: 1000, 128>}, {transform_indices = @transform_1, window_bounds = array<i64: 1000, 128>}, {transform_indices = @transform_2, window_bounds = array<i64: 1000, 128>}, {transform_indices = @transform_3, window_bounds = array<i64: 1000, 1>}, {pipeline_mode = #tpu.pipeline_mode<synchronous>, transform_indices = @transform_4, window_bounds = array<i64: 1, 128>}, {pipeline_mode = #tpu.pipeline_mode<synchronous>, transform_indices = @transform_5, window_bounds = array<i64: 128, 128>}, {transform_indices = @transform_6, window_bounds = array<i64: 1000, 128>}]} {
    %get3A = arith.constant 0 : index
    %get3A_0 = arith.constant 0 : index
    %get3A_1 = vector.load %arg1[%get3A, %get3A_0] : memref<1000x128xf32, #tpu.memory_space<vmem>>, vector<1000x128xf32>
    %get3A_2 = arith.constant 0 : index
    %get3A_3 = arith.constant 0 : index
    %get3A_4 = vector.load %arg2[%get3A_2, %get3A_3] : memref<1000x128xf32, #tpu.memory_space<vmem>>, vector<1000x128xf32>
    %add3A = arith.addf %get3A_1, %get3A_4 : vector<1000x128xf32>
    %get3A_5 = arith.constant 0 : index
    %get3A_6 = arith.constant 0 : index
    %get3A_7 = vector.load %arg3[%get3A_5, %get3A_6] : memref<1000x128xf32, #tpu.memory_space<vmem>>, vector<1000x128xf32>
    %add3A_8 = arith.addf %add3A, %get3A_7 : vector<1000x128xf32>
    %get3A_9 = arith.constant 0 : index
    %get3A_10 = arith.constant 0 : index
    %get3A_11 = vector.load %arg4[%get3A_9, %get3A_10] : memref<1000x1xf32, #tpu.memory_space<vmem>>, vector<1000x1xf32>
    %mul3A = vector.broadcast %get3A_11 : vector<1000x1xf32> to vector<1000x128xf32>
    %mul3A_12 = arith.mulf %add3A_8, %mul3A : vector<1000x128xf32>
    %get3A_13 = arith.constant 0 : index
    %get3A_14 = arith.constant 0 : index
    %get3A_15 = vector.load %arg5[%get3A_13, %get3A_14] : memref<1x128xf32, #tpu.memory_space<vmem>>, vector<1x128xf32>
    %add3A_16 = vector.broadcast %get3A_15 : vector<1x128xf32> to vector<1000x128xf32>
    %add3A_17 = arith.addf %mul3A_12, %add3A_16 : vector<1000x128xf32>
    %max3A = arith.constant 0.000000e+00 : f32
    %max3A_18 = vector.broadcast %max3A : f32 to vector<1000x128xf32>
    %max3A_19 = arith.maximumf %add3A_17, %max3A_18 : vector<1000x128xf32>
    %get3A_20 = arith.constant 0 : index
    %get3A_21 = arith.constant 0 : index
    %get3A_22 = vector.load %arg6[%get3A_20, %get3A_21] : memref<128x128xf32, #tpu.memory_space<vmem>>, vector<128x128xf32>
    %dot_general3A = arith.constant dense<0.000000e+00> : vector<1000x128xf32>
    %dot_general3A_23 = tpu.matmul %max3A_19, %get3A_22, %dot_general3A {dimension_numbers = #tpu.dot_dimension_numbers<[1], [0], [0], [1], [0, 0, 1, 1], [], []>, transpose_lhs_hint = false} : vector<1000x128xf32>, vector<128x128xf32>, vector<1000x128xf32> -> vector<1000x128xf32>
    %get3A_24 = arith.constant 0 : index
    %get3A_25 = arith.constant 0 : index
    %get3A_26 = vector.load %arg4[%get3A_24, %get3A_25] : memref<1000x1xf32, #tpu.memory_space<vmem>>, vector<1000x1xf32>
    %mul3A_27 = vector.broadcast %get3A_26 : vector<1000x1xf32> to vector<1000x128xf32>
    %mul3A_28 = arith.mulf %dot_general3A_23, %mul3A_27 : vector<1000x128xf32>
    %swap3A = arith.constant 0 : index
    %swap3A_29 = arith.constant 0 : index
    %swap3A_30 = vector.load %arg7[%swap3A, %swap3A_29] : memref<1000x128xf32, #tpu.memory_space<vmem>>, vector<1000x128xf32>
    tpu.vector_store %arg7[%swap3A, %swap3A_29], %mul3A_28 {strides = array<i32>} : memref<1000x128xf32, #tpu.memory_space<vmem>>, vector<1000x128xf32>,
    return
  }
  func.func @transform_0(%arg0: i32) -> (i32, i32) {
    %c0_i32 = arith.constant 0 : i32
    %c0_i32_0 = arith.constant 0 : i32
    return %arg0, %c0_i32 : i32, i32
  }
  func.func @transform_1(%arg0: i32) -> (i32, i32) {
    %c0_i32 = arith.constant 0 : i32
    %c0_i32_0 = arith.constant 0 : i32
    return %arg0, %c0_i32 : i32, i32
  }
  func.func @transform_2(%arg0: i32) -> (i32, i32) {
    %c0_i32 = arith.constant 0 : i32
    %c0_i32_0 = arith.constant 0 : i32
    return %arg0, %c0_i32 : i32, i32
  }
  func.func @transform_3(%arg0: i32) -> (i32, i32) {
    %c0_i32 = arith.constant 0 : i32
    %c0_i32_0 = arith.constant 0 : i32
    return %arg0, %c0_i32 : i32, i32
  }
  func.func @transform_4(%arg0: i32) -> (i32, i32) {
    %c0_i32 = arith.constant 0 : i32
    %c0_i32_0 = arith.constant 0 : i32
    %c0_i32_1 = arith.constant 0 : i32
    return %c0_i32, %c0_i32_0 : i32, i32
  }
  func.func @transform_5(%arg0: i32) -> (i32, i32) {
    %c0_i32 = arith.constant 0 : i32
    %c0_i32_0 = arith.constant 0 : i32
    %c0_i32_1 = arith.constant 0 : i32
    return %c0_i32, %c0_i32_0 : i32, i32
  }
  func.func @transform_6(%arg0: i32) -> (i32, i32) {
    %c0_i32 = arith.constant 0 : i32
    %c0_i32_0 = arith.constant 0 : i32
    return %arg0, %c0_i32 : i32, i32
  }
}

module attributes {stable_mosaic.version = 14 : i64} {
  func.func @body(%arg0: i32, %arg1: memref<1000x128xf32, #tpu.memory_space<vmem>>, %arg2: memref<1000x128xf32, #tpu.memory_space<vmem>>, %arg3: memref<1000x128xf32, #tpu.memory_space<vmem>>, %arg4: memref<1000x1xf32, #tpu.memory_space<vmem>>, %arg5: memref<1x128xf32, #tpu.memory_space<vmem>>, %arg6: memref<128x128xf32, #tpu.memory_space<vmem>>, %arg7: memref<1x128xf32, #tpu.memory_space<vmem>>, %arg8: memref<1x128xf32, #tpu.memory_space<vmem>>, %arg9: memref<1x128xf32, #tpu.memory_space<vmem>>) attributes {dimension_semantics = [#tpu.dimension_semantics<arbitrary>], iteration_bounds = array<i64: 10>, scalar_prefetch = 0 : i64, scratch_operands = 1 : i64, tpu.core_type = #tpu.core_type<tc>, window_params = [{transform_indices = @transform_0, window_bounds = array<i64: 1000, 128>}, {transform_indices = @transform_1, window_bounds = array<i64: 1000, 128>}, {transform_indices = @transform_2, window_bounds = array<i64: 1000, 128>}, {transform_indices = @transform_3, window_bounds = array<i64: 1000, 1>}, {pipeline_mode = #tpu.pipeline_mode<synchronous>, transform_indices = @transform_4, window_bounds = array<i64: 1, 128>}, {pipeline_mode = #tpu.pipeline_mode<synchronous>, transform_indices = @transform_5, window_bounds = array<i64: 128, 128>}, {pipeline_mode = #tpu.pipeline_mode<synchronous>, transform_indices = @transform_6, window_bounds = array<i64: 1, 128>}, {pipeline_mode = #tpu.pipeline_mode<synchronous>, transform_indices = @transform_7, window_bounds = array<i64: 1, 128>}]} {
    %get3A = arith.constant 0 : index
    %get3A_0 = arith.constant 0 : index
    %get3A_1 = vector.load %arg1[%get3A, %get3A_0] : memref<1000x128xf32, #tpu.memory_space<vmem>>, vector<1000x128xf32>
    %get3A_2 = arith.constant 0 : index
    %get3A_3 = arith.constant 0 : index
    %get3A_4 = vector.load %arg2[%get3A_2, %get3A_3] : memref<1000x128xf32, #tpu.memory_space<vmem>>, vector<1000x128xf32>
    %add3A = arith.addf %get3A_1, %get3A_4 : vector<1000x128xf32>
    %get3A_5 = arith.constant 0 : index
    %get3A_6 = arith.constant 0 : index
    %get3A_7 = vector.load %arg3[%get3A_5, %get3A_6] : memref<1000x128xf32, #tpu.memory_space<vmem>>, vector<1000x128xf32>
    %add3A_8 = arith.addf %add3A, %get3A_7 : vector<1000x128xf32>
    %get3A_9 = arith.constant 0 : index
    %get3A_10 = arith.constant 0 : index
    %get3A_11 = vector.load %arg4[%get3A_9, %get3A_10] : memref<1000x1xf32, #tpu.memory_space<vmem>>, vector<1000x1xf32>
    %mul3A = vector.broadcast %get3A_11 : vector<1000x1xf32> to vector<1000x128xf32>
    %mul3A_12 = arith.mulf %add3A_8, %mul3A : vector<1000x128xf32>
    %get3A_13 = arith.constant 0 : index
    %get3A_14 = arith.constant 0 : index
    %get3A_15 = vector.load %arg5[%get3A_13, %get3A_14] : memref<1x128xf32, #tpu.memory_space<vmem>>, vector<1x128xf32>
    %add3A_16 = vector.broadcast %get3A_15 : vector<1x128xf32> to vector<1000x128xf32>
    %add3A_17 = arith.addf %mul3A_12, %add3A_16 : vector<1000x128xf32>
    %max3A = arith.constant 0.000000e+00 : f32
    %max3A_18 = vector.broadcast %max3A : f32 to vector<1000x128xf32>
    %max3A_19 = arith.maximumf %add3A_17, %max3A_18 : vector<1000x128xf32>
    %reduce_sum3A = arith.constant dense<0.000000e+00> : vector<128xf32>
    %reduce_sum3A_20 = vector.multi_reduction <add>, %max3A_19, %reduce_sum3A [0] : vector<1000x128xf32> to vector<128xf32>
    %broadcast_in_dim3A = vector.shape_cast %reduce_sum3A_20 : vector<128xf32> to vector<1x128xf32>
    %eq3A = arith.constant 0 : i32
    %eq3A_21 = arith.cmpi eq, %arg0, %eq3A : i32
    %convert_element_type3A = arith.extui %eq3A_21 : i1 to i32
    %cond3A = arith.constant 0 : i32
    %cond3A_22 = arith.cmpi ne, %convert_element_type3A, %cond3A : i32
    scf.if %cond3A_22 {
      %swap3A = arith.constant 0 : index
      %swap3A_32 = arith.constant 0 : index
      %swap3A_33 = vector.load %arg9[%swap3A, %swap3A_32] : memref<1x128xf32, #tpu.memory_space<vmem>>, vector<1x128xf32>
      tpu.vector_store %arg9[%swap3A, %swap3A_32], %broadcast_in_dim3A {strides = array<i32>} : memref<1x128xf32, #tpu.memory_space<vmem>>, vector<1x128xf32>,
    } else {
    }
    %gt3A = arith.constant 0 : i32
    %gt3A_23 = arith.cmpi sgt, %arg0, %gt3A : i32
    %convert_element_type3A_24 = arith.extui %gt3A_23 : i1 to i32
    %cond3A_25 = arith.constant 0 : i32
    %cond3A_26 = arith.cmpi ne, %convert_element_type3A_24, %cond3A_25 : i32
    scf.if %cond3A_26 {
      %get3A_32 = arith.constant 0 : index
      %get3A_33 = arith.constant 0 : index
      %get3A_34 = vector.load %arg9[%get3A_32, %get3A_33] : memref<1x128xf32, #tpu.memory_space<vmem>>, vector<1x128xf32>
      %add3A_35 = arith.addf %get3A_34, %broadcast_in_dim3A : vector<1x128xf32>
      %swap3A = arith.constant 0 : index
      %swap3A_36 = arith.constant 0 : index
      %swap3A_37 = vector.load %arg9[%swap3A, %swap3A_36] : memref<1x128xf32, #tpu.memory_space<vmem>>, vector<1x128xf32>
      tpu.vector_store %arg9[%swap3A, %swap3A_36], %add3A_35 {strides = array<i32>} : memref<1x128xf32, #tpu.memory_space<vmem>>, vector<1x128xf32>,
    } else {
    }
    %eq3A_27 = arith.constant 9 : i32
    %eq3A_28 = arith.cmpi eq, %arg0, %eq3A_27 : i32
    %convert_element_type3A_29 = arith.extui %eq3A_28 : i1 to i32
    %cond3A_30 = arith.constant 0 : i32
    %cond3A_31 = arith.cmpi ne, %convert_element_type3A_29, %cond3A_30 : i32
    scf.if %cond3A_31 {
      %get3A_32 = arith.constant 0 : index
      %get3A_33 = arith.constant 0 : index
      %get3A_34 = vector.load %arg9[%get3A_32, %get3A_33] : memref<1x128xf32, #tpu.memory_space<vmem>>, vector<1x128xf32>
      %mul3A_35 = arith.constant 9.99999974E-5 : f32
      %mul3A_36 = vector.broadcast %mul3A_35 : f32 to vector<1x128xf32>
      %mul3A_37 = arith.mulf %get3A_34, %mul3A_36 : vector<1x128xf32>
      %get3A_38 = arith.constant 0 : index
      %get3A_39 = arith.constant 0 : index
      %get3A_40 = vector.load %arg6[%get3A_38, %get3A_39] : memref<128x128xf32, #tpu.memory_space<vmem>>, vector<128x128xf32>
      %dot_general3A = arith.constant dense<0.000000e+00> : vector<1x128xf32>
      %dot_general3A_41 = tpu.matmul %mul3A_37, %get3A_40, %dot_general3A {dimension_numbers = #tpu.dot_dimension_numbers<[1], [0], [0], [1], [0, 0, 1, 1], [], []>, transpose_lhs_hint = false} : vector<1x128xf32>, vector<128x128xf32>, vector<1x128xf32> -> vector<1x128xf32>
      %get3A_42 = arith.constant 0 : index
      %get3A_43 = arith.constant 0 : index
      %get3A_44 = vector.load %arg7[%get3A_42, %get3A_43] : memref<1x128xf32, #tpu.memory_space<vmem>>, vector<1x128xf32>
      %add3A_45 = arith.addf %dot_general3A_41, %get3A_44 : vector<1x128xf32>
      %swap3A = arith.constant 0 : index
      %swap3A_46 = arith.constant 0 : index
      %swap3A_47 = vector.load %arg8[%swap3A, %swap3A_46] : memref<1x128xf32, #tpu.memory_space<vmem>>, vector<1x128xf32>
      tpu.vector_store %arg8[%swap3A, %swap3A_46], %add3A_45 {strides = array<i32>} : memref<1x128xf32, #tpu.memory_space<vmem>>, vector<1x128xf32>,
    } else {
    }
    return
  }
  func.func @transform_0(%arg0: i32) -> (i32, i32) {
    %c0_i32 = arith.constant 0 : i32
    %c0_i32_0 = arith.constant 0 : i32
    return %arg0, %c0_i32 : i32, i32
  }
  func.func @transform_1(%arg0: i32) -> (i32, i32) {
    %c0_i32 = arith.constant 0 : i32
    %c0_i32_0 = arith.constant 0 : i32
    return %arg0, %c0_i32 : i32, i32
  }
  func.func @transform_2(%arg0: i32) -> (i32, i32) {
    %c0_i32 = arith.constant 0 : i32
    %c0_i32_0 = arith.constant 0 : i32
    return %arg0, %c0_i32 : i32, i32
  }
  func.func @transform_3(%arg0: i32) -> (i32, i32) {
    %c0_i32 = arith.constant 0 : i32
    %c0_i32_0 = arith.constant 0 : i32
    return %arg0, %c0_i32 : i32, i32
  }
  func.func @transform_4(%arg0: i32) -> (i32, i32) {
    %c0_i32 = arith.constant 0 : i32
    %c0_i32_0 = arith.constant 0 : i32
    %c0_i32_1 = arith.constant 0 : i32
    return %c0_i32, %c0_i32_0 : i32, i32
  }
  func.func @transform_5(%arg0: i32) -> (i32, i32) {
    %c0_i32 = arith.constant 0 : i32
    %c0_i32_0 = arith.constant 0 : i32
    %c0_i32_1 = arith.constant 0 : i32
    return %c0_i32, %c0_i32_0 : i32, i32
  }
  func.func @transform_6(%arg0: i32) -> (i32, i32) {
    %c0_i32 = arith.constant 0 : i32
    %c0_i32_0 = arith.constant 0 : i32
    %c0_i32_1 = arith.constant 0 : i32
    return %c0_i32, %c0_i32_0 : i32, i32
  }
  func.func @transform_7(%arg0: i32) -> (i32, i32) {
    %c0_i32 = arith.constant 0 : i32
    %c0_i32_0 = arith.constant 0 : i32
    %c0_i32_1 = arith.constant 0 : i32
    return %c0_i32, %c0_i32_0 : i32, i32
  }
}

</mosaic_0001>

<sc_bundles>
// kernel: kernel.12.cloned.1.call-start
scs
__scs_entry_jumppad:
0x0: {  	(pc) =	sbr.rel $0x88, $3  }
0x1: {  	(tag) =	ssettag $0x0;
	lr =	simm.s32 $0x1  }
0x2: {  	[smem:$0x3F99] =	sst lr;
	_ =	strace $0xD0000000  }
0x3: {  	_ = 	snop  }
0x4: {  	_ = 	snop  }
0x5: {  	_ = 	snop  }
0x6: {  	_ = 	snop  }
0x7: {  	_ = 	snop  }
__scs_overlays_trampoline_lowered:
0x8: {  	[smem:$0x3FA8] =	sst s0  }
0x9: {  	[smem:$0x3FA9] =	sst s1  }
0xa: {  	[smem:$0x3FAA] =	sst s2  }
0xb: {  	[smem:$0x3FAB] =	sst s3  }
0xc: {  	[smem:$0x3FAC] =	sst s4  }
0xd: {  	[smem:$0x3FAD] =	sst s5  }
0xe: {  	[smem:$0x3FAE] =	sst s6  }
0xf: {  	[smem:$0x3FAF] =	sst s7  }
0x10: {  	[smem:$0x3FB0] =	sst s8  }
0x11: {  	[smem:$0x3FB1] =	sst s9;
	s0 =	simm.s32 @!p0 $0x0  }
0x12: {  	s1 =	sld [smem:$0x3F97];
	s0 =	simm.s32 @p0 $0x1  }
0x13: {  	[smem:$0x3FB2] =	sst s0;
	s0 =	simm.s32 @!p1 $0x0  }
0x14: {  	s2 =	sld [smem:$0x3F96];
	s0 =	simm.s32 @p1 $0x1  }
0x15: {  	[smem:$0x3FB3] =	sst s0;
	s0 =	simm.s32 @!p2 $0x0  }
0x16: {  	s3 =	sld [smem:$0x3FDB];
	s0 =	simm.s32 @p2 $0x1  }
0x17: {  	s4 =	simm.s32 $0x1BF5;
	[smem:$0x3FB5] =	sst s0  }
0x18: {  	s0 =	sld [smem:$0x3F98];
	_ =	swait.ge [sflag:s4], $0x0  }
0x19: {  	s7 =	sld [smem:$0x3F99]  }
0x1a: {  	s8 =	sadd.s32 $0xFFFFE003, lr  }
0x1b: {  	s9 =	sadd.s32 $0xFFFFFEF7, lr;
	s5 =	simm.s32 $0xFFFFFFFF;
	p2 =	slt.u32 s8, $0xFFFFF086  }
0x1c: {  	p1 =	slt.u32 s9, $0xF7A;
	s5 =	simm.s32 @!p2 $0x0  }
0x1d: {  	s5 =	simm.s32 @p1 $0x1;
	p0 =	seq.s32 s7, s2  }
0x1e: {  	s7 =	smul.u32 @!p0 $0xF7A, s2;
	p2 =	seq.s32 @!p0 s5, $0x0  }
0x1f: {  	s9 =	smul.u32 $0xF7A, s1;
	s8 =	simm.s32 @!p0 $0x1BF5;
	p2 =	por !p2, p0  }
0x20: {  	[sflag:s8] =	ssyncset.s32 @!p0 $0xFFFFF086;
	s6 =	sadd.s32 @!p0 s3, s7;
	s7 =	simm.s32 @!p0 $0x108  }
0x21: {  	s3 =	sadd.s32 s3, s9;
	s6 =	sadd.s32 @!p0 $0x88, s6;
	s7 =	simm.s32 @p2 $0x1082  }
0x22: {  	[simem:s7], [sflag:s8] =	dma.local @!p0 [hbm:s6], $0xF7A  }
0x23: {  	s9 =	sor.u32 $0xD0000000, s2;
	s6 =	simm.s32 $0x108;
	_ =	swait.ge @!p0 [sflag:s8], $0x0  }
0x24: {  	s3 =	sadd.s32 $0x88, s3;
	s6 =	simm.s32 @!p1 $0x1082;
	[sflag:s4] =	ssyncset.s32 $0xFFFFF086  }
0x25: {  	[simem:s6], [sflag:s4] =	dma.local [hbm:s3], $0xF7A  }
0x26: {  	[smem:$0x3F99] =	sst s1;
	(tag) =	ssettag s2;
	_ =	strace s9  }
0x27: {  	s1 =	sld [smem:$0x3FA9]  }
0x28: {  	s2 =	sld [smem:$0x3FAA]  }
0x29: {  	s4 =	sld [smem:$0x3FAC]  }
0x2a: {  	p0 =	seq.s32 s5, $0x0;
	s5 =	sld [smem:$0x3FAD]  }
0x2b: {  	s6 =	sld [smem:$0x3FAE]  }
0x2c: {  	s7 =	sld [smem:$0x3FAF]  }
0x2d: {  	s3 =	simm.s32 $0x108;
	s8 =	sld [smem:$0x3FB0]  }
0x2e: {  	s3 =	simm.s32 @!p0 $0x1082;
	s9 =	sld [smem:$0x3FB1]  }
0x2f: {  	lr =	sadd.s32 s0, s3;
	s0 =	sld [smem:$0x3FA8]  }
0x30: {  	s3 =	sld [smem:$0x3FAB]  }
0x31: {  	[smem:$0x3FB4] =	sst s10  }
0x32: {  	s10 =	sld [smem:$0x3FB2];
	_ =	sdelay $0x3  }
0x33: {  	p0 =	seq.s32 s10, $0x1;
	s10 =	sld [smem:$0x3FB4];
	_ =	sdelay $0x3  }
0x34: {  	[smem:$0x3FB4] =	sst s10  }
0x35: {  	s10 =	sld [smem:$0x3FB3];
	_ =	sdelay $0x3  }
0x36: {  	p1 =	seq.s32 s10, $0x1;
	s10 =	sld [smem:$0x3FB4];
	_ =	sdelay $0x3  }
0x37: {  	[smem:$0x3FB4] =	sst s10  }
0x38: {  	s10 =	sld [smem:$0x3FB5]  }
0x39: {  	_ = 	snop;
	(pc) =	sbr.ind lr, $3  }
0x3a: {  	_ = 	snop  }
0x3b: {  	_ = 	snop  }
0x3c: {  	p2 =	seq.s32 s10, $0x1;
	s10 =	sld [smem:$0x3FB4]  }
0x3d: {  	_ =	shalt  }
0x3e: {  	_ =	shalt  }
0x3f: {  	_ =	shalt  }
0x40: {  	_ =	shalt  }
0x41: {  	_ =	shalt  }
0x42: {  	_ =	shalt  }
0x43: {  	_ =	shalt  }
0x44: {  	_ =	shalt  }
0x45: {  	_ =	shalt  }
0x46: {  	_ =	shalt  }
0x47: {  	_ =	shalt  }
0x48: {  	_ =	shalt  }
0x49: {  	_ =	shalt  }
0x4a: {  	_ =	shalt  }
0x4b: {  	_ =	shalt  }
0x4c: {  	_ =	shalt  }
0x4d: {  	_ =	shalt  }
0x4e: {  	_ =	shalt  }
0x4f: {  	_ =	shalt  }
0x50: {  	_ =	shalt  }
0x51: {  	_ =	shalt  }
0x52: {  	_ =	shalt  }
0x53: {  	_ =	shalt  }
0x54: {  	_ =	shalt  }
0x55: {  	_ =	shalt  }
0x56: {  	_ =	shalt  }
0x57: {  	_ =	shalt  }
0x58: {  	_ =	shalt  }
0x59: {  	_ =	shalt  }
0x5a: {  	_ =	shalt  }
0x5b: {  	_ =	shalt  }
0x5c: {  	_ =	shalt  }
0x5d: {  	_ =	shalt  }
0x5e: {  	_ =	shalt  }
0x5f: {  	_ =	shalt  }
0x60: {  	_ =	shalt  }
0x61: {  	_ =	shalt  }
0x62: {  	_ =	shalt  }
0x63: {  	_ =	shalt  }
0x64: {  	_ =	shalt  }
0x65: {  	_ =	shalt  }
0x66: {  	_ =	shalt  }
0x67: {  	_ =	shalt  }
0x68: {  	_ =	shalt  }
0x69: {  	_ =	shalt  }
0x6a: {  	_ =	shalt  }
0x6b: {  	_ =	shalt  }
0x6c: {  	_ =	shalt  }
0x6d: {  	_ =	shalt  }
0x6e: {  	_ =	shalt  }
0x6f: {  	_ =	shalt  }
0x70: {  	_ =	shalt  }
0x71: {  	_ =	shalt  }
0x72: {  	_ =	shalt  }
0x73: {  	_ =	shalt  }
0x74: {  	_ =	shalt  }
0x75: {  	_ =	shalt  }
0x76: {  	_ =	shalt  }
0x77: {  	_ =	shalt  }
0x78: {  	_ =	shalt  }
0x79: {  	_ =	shalt  }
0x7a: {  	_ =	shalt  }
0x7b: {  	_ =	shalt  }
0x7c: {  	_ =	shalt  }
0x7d: {  	_ =	shalt  }
0x7e: {  	_ =	shalt  }
0x7f: {  	_ =	shalt  }
0x80: {  	_ =	shalt  }
0x81: {  	_ =	shalt  }
0x82: {  	_ =	shalt  }
0x83: {  	_ =	shalt  }
0x84: {  	_ =	shalt  }
0x85: {  	_ =	shalt  }
0x86: {  	_ =	shalt  }
0x87: {  	_ =	shalt  }
.Lfunc_end0:
.L_simem_size_0:
called_computation.1_lowered:
.L_overlay_start_0:
0x88: {  	s2 =	sld [smem:$0x3FD9]  }
0x89: {  	s3 =	sld [smem:$0x3FFE];
	_ =	sdelay $0x1  }
0x8a: {  	s1 =	srdreg.scid  }
0x8b: {  	s0 =	sand.u32 $0x1, s1  }
0x8c: {  	s16 =	sshll.u32 s0, $0xA;
	s2 =	sadd.s32 s3, s2  }
0x8d: {  	s2 =	sadd.s32 s2, s16  }
0x8e: {  	[smem:$0x3FC0] =	sst s2  }
0x8f: {  	_ = 	snop  }
0x90: {  	(tm) =	ssettm $0x1  }
0x91: {  	s17 =	sld [smem:$0x3FFB];
	_ =	sdelay $0x3  }
0x92: {  	_ =	strace s17  }
0x93: {  	s2 =	sld [smem:$0x3FFC];
	_ =	sdelay $0x3  }
0x94: {  	_ =	strace s2  }
0x95: {  	s2 =	sld [smem:$0x3FFD];
	_ =	sdelay $0x3  }
0x96: {  	_ =	strace s2  }
0x97: {  	_ =	strace $0x8FFFFFFF  }
0x98: {  	s18 =	sld [smem:$0x3FDB];
	_ =	sdelay $0x1  }
0x99: {  	s19 =	simm.s32 $_scs_section_size  }
0x9a: {  	s4 =	simm.s32 $_size__tile_overlayer_lowered;
	s5 =	simm.s32 $_tile_overlayer_lowered  }
0x9b: {  	s22 =	simm.s32 $0x1BFF;
	s21 =	sshll.u32 s5, $0x1;
	s2 =	sadd.s32 s19, s18  }
0x9c: {  	s6 =	simm.s32 $0x0;
	s20 =	sshll.u32 s4, $0x1;
	s4 =	sadd.s32 s21, s2  }
0x9d: {  	[timem:s6], [sflag:s22] =	dma.local [hbm:s4], s20  }
0x9e: {  	_ =	swait.ge [sflag:s22], s20  }
0x9f: {  	s3 =	ssub.s32 $0x0, s20;
	[sflag:s22] =	ssyncset.done $0x0  }
0xa0: {  	[sflag:s22] =	ssyncadd.s32 s3;
	_ =	sdelay $0x1  }
0xa1: {  	s23 =	simm.s32 $0x1B8B  }
0xa2: {  	_ =	swait.ge [sflag:s23], $0x1  }
0xa3: {  	[sflag:s23] =	ssyncset.done $0x0  }
0xa4: {  	s25 =	simm.s32 $0x1B8E;
	s24 =	sld [smem:$0x3FFE];
	[sflag:s23] =	ssyncadd.s32 $0xFFFFFFFF  }
0xa5: {  	s26 =	simm.s32 $execute0_lowered;
	[smem:$0x3FD2] =	sst s25  }
0xa6: {  	s4 =	sshll.u32 s26, $0x1;
	_ =	strace $0x80000049;
	[dreg:$0x1] =	wrdreg $0xFFFFFFFF  }
0xa7: {  	s28 =	simm.s32 $_size_execute0_lowered;
	s2 =	sadd.s32 s2, s4;
	[dreg:$0x0] =	wrdreg $0x0  }
0xa8: {  	s4 =	sshll.u32 s28, $0x1;
	[dreg:$0x2] =	wrdreg s2  }
0xa9: {  	[dreg:$0x3] =	wrdreg s4  }
0xaa: {  	[dreg:$0x4] =	wrdreg $0xC0  }
0xab: {  	_ =	task [dreg:s6], $0x5FFFF  }
0xac: {  	[dreg:$0x1] =	wrdreg $0xFFFFFFFF  }
0xad: {  	[dreg:$0x0] =	wrdreg $0x60  }
0xae: {  	[dreg:$0x2] =	wrdreg s24  }
0xaf: {  	[dreg:$0x3] =	wrdreg $0xA8000  }
0xb0: {  	[dreg:$0x4] =	wrdreg $0x9  }
0xb1: {  	_ =	task.clear_ibuf [dreg:s6], $0x5FFFF;
	_ =	strace $0x90000049  }
0xb2: {  	s29 =	simm.s32 $0x9;
	_ =	strace $0x8000004B  }
0xb3: {  	_ =	swait.ge [sflag:s29], $0x1  }
0xb4: {  	[sflag:s29] =	ssyncadd.s32 $0xFFFFFFFF  }
0xb5: {  	_ =	strace $0x9000004B  }
0xb6: {  	_ =	sfence  }
0xb7: {  	s30 =	sld [smem:$0x0];
	_ =	sdelay $0x2  }
0xb8: {  	s31 =	sshll.u32 s1, $0xD;
	s1 =	sshrl.u32 s1, $0x2  }
0xb9: {  	s3 =	sand.u32 $0x4000, s31;
	s1 =	sadd.s32 s1, s30  }
0xba: {  	s0 =	sor.u32 s3, s0;
	s1 =	sshll.u32 s1, $0x11  }
0xbb: {  	s0 =	sor.u32 s1, s0  }
0xbc: {  	s0 =	sadd.s32 $0x8F2B, s0  }
0xbd: {  	[sflag:s0] =	ssyncadd.remote.s32 $0x1  }
0xbe: {  	_ =	sfence.sel $0xFFFF  }
0xbf: {  	[dreg:$0x0] =	wrdreg $0xFFFFFFFF;
	(pc) =	sbr.abs _section_cstart, $3  }
0xc0: {  	[dreg:$0x1] =	wrdreg $0xFFFFFFFF  }
0xc1: {  	_ =	task.clear_ibuf [dreg:s6], $0x2FFFF;
	_ =	strace $0x9FFFFFFF  }
0xc2: {  	(tm) =	ssettm $0x7FFFFFFF  }
0xc3: {  	_ =	shalt  }
tec
execute0_lowered:
.L_overlay_start_1:
0x0: {  	(tag) =	ssettag $0x1  }
0x1: {  	s5 =	rddreg [dreg:$0x0]  }
0x2: {  	s1 =	rddreg [dreg:$0x1]  }
0x3: {  	s2 =	srdreg.scid;
	s0 =	rddreg [dreg:$0x2];
	s3 =	simm.s32 $0x0  }
0x4: {  	s16 =	simm.s32 $0x1400;
	s17 =	simm.s32 $0x2800;
	s18 =	simm.s32 $0x1  }
0x5: {  	s19 =	simm.s32 $0x3;
	s20 =	simm.s32 $0x2;
	s21 =	simm.s32 $0x80  }
0x6: {  	s22 =	simm.s32 $0x6800;
	s23 =	simm.s32 $0x4;
	s24 =	simm.s32 $0x1380  }
0x7: {  	s25 =	simm.s32 $0x2700;
	s28 =	simm.s32 $0x0;
	s6 =	sand.u32 $0x1, s2  }
0x8: {  	s2 =	stileid.u32;
	[smem:$0x7FF] =	sst s3;
	s4 =	sadd.s32 $0x17A00, s5  }
0x9: {  	s10 =	sadd.s32 $0xDA00, s5;
	s29 =	sadd.s32 $0x3A00, s5;
	s7 =	smul.u32 $0x140000, s6  }
0xa: {  	s8 =	smul.u32 $0x14000, s2;
	s9 =	sshll.u32 s6, $0x4;
	_ =	strace $0x8000004A  }
0xb: {  	s6 =	ssub.s32 $0x2, s6;
	s12 =	smul.u32 $0x50000, s2;
	s9 =	sor.u32 s2, s9  }
0xc: {  	s11 =	sshrl.u32 s6, $0x1;
	s7 =	sadd.s32 s8, s7;
	s26 =	smul.u32 $0x2800, s9  }
0xd: {  	s11 =	ssub.s32 s6, s11;
	s30 =	sshrl.u32 s12, $0x2;
	s7 =	sshrl.u32 s7, $0x3  }
0xe: {  	s11 =	smax.u32 s11, $0x1;
	s8 =	sshrl.u32 s26, $0x3;
	s13 =	sadd.s32 s7, s5  }
0xf: {  	s7 =	sadd.s32 s30, s1;
	s26 =	simm.s32 $0x2780;
	s5 =	sadd.s32 s10, s8  }
0x10: {  	s6 =	sadd.s32 s29, s8;
	s31 =	sadd.s32 $0x280, s8;
	s12 =	sadd.s32 $0x4000, s7  }
0x11: {  	s14 =	sadd.s32 $0xC000, s7;
	s15 =	sadd.s32 $0x10000, s7;
	s8 =	sadd.s32 s10, s31  }
0x12: {  	v0 =	vimm.f32 $0.0e+00;
	s9 =	sadd.s32 s29, s31;
	s10 =	sadd.s32 $0x65E00, s13;
	s13 =	sadd.s32 $0x8000, s7  }
.LBB2_1:
0x13: {  	[tilespmem:s3], [sflag:$0x3] =	stream.linear.gather [hbm4b:s5+s3], $0x1400, $0x38;
	[tilespmem:$0x1E800] =	vst v63  }
0x14: {  	s29 =	simm.s32 $0x0;
	s30 =	simm.s32 $0x200  }
0x15: {  	[tilespmem:s16], [sflag:$0x2] =	stream.linear.gather [hbm4b:s6+s3], $0x1400, $0x38;
	[tilespmem:$0x1E800] =	vst v63  }
.LBB2_2:
0x16: {  	p0 =	sne.s32 s30, $0xFE00;
	[tilespmem:s29+$0x2870] =	vst v0  }
0x17: {  	[tilespmem:s29+$0x2800] =	vst v0  }
0x18: {  	[tilespmem:s29+$0x2810] =	vst v0  }
.Ltmp0:
0x19: {  	[tilespmem:s29+$0x2820] =	vst v0;
	(pc) =	sbr.rel @p0 .LBB2_2-.Ltmp0, $4  }
0x1a: {  	[tilespmem:s29+$0x2830] =	vst v0  }
0x1b: {  	[tilespmem:s29+$0x2840] =	vst v0  }
0x1c: {  	[tilespmem:s29+$0x2850] =	vst v0  }
0x1d: {  	[tilespmem:s29+$0x2860] =	vst v0;
	s29 =	sshra.s32 s30, $0x2;
	s30 =	sadd.s32 $0x200, s30  }
0x1e: {  	[tilespmem:s29+$0x2870] =	vst v0  }
0x1f: {  	[tilespmem:s29+$0x2800] =	vst v0  }
0x20: {  	[tilespmem:s29+$0x2810] =	vst v0  }
0x21: {  	[tilespmem:s29+$0x2820] =	vst v0  }
0x22: {  	[tilespmem:s29+$0x2830] =	vst v0  }
0x23: {  	[tilespmem:s29+$0x2840] =	vst v0  }
0x24: {  	[tilespmem:s29+$0x2850] =	vst v0  }
0x25: {  	[tilespmem:s29+$0x2860] =	vst v0  }
0x26: {  	[spmem:s7] =	stream.linear.scatter [tilespmem:s17], [sflag:$0x1], $0x4000, $0x38;
	[tilespmem:$0x1E800] =	vst v63  }
0x27: {  	_ = 	snop  }
0x28: {  	[spmem:s12] =	stream.linear.scatter [tilespmem:s17], [sflag:$0x1], $0x4000, $0x38;
	[tilespmem:$0x1E800] =	vst v63  }
0x29: {  	_ = 	snop  }
0x2a: {  	[spmem:s13] =	stream.linear.scatter [tilespmem:s17], [sflag:$0x1], $0x4000, $0x38;
	[tilespmem:$0x1E800] =	vst v63  }
0x2b: {  	_ = 	snop  }
0x2c: {  	[spmem:s14] =	stream.linear.scatter [tilespmem:s17], [sflag:$0x1], $0x4000, $0x38;
	[tilespmem:$0x1E800] =	vst v63  }
0x2d: {  	_ = 	snop  }
0x2e: {  	[spmem:s15] =	stream.linear.scatter [tilespmem:s17], [sflag:$0x1], $0x4000, $0x38;
	[tilespmem:$0x1E800] =	vst v63  }
0x2f: {  	_ =	swait.ge [sflag:s18], $0x4000  }
0x30: {  	[sflag:s18] =	ssyncset.done $0x0  }
0x31: {  	[sflag:s18] =	ssyncadd.s32 $0xFFFFC000  }
0x32: {  	_ =	swait.ge [sflag:s18], $0x4000  }
0x33: {  	[sflag:s18] =	ssyncset.done $0x0  }
0x34: {  	[sflag:s18] =	ssyncadd.s32 $0xFFFFC000  }
0x35: {  	_ =	swait.ge [sflag:s18], $0x4000  }
0x36: {  	[sflag:s18] =	ssyncset.done $0x0  }
0x37: {  	[sflag:s18] =	ssyncadd.s32 $0xFFFFC000  }
0x38: {  	_ =	swait.ge [sflag:s18], $0x4000  }
0x39: {  	[sflag:s18] =	ssyncset.done $0x0  }
0x3a: {  	[sflag:s18] =	ssyncadd.s32 $0xFFFFC000  }
0x3b: {  	_ =	swait.ge [sflag:s18], $0x4000  }
0x3c: {  	[sflag:s18] =	ssyncset.done $0x0  }
0x3d: {  	[sflag:s18] =	ssyncadd.s32 $0xFFFFC000  }
0x3e: {  	_ =	swait.ge [sflag:s19], $0x1400  }
0x3f: {  	[sflag:s19] =	ssyncset.done $0x0  }
0x40: {  	[sflag:s19] =	ssyncadd.s32 $0xFFFFEC00  }
0x41: {  	_ =	swait.ge [sflag:s20], $0x1400  }
0x42: {  	[sflag:s20] =	ssyncset.done $0x0  }
0x43: {  	[sflag:s20] =	ssyncadd.s32 $0xFFFFEC00  }
0x44: {  	s29 =	simm.s32 $0x0;
	[bflag:$0x0] =	sbarrier.arrive $0xFFFF  }
0x45: {  	[tilespmem:s17], [sflag:$0x1] =	stream.indirect.gather [hbm4b:s4+s21], $0x80, s29, s21, $0xb8;
	[tilespmem:$0x1E800] =	vst v63  }
0x46: {  	_ =	swait.ge [sflag:s18], $0x4000  }
0x47: {  	[sflag:s18] =	ssyncset.done $0x0  }
0x48: {  	s29 =	simm.s32 $0x80;
	[sflag:s18] =	ssyncadd.s32 $0xFFFFC000  }
0x49: {  	[tilespmem:s22], [sflag:$0x2] =	stream.indirect.gather [hbm4b:s4+s21], $0x80, s29, s21, $0xb8;
	[tilespmem:$0x1E800] =	vst v63  }
0x4a: {  	s29 =	simm.s32 $0x1400  }
0x4b: {  	[spmem:s1] =	stream.indirect.scatter.add.f32 [tilespmem:s17], [sflag:$0x4], $0x80, s29, s21, $0xb8;
	[tilespmem:$0x1E800] =	vst v63  }
0x4c: {  	_ =	swait.ge [sflag:s23], $0x4000  }
0x4d: {  	[sflag:s23] =	ssyncset.done $0x0  }
0x4e: {  	[sflag:s23] =	ssyncadd.s32 $0xFFFFC000  }
0x4f: {  	_ =	swait.ge [sflag:s20], $0x4000  }
0x50: {  	[sflag:s20] =	ssyncset.done $0x0  }
0x51: {  	s29 =	simm.s32 $0x100;
	[sflag:s20] =	ssyncadd.s32 $0xFFFFC000  }
0x52: {  	[tilespmem:s17], [sflag:$0x1] =	stream.indirect.gather [hbm4b:s4+s21], $0x80, s29, s21, $0xb8;
	[tilespmem:$0x1E800] =	vst v63  }
0x53: {  	s29 =	simm.s32 $0x1480  }
0x54: {  	[spmem:s1] =	stream.indirect.scatter.add.f32 [tilespmem:s22], [sflag:$0x4], $0x80, s29, s21, $0xb8;
	[tilespmem:$0x1E800] =	vst v63  }
0x55: {  	_ =	swait.ge [sflag:s23], $0x4000  }
0x56: {  	s29 =	simm.s32 $0x400;
	[sflag:s23] =	ssyncset.done $0x0  }
.LBB2_4:
0x57: {  	p0 =	sne.s32 s29, $0x4800  }
0x58: {  	[sflag:s23] =	ssyncadd.s32 $0xFFFFC000;
	s30 =	smov.u32 s29;
	s29 =	sadd.s32 $0x400, s29  }
0x59: {  	_ = 	snop  }
0x5a: {  	_ =	swait.ge [sflag:s18], $0x4000  }
0x5b: {  	s30 =	sshra.s32 s30, $0x2;
	[sflag:s18] =	ssyncset.done $0x0  }
0x5c: {  	s31 =	sadd.s32 $0x80, s30;
	[sflag:s18] =	ssyncadd.s32 $0xFFFFC000  }
0x5d: {  	[tilespmem:s22], [sflag:$0x2] =	stream.indirect.gather [hbm4b:s4+s21], $0x80, s31, s21, $0xb8;
	[tilespmem:$0x1E800] =	vst v63  }
0x5e: {  	s31 =	sadd.s32 $0x1400, s30  }
0x5f: {  	[spmem:s1] =	stream.indirect.scatter.add.f32 [tilespmem:s17], [sflag:$0x4], $0x80, s31, s21, $0xb8;
	[tilespmem:$0x1E800] =	vst v63  }
0x60: {  	_ =	swait.ge [sflag:s23], $0x4000  }
0x61: {  	[sflag:s23] =	ssyncset.done $0x0  }
0x62: {  	[sflag:s23] =	ssyncadd.s32 $0xFFFFC000  }
0x63: {  	_ =	swait.ge [sflag:s20], $0x4000  }
0x64: {  	[sflag:s20] =	ssyncset.done $0x0  }
0x65: {  	s31 =	sadd.s32 $0x100, s30;
	[sflag:s20] =	ssyncadd.s32 $0xFFFFC000  }
0x66: {  	[tilespmem:s17], [sflag:$0x1] =	stream.indirect.gather [hbm4b:s4+s21], $0x80, s31, s21, $0xb8;
	[tilespmem:$0x1E800] =	vst v63  }
.Ltmp1:
0x67: {  	_ = 	snop;
	(pc) =	sbr.rel @p0 .LBB2_4-.Ltmp1, $4  }
0x68: {  	s30 =	sadd.s32 $0x1480, s30  }
0x69: {  	[spmem:s1] =	stream.indirect.scatter.add.f32 [tilespmem:s22], [sflag:$0x4], $0x80, s30, s21, $0xb8;
	[tilespmem:$0x1E800] =	vst v63  }
0x6a: {  	_ =	swait.ge [sflag:s23], $0x4000  }
0x6b: {  	[sflag:s23] =	ssyncset.done $0x0  }
0x6c: {  	[sflag:s23] =	ssyncadd.s32 $0xFFFFC000  }
0x6d: {  	_ =	swait.ge [sflag:s18], $0x4000  }
0x6e: {  	[sflag:s18] =	ssyncset.done $0x0  }
0x6f: {  	[sflag:s18] =	ssyncadd.s32 $0xFFFFC000  }
0x70: {  	[tilespmem:s22], [sflag:$0x2] =	stream.indirect.gather [hbm4b:s4+s21], $0x80, s24, s21, $0xb8;
	[tilespmem:$0x1E800] =	vst v63  }
0x71: {  	_ = 	snop  }
0x72: {  	[spmem:s1] =	stream.indirect.scatter.add.f32 [tilespmem:s17], [sflag:$0x4], $0x80, s25, s21, $0xb8;
	[tilespmem:$0x1E800] =	vst v63  }
0x73: {  	_ =	swait.ge [sflag:s23], $0x4000  }
0x74: {  	[sflag:s23] =	ssyncset.done $0x0  }
0x75: {  	[sflag:s23] =	ssyncadd.s32 $0xFFFFC000  }
0x76: {  	_ =	swait.ge [sflag:s20], $0x4000  }
0x77: {  	[sflag:s20] =	ssyncset.done $0x0  }
0x78: {  	[sflag:s20] =	ssyncadd.s32 $0xFFFFC000  }
0x79: {  	[spmem:s1] =	stream.indirect.scatter.add.f32 [tilespmem:s22], [sflag:$0x4], $0x80, s26, s21, $0xb8;
	[tilespmem:$0x1E800] =	vst v63  }
0x7a: {  	_ =	swait.ge [sflag:s23], $0x4000  }
0x7b: {  	[sflag:s23] =	ssyncset.done $0x0  }
0x7c: {  	s29 =	simm.s32 $0x0;
	[sflag:s23] =	ssyncadd.s32 $0xFFFFC000  }
0x7d: {  	[tilespmem:s29], [sflag:$0x3] =	stream.linear.gather [hbm4b:s8+s29], $0x1400, $0x38;
	[tilespmem:$0x1E800] =	vst v63  }
0x7e: {  	_ =	swait.ge [sflag:s19], $0x1400  }
0x7f: {  	[sflag:s19] =	ssyncset.done $0x0  }
0x80: {  	[sflag:s19] =	ssyncadd.s32 $0xFFFFEC00  }
0x81: {  	[tilespmem:s16], [sflag:$0x3] =	stream.linear.gather [hbm4b:s9+s29], $0x1400, $0x38;
	[tilespmem:$0x1E800] =	vst v63  }
0x82: {  	_ =	swait.ge [sflag:s19], $0x1400  }
0x83: {  	[sflag:s19] =	ssyncset.done $0x0  }
0x84: {  	[sflag:s19] =	ssyncadd.s32 $0xFFFFEC00  }
0x85: {  	[tilespmem:s17], [sflag:$0x1] =	stream.indirect.gather [hbm4b:s4+s21], $0x80, s29, s21, $0xb8;
	[tilespmem:$0x1E800] =	vst v63  }
0x86: {  	_ =	swait.ge [sflag:s18], $0x4000  }
0x87: {  	[sflag:s18] =	ssyncset.done $0x0  }
0x88: {  	s29 =	simm.s32 $0x80;
	[sflag:s18] =	ssyncadd.s32 $0xFFFFC000  }
0x89: {  	[tilespmem:s22], [sflag:$0x2] =	stream.indirect.gather [hbm4b:s4+s21], $0x80, s29, s21, $0xb8;
	[tilespmem:$0x1E800] =	vst v63  }
0x8a: {  	s29 =	simm.s32 $0x1400  }
0x8b: {  	[spmem:s1] =	stream.indirect.scatter.add.f32 [tilespmem:s17], [sflag:$0x4], $0x80, s29, s21, $0xb8;
	[tilespmem:$0x1E800] =	vst v63  }
0x8c: {  	_ =	swait.ge [sflag:s23], $0x4000  }
0x8d: {  	[sflag:s23] =	ssyncset.done $0x0  }
0x8e: {  	[sflag:s23] =	ssyncadd.s32 $0xFFFFC000  }
0x8f: {  	_ =	swait.ge [sflag:s20], $0x4000  }
0x90: {  	[sflag:s20] =	ssyncset.done $0x0  }
0x91: {  	s29 =	simm.s32 $0x100;
	[sflag:s20] =	ssyncadd.s32 $0xFFFFC000  }
0x92: {  	[tilespmem:s17], [sflag:$0x1] =	stream.indirect.gather [hbm4b:s4+s21], $0x80, s29, s21, $0xb8;
	[tilespmem:$0x1E800] =	vst v63  }
0x93: {  	s29 =	simm.s32 $0x1480  }
0x94: {  	[spmem:s1] =	stream.indirect.scatter.add.f32 [tilespmem:s22], [sflag:$0x4], $0x80, s29, s21, $0xb8;
	[tilespmem:$0x1E800] =	vst v63  }
0x95: {  	_ =	swait.ge [sflag:s23], $0x4000  }
0x96: {  	s29 =	simm.s32 $0x400;
	[sflag:s23] =	ssyncset.done $0x0  }
.LBB2_6:
0x97: {  	p0 =	sne.s32 s29, $0x4800  }
0x98: {  	[sflag:s23] =	ssyncadd.s32 $0xFFFFC000;
	s30 =	smov.u32 s29;
	s29 =	sadd.s32 $0x400, s29  }
0x99: {  	_ = 	snop  }
0x9a: {  	_ =	swait.ge [sflag:s18], $0x4000  }
0x9b: {  	s30 =	sshra.s32 s30, $0x2;
	[sflag:s18] =	ssyncset.done $0x0  }
0x9c: {  	s31 =	sadd.s32 $0x80, s30;
	[sflag:s18] =	ssyncadd.s32 $0xFFFFC000  }
0x9d: {  	[tilespmem:s22], [sflag:$0x2] =	stream.indirect.gather [hbm4b:s4+s21], $0x80, s31, s21, $0xb8;
	[tilespmem:$0x1E800] =	vst v63  }
0x9e: {  	s31 =	sadd.s32 $0x1400, s30  }
0x9f: {  	[spmem:s1] =	stream.indirect.scatter.add.f32 [tilespmem:s17], [sflag:$0x4], $0x80, s31, s21, $0xb8;
	[tilespmem:$0x1E800] =	vst v63  }
0xa0: {  	_ =	swait.ge [sflag:s23], $0x4000  }
0xa1: {  	[sflag:s23] =	ssyncset.done $0x0  }
0xa2: {  	[sflag:s23] =	ssyncadd.s32 $0xFFFFC000  }
0xa3: {  	_ =	swait.ge [sflag:s20], $0x4000  }
0xa4: {  	[sflag:s20] =	ssyncset.done $0x0  }
0xa5: {  	s31 =	sadd.s32 $0x100, s30;
	[sflag:s20] =	ssyncadd.s32 $0xFFFFC000  }
0xa6: {  	[tilespmem:s17], [sflag:$0x1] =	stream.indirect.gather [hbm4b:s4+s21], $0x80, s31, s21, $0xb8;
	[tilespmem:$0x1E800] =	vst v63  }
.Ltmp2:
0xa7: {  	_ = 	snop;
	(pc) =	sbr.rel @p0 .LBB2_6-.Ltmp2, $4  }
0xa8: {  	s30 =	sadd.s32 $0x1480, s30  }
0xa9: {  	[spmem:s1] =	stream.indirect.scatter.add.f32 [tilespmem:s22], [sflag:$0x4], $0x80, s30, s21, $0xb8;
	[tilespmem:$0x1E800] =	vst v63  }
0xaa: {  	_ =	swait.ge [sflag:s23], $0x4000  }
0xab: {  	[sflag:s23] =	ssyncset.done $0x0  }
0xac: {  	[sflag:s23] =	ssyncadd.s32 $0xFFFFC000  }
0xad: {  	_ =	swait.ge [sflag:s18], $0x4000  }
0xae: {  	[sflag:s18] =	ssyncset.done $0x0  }
0xaf: {  	[sflag:s18] =	ssyncadd.s32 $0xFFFFC000  }
0xb0: {  	[tilespmem:s22], [sflag:$0x2] =	stream.indirect.gather [hbm4b:s4+s21], $0x80, s24, s21, $0xb8;
	[tilespmem:$0x1E800] =	vst v63  }
0xb1: {  	_ = 	snop  }
0xb2: {  	[spmem:s1] =	stream.indirect.scatter.add.f32 [tilespmem:s17], [sflag:$0x4], $0x80, s25, s21, $0xb8;
	[tilespmem:$0x1E800] =	vst v63  }
0xb3: {  	_ =	swait.ge [sflag:s23], $0x4000  }
0xb4: {  	[sflag:s23] =	ssyncset.done $0x0  }
0xb5: {  	[sflag:s23] =	ssyncadd.s32 $0xFFFFC000  }
0xb6: {  	_ =	swait.ge [sflag:s20], $0x4000  }
0xb7: {  	[sflag:s20] =	ssyncset.done $0x0  }
0xb8: {  	[sflag:s20] =	ssyncadd.s32 $0xFFFFC000  }
0xb9: {  	[spmem:s1] =	stream.indirect.scatter.add.f32 [tilespmem:s22], [sflag:$0x4], $0x80, s26, s21, $0xb8;
	[tilespmem:$0x1E800] =	vst v63  }
0xba: {  	_ =	swait.ge [sflag:s23], $0x4000  }
0xbb: {  	s29 =	sshll.u32 s2, $0x6;
	s28 =	sadd.s32 $0x1, s28;
	[sflag:s23] =	ssyncset.done $0x0  }
0xbc: {  	s30 =	sshrl.u32 s7, $0x3;
	p0 =	sne.s32 s28, s11;
	[sflag:s23] =	ssyncadd.s32 $0xFFFFC000  }
.Ltmp3:
0xbd: {  	s29 =	sor.u32 $0x1C04, s29;
	[bflag:$0x0] =	sbarrier.arrive $0xFFFF;
	(pc) =	sbr.rel @p0 .LBB2_1-.Ltmp3, $4  }
0xbe: {  	[hbm:s10], [sflag:s29] =	dma.local [spmem:s30], $0x2800  }
0xbf: {  	_ =	swait.ge [sflag:s23], $0x2800  }
0xc0: {  	[sflag:s23] =	ssyncset.done $0x0  }
0xc1: {  	[sflag:s23] =	ssyncadd.s32 $0xFFFFD800  }
0xc2: {  	_ =	sfence.sel $0x180000  }
0xc3: {  	[bflag:$0x0] =	sbarrier.arrive $0xFFFF  }
0xc4: {  	p0 =	sne.s32 s2, $0x0;
	_ =	strace $0x9000004A  }
0xc5: {  	s0 =	sadd.s32 @!p0 $0x100000, s0;
	[bflag:$0x2] =	sbarrier.arrive $0xFFFF  }
0xc6: {  	[sflag:s0] =	ssyncadd.tile.s32 @!p0 $0x1;
	_ =	shalt  }
.Lfunc_end2:
_tile_overlayer_lowered:
.L_overlay_start_2:
0xc7: {  	(tag) =	ssettag $0x2  }
0xc8: {  	s0 =	rddreg [dreg:$0x0];
	s2 =	stileid.u32  }
0xc9: {  	s1 =	rddreg [dreg:$0x1];
	p0 =	sne.s32 s2, $0x0  }
0xca: {  	s3 =	rddreg [dreg:$0x2];
	[bflag:$0x3] =	sbarrier.arrive $0xFFFF;
	s2 =	simm.s32 @!p0 $0x1C04  }
0xcb: {  	[timem:s3], [sflag:s2] =	dma.local @!p0 [hbm:s0], s1  }
0xcc: {  	s0 =	simm.s32 @!p0 $0x4  }
0xcd: {  	_ =	swait.ge @!p0 [sflag:s0], s1  }
0xce: {  	s1 =	ssub.s32 @!p0 $0x0, s1;
	[sflag:s0] =	ssyncset.done @!p0 $0x0  }
0xcf: {  	[sflag:s0] =	ssyncadd.s32 @!p0 s1  }
0xd0: {  	[bflag:$0x3] =	sbarrier.arrive $0xFFFF  }
0xd1: {  	_ =	shalt  }

// kernel: kernel.15.cloned.1.call-start
scs
__scs_entry_jumppad:
0x0: {  	(pc) =	sbr.rel $0x88, $3  }
0x1: {  	(tag) =	ssettag $0x0;
	lr =	simm.s32 $0x1  }
0x2: {  	[smem:$0x3F99] =	sst lr;
	_ =	strace $0xD0000000  }
0x3: {  	_ = 	snop  }
0x4: {  	_ = 	snop  }
0x5: {  	_ = 	snop  }
0x6: {  	_ = 	snop  }
0x7: {  	_ = 	snop  }
__scs_overlays_trampoline_lowered:
0x8: {  	[smem:$0x3FA8] =	sst s0  }
0x9: {  	[smem:$0x3FA9] =	sst s1  }
0xa: {  	[smem:$0x3FAA] =	sst s2  }
0xb: {  	[smem:$0x3FAB] =	sst s3  }
0xc: {  	[smem:$0x3FAC] =	sst s4  }
0xd: {  	[smem:$0x3FAD] =	sst s5  }
0xe: {  	[smem:$0x3FAE] =	sst s6  }
0xf: {  	[smem:$0x3FAF] =	sst s7  }
0x10: {  	[smem:$0x3FB0] =	sst s8  }
0x11: {  	[smem:$0x3FB1] =	sst s9;
	s0 =	simm.s32 @!p0 $0x0  }
0x12: {  	s1 =	sld [smem:$0x3F97];
	s0 =	simm.s32 @p0 $0x1  }
0x13: {  	[smem:$0x3FB2] =	sst s0;
	s0 =	simm.s32 @!p1 $0x0  }
0x14: {  	s2 =	sld [smem:$0x3F96];
	s0 =	simm.s32 @p1 $0x1  }
0x15: {  	[smem:$0x3FB3] =	sst s0;
	s0 =	simm.s32 @!p2 $0x0  }
0x16: {  	s3 =	sld [smem:$0x3FDB];
	s0 =	simm.s32 @p2 $0x1  }
0x17: {  	s4 =	simm.s32 $0x1BF5;
	[smem:$0x3FB5] =	sst s0  }
0x18: {  	s0 =	sld [smem:$0x3F98];
	_ =	swait.ge [sflag:s4], $0x0  }
0x19: {  	s7 =	sld [smem:$0x3F99]  }
0x1a: {  	s8 =	sadd.s32 $0xFFFFE003, lr  }
0x1b: {  	s9 =	sadd.s32 $0xFFFFFEF7, lr;
	s5 =	simm.s32 $0xFFFFFFFF;
	p2 =	slt.u32 s8, $0xFFFFF086  }
0x1c: {  	p1 =	slt.u32 s9, $0xF7A;
	s5 =	simm.s32 @!p2 $0x0  }
0x1d: {  	s5 =	simm.s32 @p1 $0x1;
	p0 =	seq.s32 s7, s2  }
0x1e: {  	s7 =	smul.u32 @!p0 $0xF7A, s2;
	p2 =	seq.s32 @!p0 s5, $0x0  }
0x1f: {  	s9 =	smul.u32 $0xF7A, s1;
	s8 =	simm.s32 @!p0 $0x1BF5;
	p2 =	por !p2, p0  }
0x20: {  	[sflag:s8] =	ssyncset.s32 @!p0 $0xFFFFF086;
	s6 =	sadd.s32 @!p0 s3, s7;
	s7 =	simm.s32 @!p0 $0x108  }
0x21: {  	s3 =	sadd.s32 s3, s9;
	s6 =	sadd.s32 @!p0 $0x88, s6;
	s7 =	simm.s32 @p2 $0x1082  }
0x22: {  	[simem:s7], [sflag:s8] =	dma.local @!p0 [hbm:s6], $0xF7A  }
0x23: {  	s9 =	sor.u32 $0xD0000000, s2;
	s6 =	simm.s32 $0x108;
	_ =	swait.ge @!p0 [sflag:s8], $0x0  }
0x24: {  	s3 =	sadd.s32 $0x88, s3;
	s6 =	simm.s32 @!p1 $0x1082;
	[sflag:s4] =	ssyncset.s32 $0xFFFFF086  }
0x25: {  	[simem:s6], [sflag:s4] =	dma.local [hbm:s3], $0xF7A  }
0x26: {  	[smem:$0x3F99] =	sst s1;
	(tag) =	ssettag s2;
	_ =	strace s9  }
0x27: {  	s1 =	sld [smem:$0x3FA9]  }
0x28: {  	s2 =	sld [smem:$0x3FAA]  }
0x29: {  	s4 =	sld [smem:$0x3FAC]  }
0x2a: {  	p0 =	seq.s32 s5, $0x0;
	s5 =	sld [smem:$0x3FAD]  }
0x2b: {  	s6 =	sld [smem:$0x3FAE]  }
0x2c: {  	s7 =	sld [smem:$0x3FAF]  }
0x2d: {  	s3 =	simm.s32 $0x108;
	s8 =	sld [smem:$0x3FB0]  }
0x2e: {  	s3 =	simm.s32 @!p0 $0x1082;
	s9 =	sld [smem:$0x3FB1]  }
0x2f: {  	lr =	sadd.s32 s0, s3;
	s0 =	sld [smem:$0x3FA8]  }
0x30: {  	s3 =	sld [smem:$0x3FAB]  }
0x31: {  	[smem:$0x3FB4] =	sst s10  }
0x32: {  	s10 =	sld [smem:$0x3FB2];
	_ =	sdelay $0x3  }
0x33: {  	p0 =	seq.s32 s10, $0x1;
	s10 =	sld [smem:$0x3FB4];
	_ =	sdelay $0x3  }
0x34: {  	[smem:$0x3FB4] =	sst s10  }
0x35: {  	s10 =	sld [smem:$0x3FB3];
	_ =	sdelay $0x3  }
0x36: {  	p1 =	seq.s32 s10, $0x1;
	s10 =	sld [smem:$0x3FB4];
	_ =	sdelay $0x3  }
0x37: {  	[smem:$0x3FB4] =	sst s10  }
0x38: {  	s10 =	sld [smem:$0x3FB5]  }
0x39: {  	_ = 	snop;
	(pc) =	sbr.ind lr, $3  }
0x3a: {  	_ = 	snop  }
0x3b: {  	_ = 	snop  }
0x3c: {  	p2 =	seq.s32 s10, $0x1;
	s10 =	sld [smem:$0x3FB4]  }
0x3d: {  	_ =	shalt  }
0x3e: {  	_ =	shalt  }
0x3f: {  	_ =	shalt  }
0x40: {  	_ =	shalt  }
0x41: {  	_ =	shalt  }
0x42: {  	_ =	shalt  }
0x43: {  	_ =	shalt  }
0x44: {  	_ =	shalt  }
0x45: {  	_ =	shalt  }
0x46: {  	_ =	shalt  }
0x47: {  	_ =	shalt  }
0x48: {  	_ =	shalt  }
0x49: {  	_ =	shalt  }
0x4a: {  	_ =	shalt  }
0x4b: {  	_ =	shalt  }
0x4c: {  	_ =	shalt  }
0x4d: {  	_ =	shalt  }
0x4e: {  	_ =	shalt  }
0x4f: {  	_ =	shalt  }
0x50: {  	_ =	shalt  }
0x51: {  	_ =	shalt  }
0x52: {  	_ =	shalt  }
0x53: {  	_ =	shalt  }
0x54: {  	_ =	shalt  }
0x55: {  	_ =	shalt  }
0x56: {  	_ =	shalt  }
0x57: {  	_ =	shalt  }
0x58: {  	_ =	shalt  }
0x59: {  	_ =	shalt  }
0x5a: {  	_ =	shalt  }
0x5b: {  	_ =	shalt  }
0x5c: {  	_ =	shalt  }
0x5d: {  	_ =	shalt  }
0x5e: {  	_ =	shalt  }
0x5f: {  	_ =	shalt  }
0x60: {  	_ =	shalt  }
0x61: {  	_ =	shalt  }
0x62: {  	_ =	shalt  }
0x63: {  	_ =	shalt  }
0x64: {  	_ =	shalt  }
0x65: {  	_ =	shalt  }
0x66: {  	_ =	shalt  }
0x67: {  	_ =	shalt  }
0x68: {  	_ =	shalt  }
0x69: {  	_ =	shalt  }
0x6a: {  	_ =	shalt  }
0x6b: {  	_ =	shalt  }
0x6c: {  	_ =	shalt  }
0x6d: {  	_ =	shalt  }
0x6e: {  	_ =	shalt  }
0x6f: {  	_ =	shalt  }
0x70: {  	_ =	shalt  }
0x71: {  	_ =	shalt  }
0x72: {  	_ =	shalt  }
0x73: {  	_ =	shalt  }
0x74: {  	_ =	shalt  }
0x75: {  	_ =	shalt  }
0x76: {  	_ =	shalt  }
0x77: {  	_ =	shalt  }
0x78: {  	_ =	shalt  }
0x79: {  	_ =	shalt  }
0x7a: {  	_ =	shalt  }
0x7b: {  	_ =	shalt  }
0x7c: {  	_ =	shalt  }
0x7d: {  	_ =	shalt  }
0x7e: {  	_ =	shalt  }
0x7f: {  	_ =	shalt  }
0x80: {  	_ =	shalt  }
0x81: {  	_ =	shalt  }
0x82: {  	_ =	shalt  }
0x83: {  	_ =	shalt  }
0x84: {  	_ =	shalt  }
0x85: {  	_ =	shalt  }
0x86: {  	_ =	shalt  }
0x87: {  	_ =	shalt  }
.Lfunc_end0:
.L_simem_size_0:
called_computation.2_lowered:
.L_overlay_start_0:
0x88: {  	s2 =	sld [smem:$0x3FD9]  }
0x89: {  	s3 =	sld [smem:$0x3FFE];
	_ =	sdelay $0x1  }
0x8a: {  	s1 =	srdreg.scid  }
0x8b: {  	s0 =	sand.u32 $0x1, s1  }
0x8c: {  	s16 =	sshll.u32 s0, $0xA;
	s2 =	sadd.s32 s3, s2  }
0x8d: {  	s2 =	sadd.s32 s2, s16  }
0x8e: {  	[smem:$0x3FC0] =	sst s2  }
0x8f: {  	_ = 	snop  }
0x90: {  	(tm) =	ssettm $0x1  }
0x91: {  	s17 =	sld [smem:$0x3FFB];
	_ =	sdelay $0x3  }
0x92: {  	_ =	strace s17  }
0x93: {  	s2 =	sld [smem:$0x3FFC];
	_ =	sdelay $0x3  }
0x94: {  	_ =	strace s2  }
0x95: {  	s2 =	sld [smem:$0x3FFD];
	_ =	sdelay $0x3  }
0x96: {  	_ =	strace s2  }
0x97: {  	_ =	strace $0x8FFFFFFF  }
0x98: {  	s18 =	sld [smem:$0x3FDB];
	_ =	sdelay $0x1  }
0x99: {  	s19 =	simm.s32 $_scs_section_size  }
0x9a: {  	s4 =	simm.s32 $_size__tile_overlayer_lowered;
	s5 =	simm.s32 $_tile_overlayer_lowered  }
0x9b: {  	s22 =	simm.s32 $0x1BFF;
	s21 =	sshll.u32 s5, $0x1;
	s2 =	sadd.s32 s19, s18  }
0x9c: {  	s6 =	simm.s32 $0x0;
	s20 =	sshll.u32 s4, $0x1;
	s4 =	sadd.s32 s21, s2  }
0x9d: {  	[timem:s6], [sflag:s22] =	dma.local [hbm:s4], s20  }
0x9e: {  	_ =	swait.ge [sflag:s22], s20  }
0x9f: {  	s3 =	ssub.s32 $0x0, s20;
	[sflag:s22] =	ssyncset.done $0x0  }
0xa0: {  	[sflag:s22] =	ssyncadd.s32 s3;
	_ =	sdelay $0x1  }
0xa1: {  	s23 =	simm.s32 $0x1B8B  }
0xa2: {  	_ =	swait.ge [sflag:s23], $0x1  }
0xa3: {  	[sflag:s23] =	ssyncset.done $0x0  }
0xa4: {  	s25 =	simm.s32 $0x1B8E;
	s24 =	sld [smem:$0x3FFE];
	[sflag:s23] =	ssyncadd.s32 $0xFFFFFFFF  }
0xa5: {  	s26 =	simm.s32 $execute0_lowered;
	[smem:$0x3FD2] =	sst s25  }
0xa6: {  	s4 =	sshll.u32 s26, $0x1;
	_ =	strace $0x8000004C;
	[dreg:$0x1] =	wrdreg $0xFFFFFFFF  }
0xa7: {  	s28 =	simm.s32 $_size_execute0_lowered;
	s2 =	sadd.s32 s2, s4;
	[dreg:$0x0] =	wrdreg $0x0  }
0xa8: {  	s4 =	sshll.u32 s28, $0x1;
	[dreg:$0x2] =	wrdreg s2  }
0xa9: {  	[dreg:$0x3] =	wrdreg s4  }
0xaa: {  	[dreg:$0x4] =	wrdreg $0xC0  }
0xab: {  	_ =	task [dreg:s6], $0x5FFFF  }
0xac: {  	[dreg:$0x1] =	wrdreg $0xFFFFFFFF  }
0xad: {  	[dreg:$0x0] =	wrdreg $0x60  }
0xae: {  	[dreg:$0x2] =	wrdreg s24  }
0xaf: {  	[dreg:$0x3] =	wrdreg $0xA8000  }
0xb0: {  	[dreg:$0x4] =	wrdreg $0x9  }
0xb1: {  	_ =	task.clear_ibuf [dreg:s6], $0x5FFFF;
	_ =	strace $0x9000004C  }
0xb2: {  	s29 =	simm.s32 $0x9;
	_ =	strace $0x8000004E  }
0xb3: {  	_ =	swait.ge [sflag:s29], $0x1  }
0xb4: {  	[sflag:s29] =	ssyncadd.s32 $0xFFFFFFFF  }
0xb5: {  	_ =	strace $0x9000004E  }
0xb6: {  	_ =	sfence  }
0xb7: {  	s30 =	sld [smem:$0x0];
	_ =	sdelay $0x2  }
0xb8: {  	s31 =	sshll.u32 s1, $0xD;
	s1 =	sshrl.u32 s1, $0x2  }
0xb9: {  	s3 =	sand.u32 $0x4000, s31;
	s1 =	sadd.s32 s1, s30  }
0xba: {  	s0 =	sor.u32 s3, s0;
	s1 =	sshll.u32 s1, $0x11  }
0xbb: {  	s0 =	sor.u32 s1, s0  }
0xbc: {  	s0 =	sadd.s32 $0x8F2B, s0  }
0xbd: {  	[sflag:s0] =	ssyncadd.remote.s32 $0x1  }
0xbe: {  	_ =	sfence.sel $0xFFFF  }
0xbf: {  	[dreg:$0x0] =	wrdreg $0xFFFFFFFF;
	(pc) =	sbr.abs _section_cstart, $3  }
0xc0: {  	[dreg:$0x1] =	wrdreg $0xFFFFFFFF  }
0xc1: {  	_ =	task.clear_ibuf [dreg:s6], $0x2FFFF;
	_ =	strace $0x9FFFFFFF  }
0xc2: {  	(tm) =	ssettm $0x7FFFFFFF  }
0xc3: {  	_ =	shalt  }
tec
execute0_lowered:
.L_overlay_start_1:
0x0: {  	(tag) =	ssettag $0x1  }
0x1: {  	s5 =	rddreg [dreg:$0x0]  }
0x2: {  	s1 =	rddreg [dreg:$0x1]  }
0x3: {  	s2 =	srdreg.scid;
	s0 =	rddreg [dreg:$0x2];
	s3 =	simm.s32 $0x0  }
0x4: {  	s16 =	simm.s32 $0x1400;
	s17 =	simm.s32 $0x2800;
	s18 =	simm.s32 $0x1  }
0x5: {  	s19 =	simm.s32 $0x3;
	s20 =	simm.s32 $0x2;
	s21 =	simm.s32 $0x80  }
0x6: {  	s22 =	simm.s32 $0x6800;
	s23 =	simm.s32 $0x4;
	s24 =	simm.s32 $0x1380  }
0x7: {  	s25 =	simm.s32 $0x2700;
	s28 =	simm.s32 $0x0;
	s6 =	sand.u32 $0x1, s2  }
0x8: {  	s2 =	stileid.u32;
	[smem:$0x7FF] =	sst s3;
	s4 =	sadd.s32 $0x17A00, s5  }
0x9: {  	s10 =	sadd.s32 $0xDA00, s5;
	s29 =	sadd.s32 $0x3A00, s5;
	s7 =	smul.u32 $0x140000, s6  }
0xa: {  	s8 =	smul.u32 $0x14000, s2;
	s9 =	sshll.u32 s6, $0x4;
	_ =	strace $0x8000004D  }
0xb: {  	s6 =	ssub.s32 $0x2, s6;
	s12 =	smul.u32 $0x50000, s2;
	s9 =	sor.u32 s2, s9  }
0xc: {  	s11 =	sshrl.u32 s6, $0x1;
	s7 =	sadd.s32 s8, s7;
	s26 =	smul.u32 $0x2800, s9  }
0xd: {  	s11 =	ssub.s32 s6, s11;
	s30 =	sshrl.u32 s12, $0x2;
	s7 =	sshrl.u32 s7, $0x3  }
0xe: {  	s11 =	smax.u32 s11, $0x1;
	s8 =	sshrl.u32 s26, $0x3;
	s13 =	sadd.s32 s7, s5  }
0xf: {  	s7 =	sadd.s32 s30, s1;
	s26 =	simm.s32 $0x2780;
	s5 =	sadd.s32 s10, s8  }
0x10: {  	s6 =	sadd.s32 s29, s8;
	s31 =	sadd.s32 $0x280, s8;
	s12 =	sadd.s32 $0x4000, s7  }
0x11: {  	s14 =	sadd.s32 $0xC000, s7;
	s15 =	sadd.s32 $0x10000, s7;
	s8 =	sadd.s32 s10, s31  }
0x12: {  	v0 =	vimm.f32 $0.0e+00;
	s9 =	sadd.s32 s29, s31;
	s10 =	sadd.s32 $0x65E00, s13;
	s13 =	sadd.s32 $0x8000, s7  }
.LBB2_1:
0x13: {  	[tilespmem:s3], [sflag:$0x3] =	stream.linear.gather [hbm4b:s5+s3], $0x1400, $0x38;
	[tilespmem:$0x1E800] =	vst v63  }
0x14: {  	s29 =	simm.s32 $0x0;
	s30 =	simm.s32 $0x200  }
0x15: {  	[tilespmem:s16], [sflag:$0x2] =	stream.linear.gather [hbm4b:s6+s3], $0x1400, $0x38;
	[tilespmem:$0x1E800] =	vst v63  }
.LBB2_2:
0x16: {  	p0 =	sne.s32 s30, $0xFE00;
	[tilespmem:s29+$0x2870] =	vst v0  }
0x17: {  	[tilespmem:s29+$0x2800] =	vst v0  }
0x18: {  	[tilespmem:s29+$0x2810] =	vst v0  }
.Ltmp0:
0x19: {  	[tilespmem:s29+$0x2820] =	vst v0;
	(pc) =	sbr.rel @p0 .LBB2_2-.Ltmp0, $4  }
0x1a: {  	[tilespmem:s29+$0x2830] =	vst v0  }
0x1b: {  	[tilespmem:s29+$0x2840] =	vst v0  }
0x1c: {  	[tilespmem:s29+$0x2850] =	vst v0  }
0x1d: {  	[tilespmem:s29+$0x2860] =	vst v0;
	s29 =	sshra.s32 s30, $0x2;
	s30 =	sadd.s32 $0x200, s30  }
0x1e: {  	[tilespmem:s29+$0x2870] =	vst v0  }
0x1f: {  	[tilespmem:s29+$0x2800] =	vst v0  }
0x20: {  	[tilespmem:s29+$0x2810] =	vst v0  }
0x21: {  	[tilespmem:s29+$0x2820] =	vst v0  }
0x22: {  	[tilespmem:s29+$0x2830] =	vst v0  }
0x23: {  	[tilespmem:s29+$0x2840] =	vst v0  }
0x24: {  	[tilespmem:s29+$0x2850] =	vst v0  }
0x25: {  	[tilespmem:s29+$0x2860] =	vst v0  }
0x26: {  	[spmem:s7] =	stream.linear.scatter [tilespmem:s17], [sflag:$0x1], $0x4000, $0x38;
	[tilespmem:$0x1E800] =	vst v63  }
0x27: {  	_ = 	snop  }
0x28: {  	[spmem:s12] =	stream.linear.scatter [tilespmem:s17], [sflag:$0x1], $0x4000, $0x38;
	[tilespmem:$0x1E800] =	vst v63  }
0x29: {  	_ = 	snop  }
0x2a: {  	[spmem:s13] =	stream.linear.scatter [tilespmem:s17], [sflag:$0x1], $0x4000, $0x38;
	[tilespmem:$0x1E800] =	vst v63  }
0x2b: {  	_ = 	snop  }
0x2c: {  	[spmem:s14] =	stream.linear.scatter [tilespmem:s17], [sflag:$0x1], $0x4000, $0x38;
	[tilespmem:$0x1E800] =	vst v63  }
0x2d: {  	_ = 	snop  }
0x2e: {  	[spmem:s15] =	stream.linear.scatter [tilespmem:s17], [sflag:$0x1], $0x4000, $0x38;
	[tilespmem:$0x1E800] =	vst v63  }
0x2f: {  	_ =	swait.ge [sflag:s18], $0x4000  }
0x30: {  	[sflag:s18] =	ssyncset.done $0x0  }
0x31: {  	[sflag:s18] =	ssyncadd.s32 $0xFFFFC000  }
0x32: {  	_ =	swait.ge [sflag:s18], $0x4000  }
0x33: {  	[sflag:s18] =	ssyncset.done $0x0  }
0x34: {  	[sflag:s18] =	ssyncadd.s32 $0xFFFFC000  }
0x35: {  	_ =	swait.ge [sflag:s18], $0x4000  }
0x36: {  	[sflag:s18] =	ssyncset.done $0x0  }
0x37: {  	[sflag:s18] =	ssyncadd.s32 $0xFFFFC000  }
0x38: {  	_ =	swait.ge [sflag:s18], $0x4000  }
0x39: {  	[sflag:s18] =	ssyncset.done $0x0  }
0x3a: {  	[sflag:s18] =	ssyncadd.s32 $0xFFFFC000  }
0x3b: {  	_ =	swait.ge [sflag:s18], $0x4000  }
0x3c: {  	[sflag:s18] =	ssyncset.done $0x0  }
0x3d: {  	[sflag:s18] =	ssyncadd.s32 $0xFFFFC000  }
0x3e: {  	_ =	swait.ge [sflag:s19], $0x1400  }
0x3f: {  	[sflag:s19] =	ssyncset.done $0x0  }
0x40: {  	[sflag:s19] =	ssyncadd.s32 $0xFFFFEC00  }
0x41: {  	_ =	swait.ge [sflag:s20], $0x1400  }
0x42: {  	[sflag:s20] =	ssyncset.done $0x0  }
0x43: {  	[sflag:s20] =	ssyncadd.s32 $0xFFFFEC00  }
0x44: {  	s29 =	simm.s32 $0x0;
	[bflag:$0x0] =	sbarrier.arrive $0xFFFF  }
0x45: {  	[tilespmem:s17], [sflag:$0x1] =	stream.indirect.gather [hbm4b:s4+s21], $0x80, s29, s21, $0xb8;
	[tilespmem:$0x1E800] =	vst v63  }
0x46: {  	_ =	swait.ge [sflag:s18], $0x4000  }
0x47: {  	[sflag:s18] =	ssyncset.done $0x0  }
0x48: {  	s29 =	simm.s32 $0x80;
	[sflag:s18] =	ssyncadd.s32 $0xFFFFC000  }
0x49: {  	[tilespmem:s22], [sflag:$0x2] =	stream.indirect.gather [hbm4b:s4+s21], $0x80, s29, s21, $0xb8;
	[tilespmem:$0x1E800] =	vst v63  }
0x4a: {  	s29 =	simm.s32 $0x1400  }
0x4b: {  	[spmem:s1] =	stream.indirect.scatter.add.f32 [tilespmem:s17], [sflag:$0x4], $0x80, s29, s21, $0xb8;
	[tilespmem:$0x1E800] =	vst v63  }
0x4c: {  	_ =	swait.ge [sflag:s23], $0x4000  }
0x4d: {  	[sflag:s23] =	ssyncset.done $0x0  }
0x4e: {  	[sflag:s23] =	ssyncadd.s32 $0xFFFFC000  }
0x4f: {  	_ =	swait.ge [sflag:s20], $0x4000  }
0x50: {  	[sflag:s20] =	ssyncset.done $0x0  }
0x51: {  	s29 =	simm.s32 $0x100;
	[sflag:s20] =	ssyncadd.s32 $0xFFFFC000  }
0x52: {  	[tilespmem:s17], [sflag:$0x1] =	stream.indirect.gather [hbm4b:s4+s21], $0x80, s29, s21, $0xb8;
	[tilespmem:$0x1E800] =	vst v63  }
0x53: {  	s29 =	simm.s32 $0x1480  }
0x54: {  	[spmem:s1] =	stream.indirect.scatter.add.f32 [tilespmem:s22], [sflag:$0x4], $0x80, s29, s21, $0xb8;
	[tilespmem:$0x1E800] =	vst v63  }
0x55: {  	_ =	swait.ge [sflag:s23], $0x4000  }
0x56: {  	s29 =	simm.s32 $0x400;
	[sflag:s23] =	ssyncset.done $0x0  }
.LBB2_4:
0x57: {  	p0 =	sne.s32 s29, $0x4800  }
0x58: {  	[sflag:s23] =	ssyncadd.s32 $0xFFFFC000;
	s30 =	smov.u32 s29;
	s29 =	sadd.s32 $0x400, s29  }
0x59: {  	_ = 	snop  }
0x5a: {  	_ =	swait.ge [sflag:s18], $0x4000  }
0x5b: {  	s30 =	sshra.s32 s30, $0x2;
	[sflag:s18] =	ssyncset.done $0x0  }
0x5c: {  	s31 =	sadd.s32 $0x80, s30;
	[sflag:s18] =	ssyncadd.s32 $0xFFFFC000  }
0x5d: {  	[tilespmem:s22], [sflag:$0x2] =	stream.indirect.gather [hbm4b:s4+s21], $0x80, s31, s21, $0xb8;
	[tilespmem:$0x1E800] =	vst v63  }
0x5e: {  	s31 =	sadd.s32 $0x1400, s30  }
0x5f: {  	[spmem:s1] =	stream.indirect.scatter.add.f32 [tilespmem:s17], [sflag:$0x4], $0x80, s31, s21, $0xb8;
	[tilespmem:$0x1E800] =	vst v63  }
0x60: {  	_ =	swait.ge [sflag:s23], $0x4000  }
0x61: {  	[sflag:s23] =	ssyncset.done $0x0  }
0x62: {  	[sflag:s23] =	ssyncadd.s32 $0xFFFFC000  }
0x63: {  	_ =	swait.ge [sflag:s20], $0x4000  }
0x64: {  	[sflag:s20] =	ssyncset.done $0x0  }
0x65: {  	s31 =	sadd.s32 $0x100, s30;
	[sflag:s20] =	ssyncadd.s32 $0xFFFFC000  }
0x66: {  	[tilespmem:s17], [sflag:$0x1] =	stream.indirect.gather [hbm4b:s4+s21], $0x80, s31, s21, $0xb8;
	[tilespmem:$0x1E800] =	vst v63  }
.Ltmp1:
0x67: {  	_ = 	snop;
	(pc) =	sbr.rel @p0 .LBB2_4-.Ltmp1, $4  }
0x68: {  	s30 =	sadd.s32 $0x1480, s30  }
0x69: {  	[spmem:s1] =	stream.indirect.scatter.add.f32 [tilespmem:s22], [sflag:$0x4], $0x80, s30, s21, $0xb8;
	[tilespmem:$0x1E800] =	vst v63  }
0x6a: {  	_ =	swait.ge [sflag:s23], $0x4000  }
0x6b: {  	[sflag:s23] =	ssyncset.done $0x0  }
0x6c: {  	[sflag:s23] =	ssyncadd.s32 $0xFFFFC000  }
0x6d: {  	_ =	swait.ge [sflag:s18], $0x4000  }
0x6e: {  	[sflag:s18] =	ssyncset.done $0x0  }
0x6f: {  	[sflag:s18] =	ssyncadd.s32 $0xFFFFC000  }
0x70: {  	[tilespmem:s22], [sflag:$0x2] =	stream.indirect.gather [hbm4b:s4+s21], $0x80, s24, s21, $0xb8;
	[tilespmem:$0x1E800] =	vst v63  }
0x71: {  	_ = 	snop  }
0x72: {  	[spmem:s1] =	stream.indirect.scatter.add.f32 [tilespmem:s17], [sflag:$0x4], $0x80, s25, s21, $0xb8;
	[tilespmem:$0x1E800] =	vst v63  }
0x73: {  	_ =	swait.ge [sflag:s23], $0x4000  }
0x74: {  	[sflag:s23] =	ssyncset.done $0x0  }
0x75: {  	[sflag:s23] =	ssyncadd.s32 $0xFFFFC000  }
0x76: {  	_ =	swait.ge [sflag:s20], $0x4000  }
0x77: {  	[sflag:s20] =	ssyncset.done $0x0  }
0x78: {  	[sflag:s20] =	ssyncadd.s32 $0xFFFFC000  }
0x79: {  	[spmem:s1] =	stream.indirect.scatter.add.f32 [tilespmem:s22], [sflag:$0x4], $0x80, s26, s21, $0xb8;
	[tilespmem:$0x1E800] =	vst v63  }
0x7a: {  	_ =	swait.ge [sflag:s23], $0x4000  }
0x7b: {  	[sflag:s23] =	ssyncset.done $0x0  }
0x7c: {  	s29 =	simm.s32 $0x0;
	[sflag:s23] =	ssyncadd.s32 $0xFFFFC000  }
0x7d: {  	[tilespmem:s29], [sflag:$0x3] =	stream.linear.gather [hbm4b:s8+s29], $0x1400, $0x38;
	[tilespmem:$0x1E800] =	vst v63  }
0x7e: {  	_ =	swait.ge [sflag:s19], $0x1400  }
0x7f: {  	[sflag:s19] =	ssyncset.done $0x0  }
0x80: {  	[sflag:s19] =	ssyncadd.s32 $0xFFFFEC00  }
0x81: {  	[tilespmem:s16], [sflag:$0x3] =	stream.linear.gather [hbm4b:s9+s29], $0x1400, $0x38;
	[tilespmem:$0x1E800] =	vst v63  }
0x82: {  	_ =	swait.ge [sflag:s19], $0x1400  }
0x83: {  	[sflag:s19] =	ssyncset.done $0x0  }
0x84: {  	[sflag:s19] =	ssyncadd.s32 $0xFFFFEC00  }
0x85: {  	[tilespmem:s17], [sflag:$0x1] =	stream.indirect.gather [hbm4b:s4+s21], $0x80, s29, s21, $0xb8;
	[tilespmem:$0x1E800] =	vst v63  }
0x86: {  	_ =	swait.ge [sflag:s18], $0x4000  }
0x87: {  	[sflag:s18] =	ssyncset.done $0x0  }
0x88: {  	s29 =	simm.s32 $0x80;
	[sflag:s18] =	ssyncadd.s32 $0xFFFFC000  }
0x89: {  	[tilespmem:s22], [sflag:$0x2] =	stream.indirect.gather [hbm4b:s4+s21], $0x80, s29, s21, $0xb8;
	[tilespmem:$0x1E800] =	vst v63  }
0x8a: {  	s29 =	simm.s32 $0x1400  }
0x8b: {  	[spmem:s1] =	stream.indirect.scatter.add.f32 [tilespmem:s17], [sflag:$0x4], $0x80, s29, s21, $0xb8;
	[tilespmem:$0x1E800] =	vst v63  }
0x8c: {  	_ =	swait.ge [sflag:s23], $0x4000  }
0x8d: {  	[sflag:s23] =	ssyncset.done $0x0  }
0x8e: {  	[sflag:s23] =	ssyncadd.s32 $0xFFFFC000  }
0x8f: {  	_ =	swait.ge [sflag:s20], $0x4000  }
0x90: {  	[sflag:s20] =	ssyncset.done $0x0  }
0x91: {  	s29 =	simm.s32 $0x100;
	[sflag:s20] =	ssyncadd.s32 $0xFFFFC000  }
0x92: {  	[tilespmem:s17], [sflag:$0x1] =	stream.indirect.gather [hbm4b:s4+s21], $0x80, s29, s21, $0xb8;
	[tilespmem:$0x1E800] =	vst v63  }
0x93: {  	s29 =	simm.s32 $0x1480  }
0x94: {  	[spmem:s1] =	stream.indirect.scatter.add.f32 [tilespmem:s22], [sflag:$0x4], $0x80, s29, s21, $0xb8;
	[tilespmem:$0x1E800] =	vst v63  }
0x95: {  	_ =	swait.ge [sflag:s23], $0x4000  }
0x96: {  	s29 =	simm.s32 $0x400;
	[sflag:s23] =	ssyncset.done $0x0  }
.LBB2_6:
0x97: {  	p0 =	sne.s32 s29, $0x4800  }
0x98: {  	[sflag:s23] =	ssyncadd.s32 $0xFFFFC000;
	s30 =	smov.u32 s29;
	s29 =	sadd.s32 $0x400, s29  }
0x99: {  	_ = 	snop  }
0x9a: {  	_ =	swait.ge [sflag:s18], $0x4000  }
0x9b: {  	s30 =	sshra.s32 s30, $0x2;
	[sflag:s18] =	ssyncset.done $0x0  }
0x9c: {  	s31 =	sadd.s32 $0x80, s30;
	[sflag:s18] =	ssyncadd.s32 $0xFFFFC000  }
0x9d: {  	[tilespmem:s22], [sflag:$0x2] =	stream.indirect.gather [hbm4b:s4+s21], $0x80, s31, s21, $0xb8;
	[tilespmem:$0x1E800] =	vst v63  }
0x9e: {  	s31 =	sadd.s32 $0x1400, s30  }
0x9f: {  	[spmem:s1] =	stream.indirect.scatter.add.f32 [tilespmem:s17], [sflag:$0x4], $0x80, s31, s21, $0xb8;
	[tilespmem:$0x1E800] =	vst v63  }
0xa0: {  	_ =	swait.ge [sflag:s23], $0x4000  }
0xa1: {  	[sflag:s23] =	ssyncset.done $0x0  }
0xa2: {  	[sflag:s23] =	ssyncadd.s32 $0xFFFFC000  }
0xa3: {  	_ =	swait.ge [sflag:s20], $0x4000  }
0xa4: {  	[sflag:s20] =	ssyncset.done $0x0  }
0xa5: {  	s31 =	sadd.s32 $0x100, s30;
	[sflag:s20] =	ssyncadd.s32 $0xFFFFC000  }
0xa6: {  	[tilespmem:s17], [sflag:$0x1] =	stream.indirect.gather [hbm4b:s4+s21], $0x80, s31, s21, $0xb8;
	[tilespmem:$0x1E800] =	vst v63  }
.Ltmp2:
0xa7: {  	_ = 	snop;
	(pc) =	sbr.rel @p0 .LBB2_6-.Ltmp2, $4  }
0xa8: {  	s30 =	sadd.s32 $0x1480, s30  }
0xa9: {  	[spmem:s1] =	stream.indirect.scatter.add.f32 [tilespmem:s22], [sflag:$0x4], $0x80, s30, s21, $0xb8;
	[tilespmem:$0x1E800] =	vst v63  }
0xaa: {  	_ =	swait.ge [sflag:s23], $0x4000  }
0xab: {  	[sflag:s23] =	ssyncset.done $0x0  }
0xac: {  	[sflag:s23] =	ssyncadd.s32 $0xFFFFC000  }
0xad: {  	_ =	swait.ge [sflag:s18], $0x4000  }
0xae: {  	[sflag:s18] =	ssyncset.done $0x0  }
0xaf: {  	[sflag:s18] =	ssyncadd.s32 $0xFFFFC000  }
0xb0: {  	[tilespmem:s22], [sflag:$0x2] =	stream.indirect.gather [hbm4b:s4+s21], $0x80, s24, s21, $0xb8;
	[tilespmem:$0x1E800] =	vst v63  }
0xb1: {  	_ = 	snop  }
0xb2: {  	[spmem:s1] =	stream.indirect.scatter.add.f32 [tilespmem:s17], [sflag:$0x4], $0x80, s25, s21, $0xb8;
	[tilespmem:$0x1E800] =	vst v63  }
0xb3: {  	_ =	swait.ge [sflag:s23], $0x4000  }
0xb4: {  	[sflag:s23] =	ssyncset.done $0x0  }
0xb5: {  	[sflag:s23] =	ssyncadd.s32 $0xFFFFC000  }
0xb6: {  	_ =	swait.ge [sflag:s20], $0x4000  }
0xb7: {  	[sflag:s20] =	ssyncset.done $0x0  }
0xb8: {  	[sflag:s20] =	ssyncadd.s32 $0xFFFFC000  }
0xb9: {  	[spmem:s1] =	stream.indirect.scatter.add.f32 [tilespmem:s22], [sflag:$0x4], $0x80, s26, s21, $0xb8;
	[tilespmem:$0x1E800] =	vst v63  }
0xba: {  	_ =	swait.ge [sflag:s23], $0x4000  }
0xbb: {  	s29 =	sshll.u32 s2, $0x6;
	s28 =	sadd.s32 $0x1, s28;
	[sflag:s23] =	ssyncset.done $0x0  }
0xbc: {  	s30 =	sshrl.u32 s7, $0x3;
	p0 =	sne.s32 s28, s11;
	[sflag:s23] =	ssyncadd.s32 $0xFFFFC000  }
.Ltmp3:
0xbd: {  	s29 =	sor.u32 $0x1C04, s29;
	[bflag:$0x0] =	sbarrier.arrive $0xFFFF;
	(pc) =	sbr.rel @p0 .LBB2_1-.Ltmp3, $4  }
0xbe: {  	[hbm:s10], [sflag:s29] =	dma.local [spmem:s30], $0x2800  }
0xbf: {  	_ =	swait.ge [sflag:s23], $0x2800  }
0xc0: {  	[sflag:s23] =	ssyncset.done $0x0  }
0xc1: {  	[sflag:s23] =	ssyncadd.s32 $0xFFFFD800  }
0xc2: {  	_ =	sfence.sel $0x180000  }
0xc3: {  	[bflag:$0x0] =	sbarrier.arrive $0xFFFF  }
0xc4: {  	p0 =	sne.s32 s2, $0x0;
	_ =	strace $0x9000004D  }
0xc5: {  	s0 =	sadd.s32 @!p0 $0x100000, s0;
	[bflag:$0x2] =	sbarrier.arrive $0xFFFF  }
0xc6: {  	[sflag:s0] =	ssyncadd.tile.s32 @!p0 $0x1;
	_ =	shalt  }
.Lfunc_end2:
_tile_overlayer_lowered:
.L_overlay_start_2:
0xc7: {  	(tag) =	ssettag $0x2  }
0xc8: {  	s0 =	rddreg [dreg:$0x0];
	s2 =	stileid.u32  }
0xc9: {  	s1 =	rddreg [dreg:$0x1];
	p0 =	sne.s32 s2, $0x0  }
0xca: {  	s3 =	rddreg [dreg:$0x2];
	[bflag:$0x3] =	sbarrier.arrive $0xFFFF;
	s2 =	simm.s32 @!p0 $0x1C04  }
0xcb: {  	[timem:s3], [sflag:s2] =	dma.local @!p0 [hbm:s0], s1  }
0xcc: {  	s0 =	simm.s32 @!p0 $0x4  }
0xcd: {  	_ =	swait.ge @!p0 [sflag:s0], s1  }
0xce: {  	s1 =	ssub.s32 @!p0 $0x0, s1;
	[sflag:s0] =	ssyncset.done @!p0 $0x0  }
0xcf: {  	[sflag:s0] =	ssyncadd.s32 @!p0 s1  }
0xd0: {  	[bflag:$0x3] =	sbarrier.arrive $0xFFFF  }
0xd1: {  	_ =	shalt  }

// kernel: kernel.9.cloned.1.call-start
scs
__scs_entry_jumppad:
0x0: {  	(pc) =	sbr.rel $0x88, $3  }
0x1: {  	(tag) =	ssettag $0x0;
	lr =	simm.s32 $0x1  }
0x2: {  	[smem:$0x3F99] =	sst lr;
	_ =	strace $0xD0000000  }
0x3: {  	_ = 	snop  }
0x4: {  	_ = 	snop  }
0x5: {  	_ = 	snop  }
0x6: {  	_ = 	snop  }
0x7: {  	_ = 	snop  }
__scs_overlays_trampoline_lowered:
0x8: {  	[smem:$0x3FA8] =	sst s0  }
0x9: {  	[smem:$0x3FA9] =	sst s1  }
0xa: {  	[smem:$0x3FAA] =	sst s2  }
0xb: {  	[smem:$0x3FAB] =	sst s3  }
0xc: {  	[smem:$0x3FAC] =	sst s4  }
0xd: {  	[smem:$0x3FAD] =	sst s5  }
0xe: {  	[smem:$0x3FAE] =	sst s6  }
0xf: {  	[smem:$0x3FAF] =	sst s7  }
0x10: {  	[smem:$0x3FB0] =	sst s8  }
0x11: {  	[smem:$0x3FB1] =	sst s9;
	s0 =	simm.s32 @!p0 $0x0  }
0x12: {  	s1 =	sld [smem:$0x3F97];
	s0 =	simm.s32 @p0 $0x1  }
0x13: {  	[smem:$0x3FB2] =	sst s0;
	s0 =	simm.s32 @!p1 $0x0  }
0x14: {  	s2 =	sld [smem:$0x3F96];
	s0 =	simm.s32 @p1 $0x1  }
0x15: {  	[smem:$0x3FB3] =	sst s0;
	s0 =	simm.s32 @!p2 $0x0  }
0x16: {  	s3 =	sld [smem:$0x3FDB];
	s0 =	simm.s32 @p2 $0x1  }
0x17: {  	s4 =	simm.s32 $0x1BF5;
	[smem:$0x3FB5] =	sst s0  }
0x18: {  	s0 =	sld [smem:$0x3F98];
	_ =	swait.ge [sflag:s4], $0x0  }
0x19: {  	s7 =	sld [smem:$0x3F99]  }
0x1a: {  	s8 =	sadd.s32 $0xFFFFE003, lr  }
0x1b: {  	s9 =	sadd.s32 $0xFFFFFEF7, lr;
	s5 =	simm.s32 $0xFFFFFFFF;
	p2 =	slt.u32 s8, $0xFFFFF086  }
0x1c: {  	p1 =	slt.u32 s9, $0xF7A;
	s5 =	simm.s32 @!p2 $0x0  }
0x1d: {  	s5 =	simm.s32 @p1 $0x1;
	p0 =	seq.s32 s7, s2  }
0x1e: {  	s7 =	smul.u32 @!p0 $0xF7A, s2;
	p2 =	seq.s32 @!p0 s5, $0x0  }
0x1f: {  	s9 =	smul.u32 $0xF7A, s1;
	s8 =	simm.s32 @!p0 $0x1BF5;
	p2 =	por !p2, p0  }
0x20: {  	[sflag:s8] =	ssyncset.s32 @!p0 $0xFFFFF086;
	s6 =	sadd.s32 @!p0 s3, s7;
	s7 =	simm.s32 @!p0 $0x108  }
0x21: {  	s3 =	sadd.s32 s3, s9;
	s6 =	sadd.s32 @!p0 $0x88, s6;
	s7 =	simm.s32 @p2 $0x1082  }
0x22: {  	[simem:s7], [sflag:s8] =	dma.local @!p0 [hbm:s6], $0xF7A  }
0x23: {  	s9 =	sor.u32 $0xD0000000, s2;
	s6 =	simm.s32 $0x108;
	_ =	swait.ge @!p0 [sflag:s8], $0x0  }
0x24: {  	s3 =	sadd.s32 $0x88, s3;
	s6 =	simm.s32 @!p1 $0x1082;
	[sflag:s4] =	ssyncset.s32 $0xFFFFF086  }
0x25: {  	[simem:s6], [sflag:s4] =	dma.local [hbm:s3], $0xF7A  }
0x26: {  	[smem:$0x3F99] =	sst s1;
	(tag) =	ssettag s2;
	_ =	strace s9  }
0x27: {  	s1 =	sld [smem:$0x3FA9]  }
0x28: {  	s2 =	sld [smem:$0x3FAA]  }
0x29: {  	s4 =	sld [smem:$0x3FAC]  }
0x2a: {  	p0 =	seq.s32 s5, $0x0;
	s5 =	sld [smem:$0x3FAD]  }
0x2b: {  	s6 =	sld [smem:$0x3FAE]  }
0x2c: {  	s7 =	sld [smem:$0x3FAF]  }
0x2d: {  	s3 =	simm.s32 $0x108;
	s8 =	sld [smem:$0x3FB0]  }
0x2e: {  	s3 =	simm.s32 @!p0 $0x1082;
	s9 =	sld [smem:$0x3FB1]  }
0x2f: {  	lr =	sadd.s32 s0, s3;
	s0 =	sld [smem:$0x3FA8]  }
0x30: {  	s3 =	sld [smem:$0x3FAB]  }
0x31: {  	[smem:$0x3FB4] =	sst s10  }
0x32: {  	s10 =	sld [smem:$0x3FB2];
	_ =	sdelay $0x3  }
0x33: {  	p0 =	seq.s32 s10, $0x1;
	s10 =	sld [smem:$0x3FB4];
	_ =	sdelay $0x3  }
0x34: {  	[smem:$0x3FB4] =	sst s10  }
0x35: {  	s10 =	sld [smem:$0x3FB3];
	_ =	sdelay $0x3  }
0x36: {  	p1 =	seq.s32 s10, $0x1;
	s10 =	sld [smem:$0x3FB4];
	_ =	sdelay $0x3  }
0x37: {  	[smem:$0x3FB4] =	sst s10  }
0x38: {  	s10 =	sld [smem:$0x3FB5]  }
0x39: {  	_ = 	snop;
	(pc) =	sbr.ind lr, $3  }
0x3a: {  	_ = 	snop  }
0x3b: {  	_ = 	snop  }
0x3c: {  	p2 =	seq.s32 s10, $0x1;
	s10 =	sld [smem:$0x3FB4]  }
0x3d: {  	_ =	shalt  }
0x3e: {  	_ =	shalt  }
0x3f: {  	_ =	shalt  }
0x40: {  	_ =	shalt  }
0x41: {  	_ =	shalt  }
0x42: {  	_ =	shalt  }
0x43: {  	_ =	shalt  }
0x44: {  	_ =	shalt  }
0x45: {  	_ =	shalt  }
0x46: {  	_ =	shalt  }
0x47: {  	_ =	shalt  }
0x48: {  	_ =	shalt  }
0x49: {  	_ =	shalt  }
0x4a: {  	_ =	shalt  }
0x4b: {  	_ =	shalt  }
0x4c: {  	_ =	shalt  }
0x4d: {  	_ =	shalt  }
0x4e: {  	_ =	shalt  }
0x4f: {  	_ =	shalt  }
0x50: {  	_ =	shalt  }
0x51: {  	_ =	shalt  }
0x52: {  	_ =	shalt  }
0x53: {  	_ =	shalt  }
0x54: {  	_ =	shalt  }
0x55: {  	_ =	shalt  }
0x56: {  	_ =	shalt  }
0x57: {  	_ =	shalt  }
0x58: {  	_ =	shalt  }
0x59: {  	_ =	shalt  }
0x5a: {  	_ =	shalt  }
0x5b: {  	_ =	shalt  }
0x5c: {  	_ =	shalt  }
0x5d: {  	_ =	shalt  }
0x5e: {  	_ =	shalt  }
0x5f: {  	_ =	shalt  }
0x60: {  	_ =	shalt  }
0x61: {  	_ =	shalt  }
0x62: {  	_ =	shalt  }
0x63: {  	_ =	shalt  }
0x64: {  	_ =	shalt  }
0x65: {  	_ =	shalt  }
0x66: {  	_ =	shalt  }
0x67: {  	_ =	shalt  }
0x68: {  	_ =	shalt  }
0x69: {  	_ =	shalt  }
0x6a: {  	_ =	shalt  }
0x6b: {  	_ =	shalt  }
0x6c: {  	_ =	shalt  }
0x6d: {  	_ =	shalt  }
0x6e: {  	_ =	shalt  }
0x6f: {  	_ =	shalt  }
0x70: {  	_ =	shalt  }
0x71: {  	_ =	shalt  }
0x72: {  	_ =	shalt  }
0x73: {  	_ =	shalt  }
0x74: {  	_ =	shalt  }
0x75: {  	_ =	shalt  }
0x76: {  	_ =	shalt  }
0x77: {  	_ =	shalt  }
0x78: {  	_ =	shalt  }
0x79: {  	_ =	shalt  }
0x7a: {  	_ =	shalt  }
0x7b: {  	_ =	shalt  }
0x7c: {  	_ =	shalt  }
0x7d: {  	_ =	shalt  }
0x7e: {  	_ =	shalt  }
0x7f: {  	_ =	shalt  }
0x80: {  	_ =	shalt  }
0x81: {  	_ =	shalt  }
0x82: {  	_ =	shalt  }
0x83: {  	_ =	shalt  }
0x84: {  	_ =	shalt  }
0x85: {  	_ =	shalt  }
0x86: {  	_ =	shalt  }
0x87: {  	_ =	shalt  }
.Lfunc_end0:
.L_simem_size_0:
called_computation_lowered:
.L_overlay_start_0:
0x88: {  	s2 =	sld [smem:$0x3FD9]  }
0x89: {  	s3 =	sld [smem:$0x3FFE];
	_ =	sdelay $0x1  }
0x8a: {  	s1 =	srdreg.scid  }
0x8b: {  	s0 =	sand.u32 $0x1, s1  }
0x8c: {  	s16 =	sshll.u32 s0, $0xA;
	s2 =	sadd.s32 s3, s2  }
0x8d: {  	s2 =	sadd.s32 s2, s16  }
0x8e: {  	[smem:$0x3FC0] =	sst s2  }
0x8f: {  	_ = 	snop  }
0x90: {  	(tm) =	ssettm $0x1  }
0x91: {  	s17 =	sld [smem:$0x3FFB];
	_ =	sdelay $0x3  }
0x92: {  	_ =	strace s17  }
0x93: {  	s2 =	sld [smem:$0x3FFC];
	_ =	sdelay $0x3  }
0x94: {  	_ =	strace s2  }
0x95: {  	s2 =	sld [smem:$0x3FFD];
	_ =	sdelay $0x3  }
0x96: {  	_ =	strace s2  }
0x97: {  	_ =	strace $0x8FFFFFFF  }
0x98: {  	s18 =	sld [smem:$0x3FDB];
	_ =	sdelay $0x1  }
0x99: {  	s19 =	simm.s32 $_scs_section_size  }
0x9a: {  	s4 =	simm.s32 $_size__tile_overlayer_lowered;
	s5 =	simm.s32 $_tile_overlayer_lowered  }
0x9b: {  	s22 =	simm.s32 $0x1BFF;
	s21 =	sshll.u32 s5, $0x1;
	s2 =	sadd.s32 s19, s18  }
0x9c: {  	s6 =	simm.s32 $0x0;
	s20 =	sshll.u32 s4, $0x1;
	s4 =	sadd.s32 s21, s2  }
0x9d: {  	[timem:s6], [sflag:s22] =	dma.local [hbm:s4], s20  }
0x9e: {  	_ =	swait.ge [sflag:s22], s20  }
0x9f: {  	s3 =	ssub.s32 $0x0, s20;
	[sflag:s22] =	ssyncset.done $0x0  }
0xa0: {  	[sflag:s22] =	ssyncadd.s32 s3;
	_ =	sdelay $0x1  }
0xa1: {  	s23 =	simm.s32 $0x1B8B  }
0xa2: {  	_ =	swait.ge [sflag:s23], $0x1  }
0xa3: {  	[sflag:s23] =	ssyncset.done $0x0  }
0xa4: {  	s25 =	simm.s32 $0x1B8E;
	s24 =	sld [smem:$0x3FFE];
	[sflag:s23] =	ssyncadd.s32 $0xFFFFFFFF  }
0xa5: {  	s26 =	simm.s32 $execute0_lowered;
	[smem:$0x3FD2] =	sst s25  }
0xa6: {  	s4 =	sshll.u32 s26, $0x1;
	_ =	strace $0x80000046;
	[dreg:$0x1] =	wrdreg $0xFFFFFFFF  }
0xa7: {  	s28 =	simm.s32 $_size_execute0_lowered;
	s2 =	sadd.s32 s2, s4;
	[dreg:$0x0] =	wrdreg $0x0  }
0xa8: {  	s4 =	sshll.u32 s28, $0x1;
	[dreg:$0x2] =	wrdreg s2  }
0xa9: {  	[dreg:$0x3] =	wrdreg s4  }
0xaa: {  	[dreg:$0x4] =	wrdreg $0xC0  }
0xab: {  	_ =	task [dreg:s6], $0x5FFFF  }
0xac: {  	[dreg:$0x1] =	wrdreg $0xFFFFFFFF  }
0xad: {  	[dreg:$0x0] =	wrdreg $0x60  }
0xae: {  	[dreg:$0x2] =	wrdreg s24  }
0xaf: {  	[dreg:$0x3] =	wrdreg $0x7A800  }
0xb0: {  	[dreg:$0x4] =	wrdreg $0x9  }
0xb1: {  	_ =	task.clear_ibuf [dreg:s6], $0x5FFFF;
	_ =	strace $0x90000046  }
0xb2: {  	s29 =	simm.s32 $0x9;
	_ =	strace $0x80000048  }
0xb3: {  	_ =	swait.ge [sflag:s29], $0x1  }
0xb4: {  	[sflag:s29] =	ssyncadd.s32 $0xFFFFFFFF  }
0xb5: {  	_ =	strace $0x90000048  }
0xb6: {  	_ =	sfence  }
0xb7: {  	s30 =	sld [smem:$0x0];
	_ =	sdelay $0x2  }
0xb8: {  	s31 =	sshll.u32 s1, $0xD;
	s1 =	sshrl.u32 s1, $0x2  }
0xb9: {  	s3 =	sand.u32 $0x4000, s31;
	s1 =	sadd.s32 s1, s30  }
0xba: {  	s0 =	sor.u32 s3, s0;
	s1 =	sshll.u32 s1, $0x11  }
0xbb: {  	s0 =	sor.u32 s1, s0  }
0xbc: {  	s0 =	sadd.s32 $0x8F2B, s0  }
0xbd: {  	[sflag:s0] =	ssyncadd.remote.s32 $0x1  }
0xbe: {  	_ =	sfence.sel $0xFFFF  }
0xbf: {  	[dreg:$0x0] =	wrdreg $0xFFFFFFFF;
	(pc) =	sbr.abs _section_cstart, $3  }
0xc0: {  	[dreg:$0x1] =	wrdreg $0xFFFFFFFF  }
0xc1: {  	_ =	task.clear_ibuf [dreg:s6], $0x2FFFF;
	_ =	strace $0x9FFFFFFF  }
0xc2: {  	(tm) =	ssettm $0x7FFFFFFF  }
0xc3: {  	_ =	shalt  }
tec
execute0_lowered:
.L_overlay_start_1:
0x0: {  	(tag) =	ssettag $0x1  }
0x1: {  	v0 =	vimm.s32 $0xEDCBA987;
	s4 =	rddreg [dreg:$0x0]  }
0x2: {  	s0 =	srdreg.scid;
	v1 =	vimm.s32 $0x65432100;
	s5 =	rddreg [dreg:$0x1];
	v2 =	vimm.s32 $0x54321000;
	v3 =	vimm.s32 $0xDCBA9876  }
0x3: {  	s2 =	simm.s32 $0x0;
	v4 =	vimm.s32 $0xBA987654;
	v5 =	vimm.s32 $0x32100000;
	v7 =	vimm.s32 $0x7060504;
	s11 =	simm.s32 $0x400;
	s12 =	simm.s32 $0x2  }
0x4: {  	v6 =	vimm.s32 $0xE40000;
	vm0 =	vcmask $0x3F30;
	s13 =	simm.s32 $0x1400;
	s14 =	simm.s32 $0x14000;
	s15 =	simm.s32 $0x5000;
	vm1 =	vmmov $0xf  }
0x5: {  	s16 =	simm.s32 $0x100;
	s17 =	simm.s32 $0x7800;
	s18 =	simm.s32 $0x0;
	v0 =	vunpack.c.l.s4.s8 v0;
	v3 =	vunpack.c.l.s4.s8 v3;
	v4 =	vunpack.c.l.s4.s8 v4  }
0x6: {  	s3 =	sand.u32 $0x1, s0;
	v1 =	vunpack.c.l.s4.s8 v1;
	s0 =	stileid.u32;
	[smem:$0x7FF] =	sst s2;
	v2 =	vunpack.c.l.s4.s8 v2;
	v5 =	vunpack.c.l.s4.s8 v5  }
0x7: {  	v6 =	vunpack.c.l.s2.s4 v6;
	s1 =	sshll.u32 s3, $0x4;
	s7 =	smul.u32 $0x500, s0;
	s8 =	sshll.u32 s3, $0x7;
	v3 =	vunpack.c.0.s8.s32 v3;
	v4 =	vunpack.c.0.s8.s32 v4  }
0x8: {  	s3 =	ssub.s32 $0x2, s3;
	s29 =	sshrl.u32 s0, $0x3;
	s30 =	smul.u32 $0x5000, s0;
	v0 =	vunpack.c.0.s8.s32 v0;
	v2 =	vunpack.c.0.s8.s32 v2;
	v5 =	vunpack.c.0.s8.s32 v5  }
0x9: {  	s31 =	sshll.u32 s0, $0x7;
	s6 =	sor.u32 s0, s1;
	s1 =	rddreg [dreg:$0x2];
	v6 =	vunpack.c.l.s4.s8 v6;
	v3 =	vand.u32 $0xF, v3;
	v4 =	vand.u32 $0xF, v4  }
0xa: {  	v1 =	vunpack.c.0.s8.s32 v1;
	_ =	strace $0x80000047;
	s9 =	sshrl.u32 s3, $0x1;
	s6 =	smul.u32 $0x500, s6;
	v2 =	vcombine.low v2, v3;
	v3 =	vcombine.low v5, v4  }
0xb: {  	s7 =	sor.u32 s8, s7;
	s8 =	smul.u32 $0x50000, s29;
	s9 =	ssub.s32 s3, s9;
	v5 =	vunpack.c.0.s8.s32 v6;
	v4 =	vimm.s32 $0xFFEDCBA9;
	v6 =	vimm.s32 $0x87654321  }
0xc: {  	s10 =	sshrl.u32 s30, $0x2;
	v0 =	vand.u32 $0xF, v0;
	s7 =	sshrl.u32 s7, $0x3;
	s6 =	sadd.s32 s6, s4;
	v8 =	vunpack.c.l.s4.s8 v4;
	v6 =	vunpack.c.l.s4.s8 v6  }
0xd: {  	vm2 =	vmmov $0xff;
	v7 =	vunpack.c.0.s8.s32 v7;
	v0 =	vcombine.low v1, v0;
	s7 =	sadd.s32 s7, s4;
	s8 =	sshrl.u32 s8, $0x2;
	s3 =	sadd.s32 $0x3A00, s6  }
0xe: {  	s6 =	sand.u32 $0x380, s31;
	s8 =	sadd.s32 s8, s5;
	s5 =	sadd.s32 s10, s5;
	v5 =	vand.u32 $0x3, v5;
	v8 =	vunpack.c.0.s8.s32 v8;
	v9 =	vunpack.c.0.s8.s32 v6  }
0xf: {  	v1 =	vimm.f32 $0.0e+00;
	v4 =	vimm.f32 $1.000000000e+00;
	s10 =	simm.s32 $0x80;
	s4 =	sadd.s32 s6, s8;
	s6 =	sadd.s32 $0x17A00, s7;
	v5 =	vsel vm0, v7, v5  }
0x10: {  	s7 =	smax.u32 s9, $0x1;
	s8 =	simm.s32 $0x1;
	s9 =	simm.s32 $0x2800;
	v6 =	vlaneseq.u32;
	vm0 =	vmmov $0x3;
	v7 =	vcombine.low v9, v8  }
.LBB2_1:
0x11: {  	[tilespmem:s2], [sflag:$0x1] =	stream.linear.gather [hbm4b:s3+s2], $0x2800, $0x38;
	[tilespmem:$0xA280] =	vst v63  }
0x12: {  	s19 =	simm.s32 $0x40;
	s20 =	simm.s32 $0x0  }
.LBB2_2:
0x13: {  	p0 =	sne.s32 s19, $0x9FC0;
	[tilespmem:s20+$0x2800] =	vst v1;
	s20 =	smov.u32 s19;
	s19 =	sadd.s32 $0x40, s19  }
.Ltmp0:
0x14: {  	(pc) =	sbr.rel @p0 .LBB2_2-.Ltmp0, $2  }
0x15: {  	_ =	sdelay $0x2  }
0x16: {  	s20 =	sshra.s32 s20, $0x2  }
0x17: {  	[tilespmem:s20+$0x2800] =	vst v1  }
0x18: {  	_ =	swait.ge [sflag:s8], $0x2800  }
0x19: {  	[sflag:s8] =	ssyncset.done $0x0  }
0x1a: {  	s19 =	simm.s32 $0x0;
	s20 =	simm.s32 $0x0;
	[sflag:s8] =	ssyncadd.s32 $0xFFFFD800  }
.LBB2_4:
0x1b: {  	v8 =	vmov s19;
	_ =	sdelay $0x3  }
0x1c: {  	s22 =	simm.s32 $0x0;
	s21 =	simm.s32 $0x40  }
.LBB2_5:
0x1d: {  	p0 =	sne.s32 s21, $0x1C0;
	v9 =	vld.idx.msk [tilespmem:v8+s22+$0x0 ss:$0x1], $0xffff;
	_ =	sdelay $0x5  }
0x1e: {  	v9 =	vxor.u32 $0x80000000, v9  }
0x1f: {  	(xrf1) =	vsort.ascd.msk.u32 $0xffff, v9, v4;
	_ =	sdelay $0xd  }
0x20: {  	v9, v10, _ =	vpop (xrf1)  }
0x21: {  	v9 =	vxor.u32 $0x80000000, v9  }
0x22: {  	v11 =	vperm.xlane v9, v0  }
0x23: {  	vm3 =	veq.s32 v6, $0x0;
	v12 =	vperm.xlane v10, v0  }
0x24: {  	v11 =	vsel vm3, $0xFFFFFFFF, v11  }
0x25: {  	v12 =	vsel vm3, $0x0, v12;
	vm4 =	veq.s32 v9, v11  }
0x26: {  	v11 =	vnsel vm4, $0x0, v12  }
0x27: {  	v10 =	vadd.f32 v11, v10  }
0x28: {  	v11 =	vperm.xlane v9, v2  }
0x29: {  	v12 =	vperm.xlane v10, v2  }
0x2a: {  	v11 =	vsel vm0, $0xFFFFFFFF, v11  }
0x2b: {  	vm4 =	veq.s32 v9, v11;
	v12 =	vsel vm0, $0x0, v12  }
0x2c: {  	v11 =	vnsel vm4, $0x0, v12  }
0x2d: {  	v10 =	vadd.f32 v10, v11  }
0x2e: {  	v11 =	vperm.xlane v9, v3  }
0x2f: {  	v12 =	vperm.xlane v10, v3  }
0x30: {  	v11 =	vsel vm1, $0xFFFFFFFF, v11  }
0x31: {  	vm4 =	veq.s32 v9, v11;
	v12 =	vsel vm1, $0x0, v12  }
0x32: {  	v11 =	vnsel vm4, $0x0, v12;
	v12 =	vperm.xlane v9, v7  }
0x33: {  	vm4 =	veq.s32 v6, $0xF;
	v10 =	vadd.f32 v11, v10  }
0x34: {  	v11 =	vperm.xlane v9, v5;
	v12 =	vsel vm4, $0xFFFFFFFE, v12  }
0x35: {  	v13 =	vperm.xlane v10, v5;
	vm5 =	vne.s32 v12, v9  }
0x36: {  	v11 =	vsel vm2, $0xFFFFFFFF, v11  }
.Ltmp1:
0x37: {  	vm6 =	veq.s32 v9, v11;
	v12 =	vsel vm2, $0x0, v13;
	(pc) =	sbr.rel @p0 .LBB2_5-.Ltmp1, $3  }
0x38: {  	v11 =	vnsel vm6, $0x0, v12  }
0x39: {  	v10 =	vadd.f32 v11, v10;
	_ =	sdelay $0x1  }
0x3a: {  	s22 =	sshra.s32 s21, $0x2;
	s21 =	sadd.s32 $0x40, s21;
	[tilespmem:v9+s9+$0x0] =	vst.idx.add.f32.msk vm5, v10  }
0x3b: {  	_ =	sdelay $0x3  }
0x3c: {  	v8 =	vld.idx.msk [tilespmem:v8+s22+$0x0 ss:$0x1], $0xffff;
	_ =	sdelay $0x4  }
0x3d: {  	v8 =	vxor.u32 $0x80000000, v8  }
0x3e: {  	(xrf1) =	vsort.ascd.msk.u32 $0xffff, v8, v4;
	_ =	sdelay $0xd  }
0x3f: {  	v8, v9, _ =	vpop (xrf1)  }
0x40: {  	v8 =	vxor.u32 $0x80000000, v8  }
0x41: {  	v10 =	vperm.xlane v8, v0  }
0x42: {  	v11 =	vperm.xlane v9, v0  }
0x43: {  	v10 =	vsel vm3, $0xFFFFFFFF, v10  }
0x44: {  	v11 =	vsel vm3, $0x0, v11;
	vm3 =	veq.s32 v8, v10  }
0x45: {  	v10 =	vnsel vm3, $0x0, v11  }
0x46: {  	v9 =	vadd.f32 v10, v9  }
0x47: {  	v57 =	vperm.xlane v8, v2  }
0x48: {  	v58 =	vperm.xlane v9, v2  }
0x49: {  	v10 =	vsel vm0, $0xFFFFFFFF, v57  }
0x4a: {  	vm3 =	veq.s32 v8, v10;
	v11 =	vsel vm0, $0x0, v58  }
0x4b: {  	v10 =	vnsel vm3, $0x0, v11  }
0x4c: {  	v9 =	vadd.f32 v9, v10  }
0x4d: {  	v59 =	vperm.xlane v8, v3  }
0x4e: {  	v60 =	vperm.xlane v9, v3  }
0x4f: {  	v10 =	vsel vm1, $0xFFFFFFFF, v59  }
0x50: {  	vm3 =	veq.s32 v8, v10;
	v11 =	vsel vm1, $0x0, v60  }
0x51: {  	v61 =	vperm.xlane v8, v7;
	v10 =	vnsel vm3, $0x0, v11  }
0x52: {  	v9 =	vadd.f32 v10, v9  }
0x53: {  	v62 =	vperm.xlane v8, v5;
	v11 =	vsel vm4, $0xFFFFFFFE, v61  }
0x54: {  	s20 =	sadd.s32 $0x1, s20;
	vm3 =	vne.s32 v11, v8;
	v12 =	vperm.xlane v9, v5  }
0x55: {  	p0 =	sne.s32 s20, $0x50;
	v10 =	vsel vm2, $0xFFFFFFFF, v62  }
.Ltmp2:
0x56: {  	vm15 =	veq.s32 v8, v10;
	v63 =	vsel vm2, $0x0, v12;
	(pc) =	sbr.rel @p0 .LBB2_4-.Ltmp2, $3  }
0x57: {  	v10 =	vnsel vm15, $0x0, v63  }
0x58: {  	v9 =	vadd.f32 v10, v9;
	_ =	sdelay $0x1  }
0x59: {  	s19 =	sadd.s32 $0x80, s19;
	[tilespmem:v8+s9+$0x0] =	vst.idx.add.f32.msk vm3, v9  }
0x5a: {  	[spmem:s4] =	stream.strided.scatter [tilespmem:s9], [sflag:$0x2], $0x2800, s11, s10, $0x38;
	[tilespmem:$0xA280] =	vst v63  }
0x5b: {  	_ =	swait.ge [sflag:s12], $0x2800  }
0x5c: {  	[sflag:s12] =	ssyncset.done $0x0  }
0x5d: {  	[sflag:s12] =	ssyncadd.s32 $0xFFFFD800  }
0x5e: {  	[bflag:$0x0] =	sbarrier.arrive $0xFFFF  }
0x5f: {  	[tilespmem:s15], [sflag:$0x2] =	stream.strided.gather [spmem:s5], $0x2800, s14, s13, $0x38;
	[tilespmem:$0xA280] =	vst v63  }
0x60: {  	s19 =	simm.s32 $0x0;
	_ =	swait.ge [sflag:s12], $0x2800  }
0x61: {  	s20 =	sand.u32 $0x70, s19;
	s19 =	sand.u32 $0x1C00, s19;
	[sflag:s12] =	ssyncset.done $0x0  }
0x62: {  	s19 =	sor.u32 s20, s19;
	[sflag:s12] =	ssyncadd.s32 $0xFFFFD800  }
0x63: {  	v8 =	vld [tilespmem:s19+$0x5000];
	_ =	sdelay $0x1  }
0x64: {  	v9 =	vld [tilespmem:s19+$0x5080];
	_ =	sdelay $0x1  }
0x65: {  	v10 =	vld [tilespmem:s19+$0x5100]  }
0x66: {  	v8 =	vadd.f32 $0.0e+00, v8  }
0x67: {  	v11 =	vld [tilespmem:s19+$0x5180]  }
0x68: {  	v8 =	vadd.f32 v9, v8  }
0x69: {  	v9 =	vld [tilespmem:s19+$0x5200]  }
0x6a: {  	v8 =	vadd.f32 v10, v8  }
0x6b: {  	v10 =	vld [tilespmem:s19+$0x5280]  }
0x6c: {  	v8 =	vadd.f32 v11, v8  }
0x6d: {  	v11 =	vld [tilespmem:s19+$0x5300]  }
0x6e: {  	v8 =	vadd.f32 v9, v8  }
0x6f: {  	v9 =	vld [tilespmem:s19+$0x5380]  }
0x70: {  	v8 =	vadd.f32 v10, v8  }
0x71: {  	v10 =	vld [tilespmem:s19+$0x6400]  }
0x72: {  	v8 =	vadd.f32 v11, v8  }
0x73: {  	v11 =	vld [tilespmem:s19+$0x6480]  }
0x74: {  	v8 =	vadd.f32 v9, v8  }
0x75: {  	v9 =	vld [tilespmem:s19+$0x6500]  }
0x76: {  	v8 =	vadd.f32 v10, v8  }
0x77: {  	v10 =	vld [tilespmem:s19+$0x6580]  }
0x78: {  	v8 =	vadd.f32 v11, v8  }
0x79: {  	v11 =	vld [tilespmem:s19+$0x6600]  }
0x7a: {  	v8 =	vadd.f32 v9, v8  }
0x7b: {  	v9 =	vld [tilespmem:s19+$0x6680]  }
0x7c: {  	v8 =	vadd.f32 v10, v8  }
0x7d: {  	v10 =	vld [tilespmem:s19+$0x6700]  }
0x7e: {  	v8 =	vadd.f32 v11, v8  }
0x7f: {  	v11 =	vld [tilespmem:s19+$0x6780]  }
0x80: {  	v8 =	vadd.f32 v9, v8;
	_ =	sdelay $0x1  }
0x81: {  	v8 =	vadd.f32 v10, v8  }
0x82: {  	s21 =	simm.s32 $0x10  }
0x83: {  	s22 =	sand.u32 $0x70, s21;
	s20 =	simm.s32 $0x80;
	v8 =	vadd.f32 v11, v8  }
0x84: {  	s21 =	simm.s32 $0x20;
	s23 =	sand.u32 $0x1C00, s20;
	s19 =	simm.s32 $0x7800  }
.LBB2_8:
0x85: {  	p0 =	sne.s32 s21, $0x270;
	s22 =	sor.u32 s22, s23;
	[tilespmem:s19+$0x0] =	vst v8  }
0x86: {  	v8 =	vld [tilespmem:s22+$0x5000];
	_ =	sdelay $0x1  }
0x87: {  	v9 =	vld [tilespmem:s22+$0x5080];
	_ =	sdelay $0x1  }
0x88: {  	v10 =	vld [tilespmem:s22+$0x5100]  }
0x89: {  	v8 =	vadd.f32 $0.0e+00, v8  }
0x8a: {  	v11 =	vld [tilespmem:s22+$0x5180]  }
0x8b: {  	v8 =	vadd.f32 v9, v8  }
0x8c: {  	v9 =	vld [tilespmem:s22+$0x5200]  }
0x8d: {  	v8 =	vadd.f32 v10, v8  }
0x8e: {  	v10 =	vld [tilespmem:s22+$0x5280]  }
0x8f: {  	v8 =	vadd.f32 v11, v8  }
0x90: {  	v11 =	vld [tilespmem:s22+$0x5300]  }
0x91: {  	v8 =	vadd.f32 v9, v8  }
0x92: {  	v9 =	vld [tilespmem:s22+$0x5380]  }
0x93: {  	v8 =	vadd.f32 v10, v8  }
0x94: {  	v10 =	vld [tilespmem:s22+$0x6400]  }
0x95: {  	v8 =	vadd.f32 v11, v8  }
0x96: {  	v11 =	vld [tilespmem:s22+$0x6480]  }
0x97: {  	v8 =	vadd.f32 v9, v8  }
0x98: {  	v9 =	vld [tilespmem:s22+$0x6500]  }
0x99: {  	v8 =	vadd.f32 v10, v8  }
0x9a: {  	v10 =	vld [tilespmem:s22+$0x6580]  }
0x9b: {  	v8 =	vadd.f32 v11, v8  }
0x9c: {  	v11 =	vld [tilespmem:s22+$0x6600]  }
0x9d: {  	v8 =	vadd.f32 v9, v8  }
0x9e: {  	v9 =	vld [tilespmem:s22+$0x6680]  }
0x9f: {  	v8 =	vadd.f32 v10, v8  }
0xa0: {  	v10 =	vld [tilespmem:s22+$0x6700]  }
0xa1: {  	v8 =	vadd.f32 v11, v8  }
0xa2: {  	v11 =	vld [tilespmem:s22+$0x6780]  }
0xa3: {  	v8 =	vadd.f32 v9, v8  }
.Ltmp3:
0xa4: {  	(pc) =	sbr.rel @p0 .LBB2_8-.Ltmp3, $3  }
0xa5: {  	v8 =	vadd.f32 v10, v8;
	_ =	sdelay $0x1  }
0xa6: {  	s20 =	sadd.s32 $0x80, s20;
	s19 =	sadd.s32 $0x10, s19;
	v8 =	vadd.f32 v11, v8  }
0xa7: {  	s23 =	sand.u32 $0x1C00, s20;
	s22 =	sand.u32 $0x70, s21;
	s21 =	sadd.s32 $0x10, s21  }
0xa8: {  	s20 =	sor.u32 s22, s23;
	[tilespmem:s19+$0x0] =	vst v8  }
0xa9: {  	v8 =	vld [tilespmem:s20+$0x5000];
	_ =	sdelay $0x1  }
0xaa: {  	v9 =	vld [tilespmem:s20+$0x5080];
	_ =	sdelay $0x1  }
0xab: {  	v10 =	vld [tilespmem:s20+$0x5100]  }
0xac: {  	v8 =	vadd.f32 $0.0e+00, v8  }
0xad: {  	v11 =	vld [tilespmem:s20+$0x5180]  }
0xae: {  	v8 =	vadd.f32 v9, v8  }
0xaf: {  	v52 =	vld [tilespmem:s20+$0x5200]  }
0xb0: {  	v8 =	vadd.f32 v10, v8  }
0xb1: {  	v53 =	vld [tilespmem:s20+$0x5280]  }
0xb2: {  	v8 =	vadd.f32 v11, v8  }
0xb3: {  	v54 =	vld [tilespmem:s20+$0x5300]  }
0xb4: {  	v8 =	vadd.f32 v52, v8  }
0xb5: {  	v55 =	vld [tilespmem:s20+$0x5380]  }
0xb6: {  	v8 =	vadd.f32 v53, v8  }
0xb7: {  	v56 =	vld [tilespmem:s20+$0x6400]  }
0xb8: {  	v8 =	vadd.f32 v54, v8  }
0xb9: {  	v57 =	vld [tilespmem:s20+$0x6480]  }
0xba: {  	v8 =	vadd.f32 v55, v8  }
0xbb: {  	v58 =	vld [tilespmem:s20+$0x6500]  }
0xbc: {  	v8 =	vadd.f32 v56, v8  }
0xbd: {  	v59 =	vld [tilespmem:s20+$0x6580]  }
0xbe: {  	v8 =	vadd.f32 v57, v8  }
0xbf: {  	v60 =	vld [tilespmem:s20+$0x6600]  }
0xc0: {  	v8 =	vadd.f32 v58, v8  }
0xc1: {  	v61 =	vld [tilespmem:s20+$0x6680]  }
0xc2: {  	v8 =	vadd.f32 v59, v8  }
0xc3: {  	v62 =	vld [tilespmem:s20+$0x6700]  }
0xc4: {  	v8 =	vadd.f32 v60, v8  }
0xc5: {  	v63 =	vld [tilespmem:s20+$0x6780]  }
0xc6: {  	v8 =	vadd.f32 v61, v8;
	_ =	sdelay $0x1  }
0xc7: {  	v8 =	vadd.f32 v62, v8;
	_ =	sdelay $0x1  }
0xc8: {  	s18 =	sadd.s32 $0x1, s18;
	v8 =	vadd.f32 v63, v8  }
0xc9: {  	s31 =	sadd.s32 $0x10, s19;
	p0 =	sne.s32 s18, s7  }
.Ltmp4:
0xca: {  	[tilespmem:s31+$0x0] =	vst v8;
	(pc) =	sbr.rel @p0 .LBB2_1-.Ltmp4, $4  }
0xcb: {  	[hbm4b:s6+s10] =	stream.strided.scatter [tilespmem:s17], [sflag:$0x2], $0x280, s16, s10, $0x38;
	[tilespmem:$0xA280] =	vst v63  }
0xcc: {  	_ =	swait.ge [sflag:s12], $0x280  }
0xcd: {  	[sflag:s12] =	ssyncset.done $0x0  }
0xce: {  	[sflag:s12] =	ssyncadd.s32 $0xFFFFFD80  }
0xcf: {  	_ =	sfence.sel $0x180000  }
0xd0: {  	[bflag:$0x0] =	sbarrier.arrive $0xFFFF  }
0xd1: {  	p0 =	sne.s32 s0, $0x0;
	_ =	strace $0x90000047  }
0xd2: {  	s0 =	sadd.s32 @!p0 $0x100000, s1;
	[bflag:$0x2] =	sbarrier.arrive $0xFFFF  }
0xd3: {  	[sflag:s0] =	ssyncadd.tile.s32 @!p0 $0x1;
	_ =	shalt  }
.Lfunc_end2:
_tile_overlayer_lowered:
.L_overlay_start_2:
0xd4: {  	(tag) =	ssettag $0x2  }
0xd5: {  	s0 =	rddreg [dreg:$0x0];
	s2 =	stileid.u32  }
0xd6: {  	s1 =	rddreg [dreg:$0x1];
	p0 =	sne.s32 s2, $0x0  }
0xd7: {  	s3 =	rddreg [dreg:$0x2];
	[bflag:$0x3] =	sbarrier.arrive $0xFFFF;
	s2 =	simm.s32 @!p0 $0x1C02  }
0xd8: {  	[timem:s3], [sflag:s2] =	dma.local @!p0 [hbm:s0], s1  }
0xd9: {  	s0 =	simm.s32 @!p0 $0x2  }
0xda: {  	_ =	swait.ge @!p0 [sflag:s0], s1  }
0xdb: {  	s1 =	ssub.s32 @!p0 $0x0, s1;
	[sflag:s0] =	ssyncset.done @!p0 $0x0  }
0xdc: {  	[sflag:s0] =	ssyncadd.s32 @!p0 s1  }
0xdd: {  	[bflag:$0x3] =	sbarrier.arrive $0xFFFF  }
0xde: {  	_ =	shalt  }

</sc_bundles>
